<compile_context>
chip_gen: v7x
topology: tpu7x:2x2x1
jax: 0.10.2.dev20260603
libtpu: 0.0.44.dev20260713+nightly
codegen_flags: <defaults>
</compile_context>

<pallas_src>
import functools

import jax
import jax.numpy as jnp
from jax import lax
from jax.experimental import pallas as pl
from jax.experimental.pallas import tpu as pltpu
from jax.experimental.pallas import tpu_sc as plsc

N = 10000
D_IN = 128
D_HID = 128
D_EMB = 64
E = 320000

NC = 2
NS = 16
NW = NC * NS
K = 40
EPW = E // NW
NCHUNK = EPW // K
NPAD = 10240
RPT = NPAD // NS
ZROWS = RPT
D = 128


NBUF = 5
NT = NCHUNK // NBUF


def _make_sc_agg(with_deg):
    mesh = plsc.VectorSubcoreMesh(core_axis_name="c", subcore_axis_name="s")

    out_type = [jax.ShapeDtypeStruct((NC, NPAD, D), jnp.float32)]
    scratch = [pltpu.VMEM((NBUF * K,), jnp.int32) for _ in range(4)]
    scratch += [pltpu.VMEM((K,), jnp.int32) for _ in range(NBUF)]
    scratch += [pltpu.VMEM((K, D), jnp.float32) for _ in range(NBUF)]
    scratch += [pltpu.SemaphoreType.DMA, pltpu.SemaphoreType.DMA,
                pltpu.SemaphoreType.DMA,
                pltpu.VMEM_SHARED((NPAD, D), jnp.float32)]
    if with_deg:
        out_type.append(jax.ShapeDtypeStruct((NW, NPAD), jnp.float32))
        scratch.append(pltpu.VMEM((NPAD,), jnp.float32))

    @functools.partial(
        pl.kernel, mesh=mesh, out_type=out_type, scratch_types=scratch,
        compiler_params=pltpu.CompilerParams(needs_layout_passes=False))
    def agg(*refs):
        if with_deg:
            (y_hbm, src_hbm, dst_hbm, zero_hbm, out_hbm, deg_hbm,
             src_a, dst_a, src_b, dst_b, *rest,
             sem_i, sem_g, sem_s, acc_sh, deg_v) = refs
        else:
            (y_hbm, src_hbm, dst_hbm, zero_hbm, out_hbm,
             src_a, dst_a, src_b, dst_b, *rest,
             sem_i, sem_g, sem_s, acc_sh) = refs
        dstb = rest[:NBUF]
        rows = rest[NBUF:]
        c = lax.axis_index("c")
        s = lax.axis_index("s")
        wid = c * NS + s

        pltpu.sync_copy(zero_hbm, acc_sh.at[pl.ds(s * RPT, RPT)])
        if with_deg:
            def zdeg(i, carry):
                deg_v[pl.ds(i * 16, 16)] = jnp.zeros((16,), jnp.float32)
                return carry
            lax.fori_loop(0, NPAD // 16, zdeg, 0)
        plsc.subcore_barrier()

        ones16 = jnp.ones((16,), jnp.float32)

        def idx_copies(t, sb, db):
            sl = pl.ds(wid * EPW + t * (NBUF * K), NBUF * K)
            return (pltpu.make_async_copy(src_hbm.at[sl], sb, sem_i),
                    pltpu.make_async_copy(dst_hbm.at[sl], db, sem_i))

        tailmask = lax.iota(jnp.int32, 16) >= ((K // 16) * 16 - (K - 16))

        def hist(db):
            for b in range(NBUF):
                for j in range(K // 16):
                    idx16 = db[pl.ds(b * K + j * 16, 16)]
                    plsc.addupdate_scatter(deg_v, [idx16], ones16)
                idx16 = db[pl.ds(b * K + K - 16, 16)]
                plsc.addupdate_scatter(deg_v, [idx16], ones16, mask=tailmask)

        def drain_scatters():
            for b in range(NBUF):
                pltpu.make_async_copy(rows[b], acc_sh.at[dstb[b]],
                                      sem_s).wait()

        def process(sb, db):
            for b in range(NBUF):
                for off in list(range(0, K - 16, 16)) + [K - 16]:
                    dstb[b][pl.ds(off, 16)] = db[pl.ds(b * K + off, 16)]
            gs = [pltpu.async_copy(y_hbm.at[sb.at[pl.ds(b * K, K)]],
                                   rows[b], sem_g)
                  for b in range(NBUF)]
            if with_deg:
                hist(db)
            for b in range(NBUF):
                gs[b].wait()
                pltpu.async_copy(rows[b], acc_sh.at[dstb[b]],
                                 sem_s, add=True)

        for h in idx_copies(0, src_a, dst_a):
            h.start()

        def body(u, carry):
            t0 = 2 * u
            for h in idx_copies(t0, src_a, dst_a):
                h.wait()
            nxt = idx_copies(t0 + 1, src_b, dst_b)
            for h in nxt:
                h.start()

            @pl.when(u > 0)
            def _():
                drain_scatters()

            process(src_a, dst_a)
            for h in nxt:
                h.wait()

            @pl.when(u < NT // 2 - 1)
            def _():
                for h in idx_copies(t0 + 2, src_a, dst_a):
                    h.start()

            drain_scatters()
            process(src_b, dst_b)
            return carry

        lax.fori_loop(0, NT // 2, body, 0)
        drain_scatters()
        plsc.subcore_barrier()

        r0 = s * RPT
        pltpu.async_copy(acc_sh.at[pl.ds(r0, RPT)],
                         out_hbm.at[c, pl.ds(r0, RPT)], sem_s).wait()
        if with_deg:
            pltpu.sync_copy(deg_v, deg_hbm.at[wid])

    return agg


_sc_agg_deg = _make_sc_agg(True)
_sc_agg = _make_sc_agg(False)


def _tc_y1(x, wl):
    def body(x_ref, w_ref, o_ref):
        o_ref[...] = jnp.dot(x_ref[...], w_ref[...],
                             preferred_element_type=jnp.float32)

    return pl.pallas_call(
        body,
        out_shape=jax.ShapeDtypeStruct((N, D_HID), jnp.float32),
    )(x, wl)


def _tc_combine1(acc, deg, x, wr, b, wl2):
    def body(acc_ref, deg_ref, x_ref, wr_ref, b_ref, wl2_ref,
             h_ref, y_ref, inv_ref):
        agg = acc_ref[0, :N, :] + acc_ref[1, :N, :]
        onesw = jnp.ones((NW, 1), jnp.float32)
        degcol = lax.dot_general(
            deg_ref[...], onesw, (((0,), (0,)), ((), ())),
            preferred_element_type=jnp.float32)
        inv = 1.0 / jnp.maximum(degcol[:N, :], 1.0)
        h = jnp.maximum(
            agg * inv + b_ref[...]
            + jnp.dot(x_ref[...], wr_ref[...],
                      preferred_element_type=jnp.float32),
            0.0)
        h_ref[...] = h
        y_ref[...] = jnp.dot(h, wl2_ref[...],
                             preferred_element_type=jnp.float32)
        inv_ref[...] = inv

    return pl.pallas_call(
        body,
        out_shape=(
            jax.ShapeDtypeStruct((N, D_HID), jnp.float32),
            jax.ShapeDtypeStruct((N, D_HID), jnp.float32),
            jax.ShapeDtypeStruct((N, 1), jnp.float32),
        ),
    )(acc, deg, x, wr, b, wl2)


def _tc_combine2(acc, inv, h, wr, b):
    def body(acc_ref, inv_ref, h_ref, wr_ref, b_ref, ho_ref):
        agg = acc_ref[0, :N, :] + acc_ref[1, :N, :]
        ho_ref[...] = jnp.maximum(
            agg * inv_ref[...] + b_ref[...]
            + jnp.dot(h_ref[...], wr_ref[...],
                      preferred_element_type=jnp.float32),
            0.0)

    return pl.pallas_call(
        body,
        out_shape=jax.ShapeDtypeStruct((N, D_HID), jnp.float32),
    )(acc, inv, h, wr, b)


def _tc_final(acc, inv, h, wl, wr, b):
    def body(acc_ref, inv_ref, h_ref, wl_ref, wr_ref, b_ref, o_ref):
        agg = acc_ref[0, :N, :] + acc_ref[1, :N, :]
        mean = agg * inv_ref[...]
        o_ref[...] = (
            jnp.dot(mean, wl_ref[...], preferred_element_type=jnp.float32)
            + b_ref[...]
            + jnp.dot(h_ref[...], wr_ref[...],
                      preferred_element_type=jnp.float32))

    return pl.pallas_call(
        body,
        out_shape=jax.ShapeDtypeStruct((N, D_EMB), jnp.float32),
    )(acc, inv, h, wl, wr, b)


def kernel(x, edge_index, W1l, b1, W1r, W2l, b2, W2r, W3l, b3, W3r):
    ei = edge_index.astype(jnp.int32)
    src3 = ei[0]
    dst3 = ei[1]
    zrows = jnp.zeros((ZROWS, D), jnp.float32)

    y1 = _tc_y1(x, W1l)
    acc1, deg = _sc_agg_deg(y1, src3, dst3, zrows)
    h1, y2, inv = _tc_combine1(acc1, deg, x, W1r, b1.reshape(1, -1), W2l)
    acc2, = _sc_agg(y2, src3, dst3, zrows)
    h2 = _tc_combine2(acc2, inv, h1, W2r, b2.reshape(1, -1))
    acc3, = _sc_agg(h2, src3, dst3, zrows)
    return _tc_final(acc3, inv, h2, W3l, W3r, b3.reshape(1, -1))

# --- scband reference (transcript-rebuilt; emitter-appended) ---
"""Pipeline reference for scband-embedding-extractor-25297357373570 (READ-ONLY COPY).

The authoritative reference and input builder live on the scoring server;
editing this copy changes nothing except your own understanding.
"""

import jax, jax.numpy as jnp
import numpy as np

N_NODES = 10000
N_EDGES = 320000
D_IN = 128
D_HID = 128
D_EMB = 64


def _glorot(key, shape):
    fan_in, fan_out = shape[0], shape[1]
    lim = float(np.sqrt(6.0 / (fan_in + fan_out)))
    return jax.random.uniform(key, shape, dtype=jnp.float32, minval=-lim, maxval=lim)


def setup_inputs(seed: int = 0) -> dict:
    key = jax.random.key(seed)
    ks = jax.random.split(key, 12)
    x = jax.random.normal(ks[0], (N_NODES, D_IN), dtype=jnp.float32)
    edge_index = jax.random.randint(ks[1], (2, N_EDGES), 0, N_NODES, dtype=jnp.int64)
    return {
        "x": x,
        "edge_index": edge_index,
        "W1l": _glorot(ks[2], (D_IN, D_HID)),
        "b1": jnp.zeros((D_HID,), dtype=jnp.float32),
        "W1r": _glorot(ks[3], (D_IN, D_HID)),
        "W2l": _glorot(ks[4], (D_HID, D_HID)),
        "b2": jnp.zeros((D_HID,), dtype=jnp.float32),
        "W2r": _glorot(ks[5], (D_HID, D_HID)),
        "W3l": _glorot(ks[6], (D_HID, D_EMB)),
        "b3": jnp.zeros((D_EMB,), dtype=jnp.float32),
        "W3r": _glorot(ks[7], (D_HID, D_EMB)),
    }


def _sage_conv(x, src, dst, Wl, b, Wr):
    # PyG SAGEConv with mean aggregation: out = lin_l(mean_{j in N(i)} x_j) + lin_r(x_i)
    msg = jnp.take(x, src, axis=0)                                   # gather [E, d]
    agg = jax.ops.segment_sum(msg, dst, num_segments=N_NODES)        # scatter-add
    deg = jax.ops.segment_sum(jnp.ones((src.shape[0],), dtype=x.dtype), dst, num_segments=N_NODES)
    agg = agg / jnp.maximum(deg, 1.0)[:, None]
    return agg @ Wl + b + x @ Wr


def reference(x, edge_index, W1l, b1, W1r, W2l, b2, W2r, W3l, b3, W3r):
    src = edge_index[0]
    dst = edge_index[1]
    h = jax.nn.relu(_sage_conv(x, src, dst, W1l, b1, W1r))
    # dropout is identity in eval mode
    h = jax.nn.relu(_sage_conv(h, src, dst, W2l, b2, W2r))
    h = _sage_conv(h, src, dst, W3l, b3, W3r)
    return h

if __name__ == "__main__":
    import jax
    _d = setup_inputs()
    print(jax.jit(kernel)(*tuple(_d.values())))

</pallas_src>

<mosaic_0001>
#map = affine_map<(d0, d1) -> (0, 0)>
#map1 = affine_map<(d0, d1) -> (0)>
#map2 = affine_map<(d0, d1) -> (0, 0, 0)>
module attributes {stable_mosaic.version = 14 : i64} {
  func.func @agg(%arg0: i32, %arg1: i32, %arg2: memref<10000x128xf32, #tpu.memory_space<hbm>>, %arg3: memref<320000xi32, #tpu.memory_space<hbm>>, %arg4: memref<320000xi32, #tpu.memory_space<hbm>>, %arg5: memref<640x128xf32, #tpu.memory_space<hbm>>, %arg6: memref<2x10240x128xf32, #tpu.memory_space<hbm>>, %arg7: memref<32x10240xf32, #tpu.memory_space<hbm>>, %arg8: memref<200xi32, #tpu.memory_space<vmem>>, %arg9: memref<200xi32, #tpu.memory_space<vmem>>, %arg10: memref<200xi32, #tpu.memory_space<vmem>>, %arg11: memref<200xi32, #tpu.memory_space<vmem>>, %arg12: memref<40xi32, #tpu.memory_space<vmem>>, %arg13: memref<40xi32, #tpu.memory_space<vmem>>, %arg14: memref<40xi32, #tpu.memory_space<vmem>>, %arg15: memref<40xi32, #tpu.memory_space<vmem>>, %arg16: memref<40xi32, #tpu.memory_space<vmem>>, %arg17: memref<40x128xf32, #tpu.memory_space<vmem>>, %arg18: memref<40x128xf32, #tpu.memory_space<vmem>>, %arg19: memref<40x128xf32, #tpu.memory_space<vmem>>, %arg20: memref<40x128xf32, #tpu.memory_space<vmem>>, %arg21: memref<40x128xf32, #tpu.memory_space<vmem>>, %arg22: memref<!tpu.dma_semaphore, #tpu.memory_space<semaphore_mem>>, %arg23: memref<!tpu.dma_semaphore, #tpu.memory_space<semaphore_mem>>, %arg24: memref<!tpu.dma_semaphore, #tpu.memory_space<semaphore_mem>>, %arg25: memref<10240x128xf32, #tpu.memory_space<vmem_shared>>, %arg26: memref<10240xf32, #tpu.memory_space<vmem>>) attributes {dimension_semantics = [#tpu.dimension_semantics<core_parallel>, #tpu.dimension_semantics<subcore_parallel>], iteration_bounds = array<i64: 2, 16>, scalar_prefetch = 0 : i64, scratch_operands = 19 : i64, tpu.core_type = #tpu.core_type<sc_vector_subcore>, window_params = [{transform_indices = #map}, {transform_indices = #map1}, {transform_indices = #map1}, {transform_indices = #map}, {transform_indices = #map2}, {transform_indices = #map}]} {
    %mul3A = arith.constant 16 : i32
    %mul3A_0 = arith.muli %arg0, %mul3A : i32
    %add3A = arith.addi %mul3A_0, %arg1 : i32
    %mul3A_1 = arith.constant 640 : i32
    %mul3A_2 = arith.muli %arg1, %mul3A_1 : i32
    "tpu.region"() ({
      %run_scoped3A = tpu.sem_alloc : memref<!tpu.dma_semaphore, #tpu.memory_space<semaphore_mem>>
      %dma_start3A_51 = arith.constant 0 : i32
      %dma_start3A_52 = tpu.memref_slice %arg25[%mul3A_2, %dma_start3A_51] : memref<10240x128xf32, #tpu.memory_space<vmem_shared>> -> memref<640x128xf32, #tpu.memory_space<vmem_shared>>
      tpu.enqueue_dma source(%arg5 : memref<640x128xf32, #tpu.memory_space<hbm>>) target(%dma_start3A_52 : memref<640x128xf32, #tpu.memory_space<vmem_shared>>) target_semaphore(%run_scoped3A : memref<!tpu.dma_semaphore, #tpu.memory_space<semaphore_mem>>)
      %dma_wait3A_53 = arith.constant 0 : i32
      %dma_wait3A_54 = tpu.memref_slice %arg25[%mul3A_2, %dma_wait3A_53] : memref<10240x128xf32, #tpu.memory_space<vmem_shared>> -> memref<640x128xf32, #tpu.memory_space<vmem_shared>>
      tpu.wait_dma2 semaphore(%run_scoped3A : memref<!tpu.dma_semaphore, #tpu.memory_space<semaphore_mem>>) src(%arg5 : memref<640x128xf32, #tpu.memory_space<hbm>>) dst(%dma_wait3A_54 : memref<640x128xf32, #tpu.memory_space<vmem_shared>>)
      tpu.yield
    }) : () -> ()
    %scan3A = arith.constant 0 : i32
    %scan3A_3 = arith.constant 0 : i32
    %scan3A_4 = arith.constant 640 : i32
    %scan3A_5 = arith.addi %scan3A_3, %scan3A_4 : i32
    %scan3A_6 = arith.constant 1 : i32
    scf.for %scan3A_51 = %scan3A_3 to %scan3A_5 step %scan3A_6  : i32 {
      %broadcast_in_dim3A_52 = arith.constant 0.000000e+00 : f32
      %broadcast_in_dim3A_53 = vector.broadcast %broadcast_in_dim3A_52 : f32 to vector<16xf32>
      %mul3A_54 = arith.constant 16 : i32
      %mul3A_55 = arith.muli %scan3A_51, %mul3A_54 : i32
      %swap3A = arith.index_cast %mul3A_55 : i32 to index
      %swap3A_56 = tpu.vector_load %arg26[%swap3A] {strides = array<i32>} : memref<10240xf32, #tpu.memory_space<vmem>>, vector<16xf32>,
      tpu.vector_store %arg26[%swap3A], %broadcast_in_dim3A_53 {strides = array<i32>} : memref<10240xf32, #tpu.memory_space<vmem>>, vector<16xf32>,
    }
    %scan3A_7 = arith.constant 640 : i32
    %barrier3A = arith.constant 0 : index
    tpu.barrier barrier_id(%barrier3A)
    %broadcast_in_dim3A = arith.constant 1.000000e+00 : f32
    %broadcast_in_dim3A_8 = vector.broadcast %broadcast_in_dim3A : f32 to vector<16xf32>
    %iota3A = tpu.iota {dimensions = array<i32: 0>} : vector<16xi32>
    %ge3A = arith.constant 8 : i32
    %ge3A_9 = vector.broadcast %ge3A : i32 to vector<16xi32>
    %ge3A_10 = arith.cmpi sge, %iota3A, %ge3A_9 : vector<16xi32>
    %mul3A_11 = arith.constant 10000 : i32
    %mul3A_12 = arith.muli %add3A, %mul3A_11 : i32
    %add3A_13 = arith.constant 0 : i32
    %add3A_14 = arith.addi %mul3A_12, %add3A_13 : i32
    %dma_start3A = tpu.memref_slice %arg3[%add3A_14] : memref<320000xi32, #tpu.memory_space<hbm>> -> memref<200xi32, #tpu.memory_space<hbm>>
    %dma_start3A_15 = tpu.memref_slice %arg3[%add3A_14] : memref<320000xi32, #tpu.memory_space<hbm>> -> memref<200xi32, #tpu.memory_space<hbm>>
    tpu.enqueue_dma source(%dma_start3A_15 : memref<200xi32, #tpu.memory_space<hbm>>) target(%arg8 : memref<200xi32, #tpu.memory_space<vmem>>) target_semaphore(%arg22 : memref<!tpu.dma_semaphore, #tpu.memory_space<semaphore_mem>>)
    %dma_start3A_16 = tpu.memref_slice %arg4[%add3A_14] : memref<320000xi32, #tpu.memory_space<hbm>> -> memref<200xi32, #tpu.memory_space<hbm>>
    %dma_start3A_17 = tpu.memref_slice %arg4[%add3A_14] : memref<320000xi32, #tpu.memory_space<hbm>> -> memref<200xi32, #tpu.memory_space<hbm>>
    tpu.enqueue_dma source(%dma_start3A_17 : memref<200xi32, #tpu.memory_space<hbm>>) target(%arg9 : memref<200xi32, #tpu.memory_space<vmem>>) target_semaphore(%arg22 : memref<!tpu.dma_semaphore, #tpu.memory_space<semaphore_mem>>)
    %scan3A_18 = arith.constant 0 : i32
    %scan3A_19 = arith.constant 0 : i32
    %scan3A_20 = arith.constant 25 : i32
    %scan3A_21 = arith.addi %scan3A_19, %scan3A_20 : i32
    %scan3A_22 = arith.constant 1 : i32
    scf.for %scan3A_51 = %scan3A_19 to %scan3A_21 step %scan3A_22  : i32 {
      %mul3A_52 = arith.constant 2 : i32
      %mul3A_53 = arith.muli %mul3A_52, %scan3A_51 : i32
      %mul3A_54 = arith.constant 10000 : i32
      %mul3A_55 = arith.muli %add3A, %mul3A_54 : i32
      %mul3A_56 = arith.constant 200 : i32
      %mul3A_57 = arith.muli %mul3A_53, %mul3A_56 : i32
      %add3A_58 = arith.addi %mul3A_55, %mul3A_57 : i32
      %dma_wait3A_59 = tpu.memref_slice %arg3[%add3A_58] : memref<320000xi32, #tpu.memory_space<hbm>> -> memref<200xi32, #tpu.memory_space<hbm>>
      %dma_wait3A_60 = tpu.memref_slice %arg3[%add3A_58] : memref<320000xi32, #tpu.memory_space<hbm>> -> memref<200xi32, #tpu.memory_space<hbm>>
      tpu.wait_dma2 semaphore(%arg22 : memref<!tpu.dma_semaphore, #tpu.memory_space<semaphore_mem>>) src(%dma_wait3A_60 : memref<200xi32, #tpu.memory_space<hbm>>) dst(%arg8 : memref<200xi32, #tpu.memory_space<vmem>>)
      %dma_wait3A_61 = tpu.memref_slice %arg4[%add3A_58] : memref<320000xi32, #tpu.memory_space<hbm>> -> memref<200xi32, #tpu.memory_space<hbm>>
      %dma_wait3A_62 = tpu.memref_slice %arg4[%add3A_58] : memref<320000xi32, #tpu.memory_space<hbm>> -> memref<200xi32, #tpu.memory_space<hbm>>
      tpu.wait_dma2 semaphore(%arg22 : memref<!tpu.dma_semaphore, #tpu.memory_space<semaphore_mem>>) src(%dma_wait3A_62 : memref<200xi32, #tpu.memory_space<hbm>>) dst(%arg9 : memref<200xi32, #tpu.memory_space<vmem>>)
      %add3A_63 = arith.constant 1 : i32
      %add3A_64 = arith.addi %mul3A_53, %add3A_63 : i32
      %mul3A_65 = arith.constant 10000 : i32
      %mul3A_66 = arith.muli %add3A, %mul3A_65 : i32
      %mul3A_67 = arith.constant 200 : i32
      %mul3A_68 = arith.muli %add3A_64, %mul3A_67 : i32
      %add3A_69 = arith.addi %mul3A_66, %mul3A_68 : i32
      %dma_start3A_70 = tpu.memref_slice %arg3[%add3A_69] : memref<320000xi32, #tpu.memory_space<hbm>> -> memref<200xi32, #tpu.memory_space<hbm>>
      %dma_start3A_71 = tpu.memref_slice %arg3[%add3A_69] : memref<320000xi32, #tpu.memory_space<hbm>> -> memref<200xi32, #tpu.memory_space<hbm>>
      tpu.enqueue_dma source(%dma_start3A_71 : memref<200xi32, #tpu.memory_space<hbm>>) target(%arg10 : memref<200xi32, #tpu.memory_space<vmem>>) target_semaphore(%arg22 : memref<!tpu.dma_semaphore, #tpu.memory_space<semaphore_mem>>)
      %dma_start3A_72 = tpu.memref_slice %arg4[%add3A_69] : memref<320000xi32, #tpu.memory_space<hbm>> -> memref<200xi32, #tpu.memory_space<hbm>>
      %dma_start3A_73 = tpu.memref_slice %arg4[%add3A_69] : memref<320000xi32, #tpu.memory_space<hbm>> -> memref<200xi32, #tpu.memory_space<hbm>>
      tpu.enqueue_dma source(%dma_start3A_73 : memref<200xi32, #tpu.memory_space<hbm>>) target(%arg11 : memref<200xi32, #tpu.memory_space<vmem>>) target_semaphore(%arg22 : memref<!tpu.dma_semaphore, #tpu.memory_space<semaphore_mem>>)
      %gt3A = arith.constant 0 : i32
      %gt3A_74 = arith.cmpi sgt, %scan3A_51, %gt3A : i32
      %convert_element_type3A = arith.extui %gt3A_74 : i1 to i32
      %cond3A = arith.constant 0 : i32
      %cond3A_75 = arith.cmpi ne, %convert_element_type3A, %cond3A : i32
      scf.if %cond3A_75 {
        %dma_wait3A_407 = arith.constant 0 : i32
        %dma_wait3A_408 = arith.constant 0 : i32
        %dma_wait3A_409 = tpu.memref_slice %arg25[%dma_wait3A_407, %dma_wait3A_408] : memref<10240x128xf32, #tpu.memory_space<vmem_shared>> -> memref<10240x128xf32, #tpu.memory_space<vmem_shared>>
        tpu.wait_indirect_dma semaphore(%arg24 : memref<!tpu.dma_semaphore, #tpu.memory_space<semaphore_mem>>) src(%arg17 : memref<40x128xf32, #tpu.memory_space<vmem>>) dst(%dma_wait3A_409 : memref<10240x128xf32, #tpu.memory_space<vmem_shared>>)
        %dma_wait3A_410 = arith.constant 0 : i32
        %dma_wait3A_411 = arith.constant 0 : i32
        %dma_wait3A_412 = tpu.memref_slice %arg25[%dma_wait3A_410, %dma_wait3A_411] : memref<10240x128xf32, #tpu.memory_space<vmem_shared>> -> memref<10240x128xf32, #tpu.memory_space<vmem_shared>>
        tpu.wait_indirect_dma semaphore(%arg24 : memref<!tpu.dma_semaphore, #tpu.memory_space<semaphore_mem>>) src(%arg18 : memref<40x128xf32, #tpu.memory_space<vmem>>) dst(%dma_wait3A_412 : memref<10240x128xf32, #tpu.memory_space<vmem_shared>>)
        %dma_wait3A_413 = arith.constant 0 : i32
        %dma_wait3A_414 = arith.constant 0 : i32
        %dma_wait3A_415 = tpu.memref_slice %arg25[%dma_wait3A_413, %dma_wait3A_414] : memref<10240x128xf32, #tpu.memory_space<vmem_shared>> -> memref<10240x128xf32, #tpu.memory_space<vmem_shared>>
        tpu.wait_indirect_dma semaphore(%arg24 : memref<!tpu.dma_semaphore, #tpu.memory_space<semaphore_mem>>) src(%arg19 : memref<40x128xf32, #tpu.memory_space<vmem>>) dst(%dma_wait3A_415 : memref<10240x128xf32, #tpu.memory_space<vmem_shared>>)
        %dma_wait3A_416 = arith.constant 0 : i32
        %dma_wait3A_417 = arith.constant 0 : i32
        %dma_wait3A_418 = tpu.memref_slice %arg25[%dma_wait3A_416, %dma_wait3A_417] : memref<10240x128xf32, #tpu.memory_space<vmem_shared>> -> memref<10240x128xf32, #tpu.memory_space<vmem_shared>>
        tpu.wait_indirect_dma semaphore(%arg24 : memref<!tpu.dma_semaphore, #tpu.memory_space<semaphore_mem>>) src(%arg20 : memref<40x128xf32, #tpu.memory_space<vmem>>) dst(%dma_wait3A_418 : memref<10240x128xf32, #tpu.memory_space<vmem_shared>>)
        %dma_wait3A_419 = arith.constant 0 : i32
        %dma_wait3A_420 = arith.constant 0 : i32
        %dma_wait3A_421 = tpu.memref_slice %arg25[%dma_wait3A_419, %dma_wait3A_420] : memref<10240x128xf32, #tpu.memory_space<vmem_shared>> -> memref<10240x128xf32, #tpu.memory_space<vmem_shared>>
        tpu.wait_indirect_dma semaphore(%arg24 : memref<!tpu.dma_semaphore, #tpu.memory_space<semaphore_mem>>) src(%arg21 : memref<40x128xf32, #tpu.memory_space<vmem>>) dst(%dma_wait3A_421 : memref<10240x128xf32, #tpu.memory_space<vmem_shared>>)
      } else {
      }
      %get3A = arith.constant 0 : index
      %get3A_76 = tpu.vector_load %arg9[%get3A] {strides = array<i32>} : memref<200xi32, #tpu.memory_space<vmem>>, vector<16xi32>,
      %swap3A = arith.constant 0 : index
      %swap3A_77 = tpu.vector_load %arg12[%swap3A] {strides = array<i32>} : memref<40xi32, #tpu.memory_space<vmem>>, vector<16xi32>,
      tpu.vector_store %arg12[%swap3A], %get3A_76 {strides = array<i32>} : memref<40xi32, #tpu.memory_space<vmem>>, vector<16xi32>,
      %get3A_78 = arith.constant 16 : index
      %get3A_79 = tpu.vector_load %arg9[%get3A_78] {strides = array<i32>} : memref<200xi32, #tpu.memory_space<vmem>>, vector<16xi32>,
      %swap3A_80 = arith.constant 16 : index
      %swap3A_81 = tpu.vector_load %arg12[%swap3A_80] {strides = array<i32>} : memref<40xi32, #tpu.memory_space<vmem>>, vector<16xi32>,
      tpu.vector_store %arg12[%swap3A_80], %get3A_79 {strides = array<i32>} : memref<40xi32, #tpu.memory_space<vmem>>, vector<16xi32>,
      %get3A_82 = arith.constant 24 : index
      %get3A_83 = tpu.vector_load %arg9[%get3A_82] {strides = array<i32>} : memref<200xi32, #tpu.memory_space<vmem>>, vector<16xi32>,
      %swap3A_84 = arith.constant 24 : index
      %swap3A_85 = tpu.vector_load %arg12[%swap3A_84] {strides = array<i32>} : memref<40xi32, #tpu.memory_space<vmem>>, vector<16xi32>,
      tpu.vector_store %arg12[%swap3A_84], %get3A_83 {strides = array<i32>} : memref<40xi32, #tpu.memory_space<vmem>>, vector<16xi32>,
      %get3A_86 = arith.constant 40 : index
      %get3A_87 = tpu.vector_load %arg9[%get3A_86] {strides = array<i32>} : memref<200xi32, #tpu.memory_space<vmem>>, vector<16xi32>,
      %swap3A_88 = arith.constant 0 : index
      %swap3A_89 = tpu.vector_load %arg13[%swap3A_88] {strides = array<i32>} : memref<40xi32, #tpu.memory_space<vmem>>, vector<16xi32>,
      tpu.vector_store %arg13[%swap3A_88], %get3A_87 {strides = array<i32>} : memref<40xi32, #tpu.memory_space<vmem>>, vector<16xi32>,
      %get3A_90 = arith.constant 56 : index
      %get3A_91 = tpu.vector_load %arg9[%get3A_90] {strides = array<i32>} : memref<200xi32, #tpu.memory_space<vmem>>, vector<16xi32>,
      %swap3A_92 = arith.constant 16 : index
      %swap3A_93 = tpu.vector_load %arg13[%swap3A_92] {strides = array<i32>} : memref<40xi32, #tpu.memory_space<vmem>>, vector<16xi32>,
      tpu.vector_store %arg13[%swap3A_92], %get3A_91 {strides = array<i32>} : memref<40xi32, #tpu.memory_space<vmem>>, vector<16xi32>,
      %get3A_94 = arith.constant 64 : index
      %get3A_95 = tpu.vector_load %arg9[%get3A_94] {strides = array<i32>} : memref<200xi32, #tpu.memory_space<vmem>>, vector<16xi32>,
      %swap3A_96 = arith.constant 24 : index
      %swap3A_97 = tpu.vector_load %arg13[%swap3A_96] {strides = array<i32>} : memref<40xi32, #tpu.memory_space<vmem>>, vector<16xi32>,
      tpu.vector_store %arg13[%swap3A_96], %get3A_95 {strides = array<i32>} : memref<40xi32, #tpu.memory_space<vmem>>, vector<16xi32>,
      %get3A_98 = arith.constant 80 : index
      %get3A_99 = tpu.vector_load %arg9[%get3A_98] {strides = array<i32>} : memref<200xi32, #tpu.memory_space<vmem>>, vector<16xi32>,
      %swap3A_100 = arith.constant 0 : index
      %swap3A_101 = tpu.vector_load %arg14[%swap3A_100] {strides = array<i32>} : memref<40xi32, #tpu.memory_space<vmem>>, vector<16xi32>,
      tpu.vector_store %arg14[%swap3A_100], %get3A_99 {strides = array<i32>} : memref<40xi32, #tpu.memory_space<vmem>>, vector<16xi32>,
      %get3A_102 = arith.constant 96 : index
      %get3A_103 = tpu.vector_load %arg9[%get3A_102] {strides = array<i32>} : memref<200xi32, #tpu.memory_space<vmem>>, vector<16xi32>,
      %swap3A_104 = arith.constant 16 : index
      %swap3A_105 = tpu.vector_load %arg14[%swap3A_104] {strides = array<i32>} : memref<40xi32, #tpu.memory_space<vmem>>, vector<16xi32>,
      tpu.vector_store %arg14[%swap3A_104], %get3A_103 {strides = array<i32>} : memref<40xi32, #tpu.memory_space<vmem>>, vector<16xi32>,
      %get3A_106 = arith.constant 104 : index
      %get3A_107 = tpu.vector_load %arg9[%get3A_106] {strides = array<i32>} : memref<200xi32, #tpu.memory_space<vmem>>, vector<16xi32>,
      %swap3A_108 = arith.constant 24 : index
      %swap3A_109 = tpu.vector_load %arg14[%swap3A_108] {strides = array<i32>} : memref<40xi32, #tpu.memory_space<vmem>>, vector<16xi32>,
      tpu.vector_store %arg14[%swap3A_108], %get3A_107 {strides = array<i32>} : memref<40xi32, #tpu.memory_space<vmem>>, vector<16xi32>,
      %get3A_110 = arith.constant 120 : index
      %get3A_111 = tpu.vector_load %arg9[%get3A_110] {strides = array<i32>} : memref<200xi32, #tpu.memory_space<vmem>>, vector<16xi32>,
      %swap3A_112 = arith.constant 0 : index
      %swap3A_113 = tpu.vector_load %arg15[%swap3A_112] {strides = array<i32>} : memref<40xi32, #tpu.memory_space<vmem>>, vector<16xi32>,
      tpu.vector_store %arg15[%swap3A_112], %get3A_111 {strides = array<i32>} : memref<40xi32, #tpu.memory_space<vmem>>, vector<16xi32>,
      %get3A_114 = arith.constant 136 : index
      %get3A_115 = tpu.vector_load %arg9[%get3A_114] {strides = array<i32>} : memref<200xi32, #tpu.memory_space<vmem>>, vector<16xi32>,
      %swap3A_116 = arith.constant 16 : index
      %swap3A_117 = tpu.vector_load %arg15[%swap3A_116] {strides = array<i32>} : memref<40xi32, #tpu.memory_space<vmem>>, vector<16xi32>,
      tpu.vector_store %arg15[%swap3A_116], %get3A_115 {strides = array<i32>} : memref<40xi32, #tpu.memory_space<vmem>>, vector<16xi32>,
      %get3A_118 = arith.constant 144 : index
      %get3A_119 = tpu.vector_load %arg9[%get3A_118] {strides = array<i32>} : memref<200xi32, #tpu.memory_space<vmem>>, vector<16xi32>,
      %swap3A_120 = arith.constant 24 : index
      %swap3A_121 = tpu.vector_load %arg15[%swap3A_120] {strides = array<i32>} : memref<40xi32, #tpu.memory_space<vmem>>, vector<16xi32>,
      tpu.vector_store %arg15[%swap3A_120], %get3A_119 {strides = array<i32>} : memref<40xi32, #tpu.memory_space<vmem>>, vector<16xi32>,
      %get3A_122 = arith.constant 160 : index
      %get3A_123 = tpu.vector_load %arg9[%get3A_122] {strides = array<i32>} : memref<200xi32, #tpu.memory_space<vmem>>, vector<16xi32>,
      %swap3A_124 = arith.constant 0 : index
      %swap3A_125 = tpu.vector_load %arg16[%swap3A_124] {strides = array<i32>} : memref<40xi32, #tpu.memory_space<vmem>>, vector<16xi32>,
      tpu.vector_store %arg16[%swap3A_124], %get3A_123 {strides = array<i32>} : memref<40xi32, #tpu.memory_space<vmem>>, vector<16xi32>,
      %get3A_126 = arith.constant 176 : index
      %get3A_127 = tpu.vector_load %arg9[%get3A_126] {strides = array<i32>} : memref<200xi32, #tpu.memory_space<vmem>>, vector<16xi32>,
      %swap3A_128 = arith.constant 16 : index
      %swap3A_129 = tpu.vector_load %arg16[%swap3A_128] {strides = array<i32>} : memref<40xi32, #tpu.memory_space<vmem>>, vector<16xi32>,
      tpu.vector_store %arg16[%swap3A_128], %get3A_127 {strides = array<i32>} : memref<40xi32, #tpu.memory_space<vmem>>, vector<16xi32>,
      %get3A_130 = arith.constant 184 : index
      %get3A_131 = tpu.vector_load %arg9[%get3A_130] {strides = array<i32>} : memref<200xi32, #tpu.memory_space<vmem>>, vector<16xi32>,
      %swap3A_132 = arith.constant 24 : index
      %swap3A_133 = tpu.vector_load %arg16[%swap3A_132] {strides = array<i32>} : memref<40xi32, #tpu.memory_space<vmem>>, vector<16xi32>,
      tpu.vector_store %arg16[%swap3A_132], %get3A_131 {strides = array<i32>} : memref<40xi32, #tpu.memory_space<vmem>>, vector<16xi32>,
      %dma_start3A_134 = arith.constant 0 : i32
      %dma_start3A_135 = tpu.memref_slice %arg8[%dma_start3A_134] : memref<200xi32, #tpu.memory_space<vmem>> -> memref<40xi32, #tpu.memory_space<vmem>>
      %dma_start3A_136 = arith.constant 0 : i32
      %dma_start3A_137 = arith.constant 0 : i32
      %dma_start3A_138 = tpu.memref_slice %arg2[%dma_start3A_136, %dma_start3A_137] : memref<10000x128xf32, #tpu.memory_space<hbm>> -> memref<10000x128xf32, #tpu.memory_space<hbm>>
      tpu.enqueue_indirect_dma source(%dma_start3A_138 : memref<10000x128xf32, #tpu.memory_space<hbm>>) target(%arg17 : memref<40x128xf32, #tpu.memory_space<vmem>>) offsets(%dma_start3A_135 : memref<40xi32, #tpu.memory_space<vmem>>) semaphore(%arg23 : memref<!tpu.dma_semaphore, #tpu.memory_space<semaphore_mem>>)
      %dma_start3A_139 = arith.constant 40 : i32
      %dma_start3A_140 = tpu.memref_slice %arg8[%dma_start3A_139] : memref<200xi32, #tpu.memory_space<vmem>> -> memref<40xi32, #tpu.memory_space<vmem>>
      %dma_start3A_141 = arith.constant 0 : i32
      %dma_start3A_142 = arith.constant 0 : i32
      %dma_start3A_143 = tpu.memref_slice %arg2[%dma_start3A_141, %dma_start3A_142] : memref<10000x128xf32, #tpu.memory_space<hbm>> -> memref<10000x128xf32, #tpu.memory_space<hbm>>
      tpu.enqueue_indirect_dma source(%dma_start3A_143 : memref<10000x128xf32, #tpu.memory_space<hbm>>) target(%arg18 : memref<40x128xf32, #tpu.memory_space<vmem>>) offsets(%dma_start3A_140 : memref<40xi32, #tpu.memory_space<vmem>>) semaphore(%arg23 : memref<!tpu.dma_semaphore, #tpu.memory_space<semaphore_mem>>)
      %dma_start3A_144 = arith.constant 80 : i32
      %dma_start3A_145 = tpu.memref_slice %arg8[%dma_start3A_144] : memref<200xi32, #tpu.memory_space<vmem>> -> memref<40xi32, #tpu.memory_space<vmem>>
      %dma_start3A_146 = arith.constant 0 : i32
      %dma_start3A_147 = arith.constant 0 : i32
      %dma_start3A_148 = tpu.memref_slice %arg2[%dma_start3A_146, %dma_start3A_147] : memref<10000x128xf32, #tpu.memory_space<hbm>> -> memref<10000x128xf32, #tpu.memory_space<hbm>>
      tpu.enqueue_indirect_dma source(%dma_start3A_148 : memref<10000x128xf32, #tpu.memory_space<hbm>>) target(%arg19 : memref<40x128xf32, #tpu.memory_space<vmem>>) offsets(%dma_start3A_145 : memref<40xi32, #tpu.memory_space<vmem>>) semaphore(%arg23 : memref<!tpu.dma_semaphore, #tpu.memory_space<semaphore_mem>>)
      %dma_start3A_149 = arith.constant 120 : i32
      %dma_start3A_150 = tpu.memref_slice %arg8[%dma_start3A_149] : memref<200xi32, #tpu.memory_space<vmem>> -> memref<40xi32, #tpu.memory_space<vmem>>
      %dma_start3A_151 = arith.constant 0 : i32
      %dma_start3A_152 = arith.constant 0 : i32
      %dma_start3A_153 = tpu.memref_slice %arg2[%dma_start3A_151, %dma_start3A_152] : memref<10000x128xf32, #tpu.memory_space<hbm>> -> memref<10000x128xf32, #tpu.memory_space<hbm>>
      tpu.enqueue_indirect_dma source(%dma_start3A_153 : memref<10000x128xf32, #tpu.memory_space<hbm>>) target(%arg20 : memref<40x128xf32, #tpu.memory_space<vmem>>) offsets(%dma_start3A_150 : memref<40xi32, #tpu.memory_space<vmem>>) semaphore(%arg23 : memref<!tpu.dma_semaphore, #tpu.memory_space<semaphore_mem>>)
      %dma_start3A_154 = arith.constant 160 : i32
      %dma_start3A_155 = tpu.memref_slice %arg8[%dma_start3A_154] : memref<200xi32, #tpu.memory_space<vmem>> -> memref<40xi32, #tpu.memory_space<vmem>>
      %dma_start3A_156 = arith.constant 0 : i32
      %dma_start3A_157 = arith.constant 0 : i32
      %dma_start3A_158 = tpu.memref_slice %arg2[%dma_start3A_156, %dma_start3A_157] : memref<10000x128xf32, #tpu.memory_space<hbm>> -> memref<10000x128xf32, #tpu.memory_space<hbm>>
      tpu.enqueue_indirect_dma source(%dma_start3A_158 : memref<10000x128xf32, #tpu.memory_space<hbm>>) target(%arg21 : memref<40x128xf32, #tpu.memory_space<vmem>>) offsets(%dma_start3A_155 : memref<40xi32, #tpu.memory_space<vmem>>) semaphore(%arg23 : memref<!tpu.dma_semaphore, #tpu.memory_space<semaphore_mem>>)
      %get3A_159 = arith.constant 0 : index
      %get3A_160 = tpu.vector_load %arg9[%get3A_159] {strides = array<i32>} : memref<200xi32, #tpu.memory_space<vmem>>, vector<16xi32>,
      tpu.vector_store_idx %arg26[%get3A_160], %broadcast_in_dim3A_8 {add = true} : memref<10240xf32, #tpu.memory_space<vmem>>[vector<16xi32>], vector<16xf32>,
      %get3A_161 = arith.constant 16 : index
      %get3A_162 = tpu.vector_load %arg9[%get3A_161] {strides = array<i32>} : memref<200xi32, #tpu.memory_space<vmem>>, vector<16xi32>,
      tpu.vector_store_idx %arg26[%get3A_162], %broadcast_in_dim3A_8 {add = true} : memref<10240xf32, #tpu.memory_space<vmem>>[vector<16xi32>], vector<16xf32>,
      %get3A_163 = arith.constant 24 : index
      %get3A_164 = tpu.vector_load %arg9[%get3A_163] {strides = array<i32>} : memref<200xi32, #tpu.memory_space<vmem>>, vector<16xi32>,
      tpu.vector_store_idx %arg26[%get3A_164], %broadcast_in_dim3A_8 masked %ge3A_10 {add = true} : memref<10240xf32, #tpu.memory_space<vmem>>[vector<16xi32>], vector<16xf32>, vector<16xi1>
      %get3A_165 = arith.constant 40 : index
      %get3A_166 = tpu.vector_load %arg9[%get3A_165] {strides = array<i32>} : memref<200xi32, #tpu.memory_space<vmem>>, vector<16xi32>,
      tpu.vector_store_idx %arg26[%get3A_166], %broadcast_in_dim3A_8 {add = true} : memref<10240xf32, #tpu.memory_space<vmem>>[vector<16xi32>], vector<16xf32>,
      %get3A_167 = arith.constant 56 : index
      %get3A_168 = tpu.vector_load %arg9[%get3A_167] {strides = array<i32>} : memref<200xi32, #tpu.memory_space<vmem>>, vector<16xi32>,
      tpu.vector_store_idx %arg26[%get3A_168], %broadcast_in_dim3A_8 {add = true} : memref<10240xf32, #tpu.memory_space<vmem>>[vector<16xi32>], vector<16xf32>,
      %get3A_169 = arith.constant 64 : index
      %get3A_170 = tpu.vector_load %arg9[%get3A_169] {strides = array<i32>} : memref<200xi32, #tpu.memory_space<vmem>>, vector<16xi32>,
      tpu.vector_store_idx %arg26[%get3A_170], %broadcast_in_dim3A_8 masked %ge3A_10 {add = true} : memref<10240xf32, #tpu.memory_space<vmem>>[vector<16xi32>], vector<16xf32>, vector<16xi1>
      %get3A_171 = arith.constant 80 : index
      %get3A_172 = tpu.vector_load %arg9[%get3A_171] {strides = array<i32>} : memref<200xi32, #tpu.memory_space<vmem>>, vector<16xi32>,
      tpu.vector_store_idx %arg26[%get3A_172], %broadcast_in_dim3A_8 {add = true} : memref<10240xf32, #tpu.memory_space<vmem>>[vector<16xi32>], vector<16xf32>,
      %get3A_173 = arith.constant 96 : index
      %get3A_174 = tpu.vector_load %arg9[%get3A_173] {strides = array<i32>} : memref<200xi32, #tpu.memory_space<vmem>>, vector<16xi32>,
      tpu.vector_store_idx %arg26[%get3A_174], %broadcast_in_dim3A_8 {add = true} : memref<10240xf32, #tpu.memory_space<vmem>>[vector<16xi32>], vector<16xf32>,
      %get3A_175 = arith.constant 104 : index
      %get3A_176 = tpu.vector_load %arg9[%get3A_175] {strides = array<i32>} : memref<200xi32, #tpu.memory_space<vmem>>, vector<16xi32>,
      tpu.vector_store_idx %arg26[%get3A_176], %broadcast_in_dim3A_8 masked %ge3A_10 {add = true} : memref<10240xf32, #tpu.memory_space<vmem>>[vector<16xi32>], vector<16xf32>, vector<16xi1>
      %get3A_177 = arith.constant 120 : index
      %get3A_178 = tpu.vector_load %arg9[%get3A_177] {strides = array<i32>} : memref<200xi32, #tpu.memory_space<vmem>>, vector<16xi32>,
      tpu.vector_store_idx %arg26[%get3A_178], %broadcast_in_dim3A_8 {add = true} : memref<10240xf32, #tpu.memory_space<vmem>>[vector<16xi32>], vector<16xf32>,
      %get3A_179 = arith.constant 136 : index
      %get3A_180 = tpu.vector_load %arg9[%get3A_179] {strides = array<i32>} : memref<200xi32, #tpu.memory_space<vmem>>, vector<16xi32>,
      tpu.vector_store_idx %arg26[%get3A_180], %broadcast_in_dim3A_8 {add = true} : memref<10240xf32, #tpu.memory_space<vmem>>[vector<16xi32>], vector<16xf32>,
      %get3A_181 = arith.constant 144 : index
      %get3A_182 = tpu.vector_load %arg9[%get3A_181] {strides = array<i32>} : memref<200xi32, #tpu.memory_space<vmem>>, vector<16xi32>,
      tpu.vector_store_idx %arg26[%get3A_182], %broadcast_in_dim3A_8 masked %ge3A_10 {add = true} : memref<10240xf32, #tpu.memory_space<vmem>>[vector<16xi32>], vector<16xf32>, vector<16xi1>
      %get3A_183 = arith.constant 160 : index
      %get3A_184 = tpu.vector_load %arg9[%get3A_183] {strides = array<i32>} : memref<200xi32, #tpu.memory_space<vmem>>, vector<16xi32>,
      tpu.vector_store_idx %arg26[%get3A_184], %broadcast_in_dim3A_8 {add = true} : memref<10240xf32, #tpu.memory_space<vmem>>[vector<16xi32>], vector<16xf32>,
      %get3A_185 = arith.constant 176 : index
      %get3A_186 = tpu.vector_load %arg9[%get3A_185] {strides = array<i32>} : memref<200xi32, #tpu.memory_space<vmem>>, vector<16xi32>,
      tpu.vector_store_idx %arg26[%get3A_186], %broadcast_in_dim3A_8 {add = true} : memref<10240xf32, #tpu.memory_space<vmem>>[vector<16xi32>], vector<16xf32>,
      %get3A_187 = arith.constant 184 : index
      %get3A_188 = tpu.vector_load %arg9[%get3A_187] {strides = array<i32>} : memref<200xi32, #tpu.memory_space<vmem>>, vector<16xi32>,
      tpu.vector_store_idx %arg26[%get3A_188], %broadcast_in_dim3A_8 masked %ge3A_10 {add = true} : memref<10240xf32, #tpu.memory_space<vmem>>[vector<16xi32>], vector<16xf32>, vector<16xi1>
      %dma_wait3A_189 = arith.constant 0 : i32
      %dma_wait3A_190 = tpu.memref_slice %arg8[%dma_wait3A_189] : memref<200xi32, #tpu.memory_space<vmem>> -> memref<40xi32, #tpu.memory_space<vmem>>
      %dma_wait3A_191 = arith.constant 0 : i32
      %dma_wait3A_192 = arith.constant 0 : i32
      %dma_wait3A_193 = tpu.memref_slice %arg2[%dma_wait3A_191, %dma_wait3A_192] : memref<10000x128xf32, #tpu.memory_space<hbm>> -> memref<10000x128xf32, #tpu.memory_space<hbm>>
      tpu.wait_indirect_dma semaphore(%arg23 : memref<!tpu.dma_semaphore, #tpu.memory_space<semaphore_mem>>) src(%dma_wait3A_193 : memref<10000x128xf32, #tpu.memory_space<hbm>>) dst(%arg17 : memref<40x128xf32, #tpu.memory_space<vmem>>)
      %dma_start3A_194 = arith.constant 0 : i32
      %dma_start3A_195 = arith.constant 0 : i32
      %dma_start3A_196 = tpu.memref_slice %arg25[%dma_start3A_194, %dma_start3A_195] : memref<10240x128xf32, #tpu.memory_space<vmem_shared>> -> memref<10240x128xf32, #tpu.memory_space<vmem_shared>>
      tpu.enqueue_indirect_dma source(%arg17 : memref<40x128xf32, #tpu.memory_space<vmem>>) target(%dma_start3A_196 : memref<10240x128xf32, #tpu.memory_space<vmem_shared>>) offsets(%arg12 : memref<40xi32, #tpu.memory_space<vmem>>) semaphore(%arg24 : memref<!tpu.dma_semaphore, #tpu.memory_space<semaphore_mem>>) {add = true}
      %dma_wait3A_197 = arith.constant 40 : i32
      %dma_wait3A_198 = tpu.memref_slice %arg8[%dma_wait3A_197] : memref<200xi32, #tpu.memory_space<vmem>> -> memref<40xi32, #tpu.memory_space<vmem>>
      %dma_wait3A_199 = arith.constant 0 : i32
      %dma_wait3A_200 = arith.constant 0 : i32
      %dma_wait3A_201 = tpu.memref_slice %arg2[%dma_wait3A_199, %dma_wait3A_200] : memref<10000x128xf32, #tpu.memory_space<hbm>> -> memref<10000x128xf32, #tpu.memory_space<hbm>>
      tpu.wait_indirect_dma semaphore(%arg23 : memref<!tpu.dma_semaphore, #tpu.memory_space<semaphore_mem>>) src(%dma_wait3A_201 : memref<10000x128xf32, #tpu.memory_space<hbm>>) dst(%arg18 : memref<40x128xf32, #tpu.memory_space<vmem>>)
      %dma_start3A_202 = arith.constant 0 : i32
      %dma_start3A_203 = arith.constant 0 : i32
      %dma_start3A_204 = tpu.memref_slice %arg25[%dma_start3A_202, %dma_start3A_203] : memref<10240x128xf32, #tpu.memory_space<vmem_shared>> -> memref<10240x128xf32, #tpu.memory_space<vmem_shared>>
      tpu.enqueue_indirect_dma source(%arg18 : memref<40x128xf32, #tpu.memory_space<vmem>>) target(%dma_start3A_204 : memref<10240x128xf32, #tpu.memory_space<vmem_shared>>) offsets(%arg13 : memref<40xi32, #tpu.memory_space<vmem>>) semaphore(%arg24 : memref<!tpu.dma_semaphore, #tpu.memory_space<semaphore_mem>>) {add = true}
      %dma_wait3A_205 = arith.constant 80 : i32
      %dma_wait3A_206 = tpu.memref_slice %arg8[%dma_wait3A_205] : memref<200xi32, #tpu.memory_space<vmem>> -> memref<40xi32, #tpu.memory_space<vmem>>
      %dma_wait3A_207 = arith.constant 0 : i32
      %dma_wait3A_208 = arith.constant 0 : i32
      %dma_wait3A_209 = tpu.memref_slice %arg2[%dma_wait3A_207, %dma_wait3A_208] : memref<10000x128xf32, #tpu.memory_space<hbm>> -> memref<10000x128xf32, #tpu.memory_space<hbm>>
      tpu.wait_indirect_dma semaphore(%arg23 : memref<!tpu.dma_semaphore, #tpu.memory_space<semaphore_mem>>) src(%dma_wait3A_209 : memref<10000x128xf32, #tpu.memory_space<hbm>>) dst(%arg19 : memref<40x128xf32, #tpu.memory_space<vmem>>)
      %dma_start3A_210 = arith.constant 0 : i32
      %dma_start3A_211 = arith.constant 0 : i32
      %dma_start3A_212 = tpu.memref_slice %arg25[%dma_start3A_210, %dma_start3A_211] : memref<10240x128xf32, #tpu.memory_space<vmem_shared>> -> memref<10240x128xf32, #tpu.memory_space<vmem_shared>>
      tpu.enqueue_indirect_dma source(%arg19 : memref<40x128xf32, #tpu.memory_space<vmem>>) target(%dma_start3A_212 : memref<10240x128xf32, #tpu.memory_space<vmem_shared>>) offsets(%arg14 : memref<40xi32, #tpu.memory_space<vmem>>) semaphore(%arg24 : memref<!tpu.dma_semaphore, #tpu.memory_space<semaphore_mem>>) {add = true}
      %dma_wait3A_213 = arith.constant 120 : i32
      %dma_wait3A_214 = tpu.memref_slice %arg8[%dma_wait3A_213] : memref<200xi32, #tpu.memory_space<vmem>> -> memref<40xi32, #tpu.memory_space<vmem>>
      %dma_wait3A_215 = arith.constant 0 : i32
      %dma_wait3A_216 = arith.constant 0 : i32
      %dma_wait3A_217 = tpu.memref_slice %arg2[%dma_wait3A_215, %dma_wait3A_216] : memref<10000x128xf32, #tpu.memory_space<hbm>> -> memref<10000x128xf32, #tpu.memory_space<hbm>>
      tpu.wait_indirect_dma semaphore(%arg23 : memref<!tpu.dma_semaphore, #tpu.memory_space<semaphore_mem>>) src(%dma_wait3A_217 : memref<10000x128xf32, #tpu.memory_space<hbm>>) dst(%arg20 : memref<40x128xf32, #tpu.memory_space<vmem>>)
      %dma_start3A_218 = arith.constant 0 : i32
      %dma_start3A_219 = arith.constant 0 : i32
      %dma_start3A_220 = tpu.memref_slice %arg25[%dma_start3A_218, %dma_start3A_219] : memref<10240x128xf32, #tpu.memory_space<vmem_shared>> -> memref<10240x128xf32, #tpu.memory_space<vmem_shared>>
      tpu.enqueue_indirect_dma source(%arg20 : memref<40x128xf32, #tpu.memory_space<vmem>>) target(%dma_start3A_220 : memref<10240x128xf32, #tpu.memory_space<vmem_shared>>) offsets(%arg15 : memref<40xi32, #tpu.memory_space<vmem>>) semaphore(%arg24 : memref<!tpu.dma_semaphore, #tpu.memory_space<semaphore_mem>>) {add = true}
      %dma_wait3A_221 = arith.constant 160 : i32
      %dma_wait3A_222 = tpu.memref_slice %arg8[%dma_wait3A_221] : memref<200xi32, #tpu.memory_space<vmem>> -> memref<40xi32, #tpu.memory_space<vmem>>
      %dma_wait3A_223 = arith.constant 0 : i32
      %dma_wait3A_224 = arith.constant 0 : i32
      %dma_wait3A_225 = tpu.memref_slice %arg2[%dma_wait3A_223, %dma_wait3A_224] : memref<10000x128xf32, #tpu.memory_space<hbm>> -> memref<10000x128xf32, #tpu.memory_space<hbm>>
      tpu.wait_indirect_dma semaphore(%arg23 : memref<!tpu.dma_semaphore, #tpu.memory_space<semaphore_mem>>) src(%dma_wait3A_225 : memref<10000x128xf32, #tpu.memory_space<hbm>>) dst(%arg21 : memref<40x128xf32, #tpu.memory_space<vmem>>)
      %dma_start3A_226 = arith.constant 0 : i32
      %dma_start3A_227 = arith.constant 0 : i32
      %dma_start3A_228 = tpu.memref_slice %arg25[%dma_start3A_226, %dma_start3A_227] : memref<10240x128xf32, #tpu.memory_space<vmem_shared>> -> memref<10240x128xf32, #tpu.memory_space<vmem_shared>>
      tpu.enqueue_indirect_dma source(%arg21 : memref<40x128xf32, #tpu.memory_space<vmem>>) target(%dma_start3A_228 : memref<10240x128xf32, #tpu.memory_space<vmem_shared>>) offsets(%arg16 : memref<40xi32, #tpu.memory_space<vmem>>) semaphore(%arg24 : memref<!tpu.dma_semaphore, #tpu.memory_space<semaphore_mem>>) {add = true}
      %dma_wait3A_229 = tpu.memref_slice %arg3[%add3A_69] : memref<320000xi32, #tpu.memory_space<hbm>> -> memref<200xi32, #tpu.memory_space<hbm>>
      %dma_wait3A_230 = tpu.memref_slice %arg3[%add3A_69] : memref<320000xi32, #tpu.memory_space<hbm>> -> memref<200xi32, #tpu.memory_space<hbm>>
      tpu.wait_dma2 semaphore(%arg22 : memref<!tpu.dma_semaphore, #tpu.memory_space<semaphore_mem>>) src(%dma_wait3A_230 : memref<200xi32, #tpu.memory_space<hbm>>) dst(%arg10 : memref<200xi32, #tpu.memory_space<vmem>>)
      %dma_wait3A_231 = tpu.memref_slice %arg4[%add3A_69] : memref<320000xi32, #tpu.memory_space<hbm>> -> memref<200xi32, #tpu.memory_space<hbm>>
      %dma_wait3A_232 = tpu.memref_slice %arg4[%add3A_69] : memref<320000xi32, #tpu.memory_space<hbm>> -> memref<200xi32, #tpu.memory_space<hbm>>
      tpu.wait_dma2 semaphore(%arg22 : memref<!tpu.dma_semaphore, #tpu.memory_space<semaphore_mem>>) src(%dma_wait3A_232 : memref<200xi32, #tpu.memory_space<hbm>>) dst(%arg11 : memref<200xi32, #tpu.memory_space<vmem>>)
      %lt3A = arith.constant 24 : i32
      %lt3A_233 = arith.cmpi slt, %scan3A_51, %lt3A : i32
      %convert_element_type3A_234 = arith.extui %lt3A_233 : i1 to i32
      %cond3A_235 = arith.constant 0 : i32
      %cond3A_236 = arith.cmpi ne, %convert_element_type3A_234, %cond3A_235 : i32
      scf.if %cond3A_236 {
        %add3A_407 = arith.constant 2 : i32
        %add3A_408 = arith.addi %mul3A_53, %add3A_407 : i32
        %mul3A_409 = arith.constant 10000 : i32
        %mul3A_410 = arith.muli %add3A, %mul3A_409 : i32
        %mul3A_411 = arith.constant 200 : i32
        %mul3A_412 = arith.muli %add3A_408, %mul3A_411 : i32
        %add3A_413 = arith.addi %mul3A_410, %mul3A_412 : i32
        %dma_start3A_414 = tpu.memref_slice %arg3[%add3A_413] : memref<320000xi32, #tpu.memory_space<hbm>> -> memref<200xi32, #tpu.memory_space<hbm>>
        %dma_start3A_415 = tpu.memref_slice %arg3[%add3A_413] : memref<320000xi32, #tpu.memory_space<hbm>> -> memref<200xi32, #tpu.memory_space<hbm>>
        tpu.enqueue_dma source(%dma_start3A_415 : memref<200xi32, #tpu.memory_space<hbm>>) target(%arg8 : memref<200xi32, #tpu.memory_space<vmem>>) target_semaphore(%arg22 : memref<!tpu.dma_semaphore, #tpu.memory_space<semaphore_mem>>)
        %dma_start3A_416 = tpu.memref_slice %arg4[%add3A_413] : memref<320000xi32, #tpu.memory_space<hbm>> -> memref<200xi32, #tpu.memory_space<hbm>>
        %dma_start3A_417 = tpu.memref_slice %arg4[%add3A_413] : memref<320000xi32, #tpu.memory_space<hbm>> -> memref<200xi32, #tpu.memory_space<hbm>>
        tpu.enqueue_dma source(%dma_start3A_417 : memref<200xi32, #tpu.memory_space<hbm>>) target(%arg9 : memref<200xi32, #tpu.memory_space<vmem>>) target_semaphore(%arg22 : memref<!tpu.dma_semaphore, #tpu.memory_space<semaphore_mem>>)
      } else {
      }
      %dma_wait3A_237 = arith.constant 0 : i32
      %dma_wait3A_238 = arith.constant 0 : i32
      %dma_wait3A_239 = tpu.memref_slice %arg25[%dma_wait3A_237, %dma_wait3A_238] : memref<10240x128xf32, #tpu.memory_space<vmem_shared>> -> memref<10240x128xf32, #tpu.memory_space<vmem_shared>>
      tpu.wait_indirect_dma semaphore(%arg24 : memref<!tpu.dma_semaphore, #tpu.memory_space<semaphore_mem>>) src(%arg17 : memref<40x128xf32, #tpu.memory_space<vmem>>) dst(%dma_wait3A_239 : memref<10240x128xf32, #tpu.memory_space<vmem_shared>>)
      %dma_wait3A_240 = arith.constant 0 : i32
      %dma_wait3A_241 = arith.constant 0 : i32
      %dma_wait3A_242 = tpu.memref_slice %arg25[%dma_wait3A_240, %dma_wait3A_241] : memref<10240x128xf32, #tpu.memory_space<vmem_shared>> -> memref<10240x128xf32, #tpu.memory_space<vmem_shared>>
      tpu.wait_indirect_dma semaphore(%arg24 : memref<!tpu.dma_semaphore, #tpu.memory_space<semaphore_mem>>) src(%arg18 : memref<40x128xf32, #tpu.memory_space<vmem>>) dst(%dma_wait3A_242 : memref<10240x128xf32, #tpu.memory_space<vmem_shared>>)
      %dma_wait3A_243 = arith.constant 0 : i32
      %dma_wait3A_244 = arith.constant 0 : i32
      %dma_wait3A_245 = tpu.memref_slice %arg25[%dma_wait3A_243, %dma_wait3A_244] : memref<10240x128xf32, #tpu.memory_space<vmem_shared>> -> memref<10240x128xf32, #tpu.memory_space<vmem_shared>>
      tpu.wait_indirect_dma semaphore(%arg24 : memref<!tpu.dma_semaphore, #tpu.memory_space<semaphore_mem>>) src(%arg19 : memref<40x128xf32, #tpu.memory_space<vmem>>) dst(%dma_wait3A_245 : memref<10240x128xf32, #tpu.memory_space<vmem_shared>>)
      %dma_wait3A_246 = arith.constant 0 : i32
      %dma_wait3A_247 = arith.constant 0 : i32
      %dma_wait3A_248 = tpu.memref_slice %arg25[%dma_wait3A_246, %dma_wait3A_247] : memref<10240x128xf32, #tpu.memory_space<vmem_shared>> -> memref<10240x128xf32, #tpu.memory_space<vmem_shared>>
      tpu.wait_indirect_dma semaphore(%arg24 : memref<!tpu.dma_semaphore, #tpu.memory_space<semaphore_mem>>) src(%arg20 : memref<40x128xf32, #tpu.memory_space<vmem>>) dst(%dma_wait3A_248 : memref<10240x128xf32, #tpu.memory_space<vmem_shared>>)
      %dma_wait3A_249 = arith.constant 0 : i32
      %dma_wait3A_250 = arith.constant 0 : i32
      %dma_wait3A_251 = tpu.memref_slice %arg25[%dma_wait3A_249, %dma_wait3A_250] : memref<10240x128xf32, #tpu.memory_space<vmem_shared>> -> memref<10240x128xf32, #tpu.memory_space<vmem_shared>>
      tpu.wait_indirect_dma semaphore(%arg24 : memref<!tpu.dma_semaphore, #tpu.memory_space<semaphore_mem>>) src(%arg21 : memref<40x128xf32, #tpu.memory_space<vmem>>) dst(%dma_wait3A_251 : memref<10240x128xf32, #tpu.memory_space<vmem_shared>>)
      %get3A_252 = arith.constant 0 : index
      %get3A_253 = tpu.vector_load %arg11[%get3A_252] {strides = array<i32>} : memref<200xi32, #tpu.memory_space<vmem>>, vector<16xi32>,
      %swap3A_254 = arith.constant 0 : index
      %swap3A_255 = tpu.vector_load %arg12[%swap3A_254] {strides = array<i32>} : memref<40xi32, #tpu.memory_space<vmem>>, vector<16xi32>,
      tpu.vector_store %arg12[%swap3A_254], %get3A_253 {strides = array<i32>} : memref<40xi32, #tpu.memory_space<vmem>>, vector<16xi32>,
      %get3A_256 = arith.constant 16 : index
      %get3A_257 = tpu.vector_load %arg11[%get3A_256] {strides = array<i32>} : memref<200xi32, #tpu.memory_space<vmem>>, vector<16xi32>,
      %swap3A_258 = arith.constant 16 : index
      %swap3A_259 = tpu.vector_load %arg12[%swap3A_258] {strides = array<i32>} : memref<40xi32, #tpu.memory_space<vmem>>, vector<16xi32>,
      tpu.vector_store %arg12[%swap3A_258], %get3A_257 {strides = array<i32>} : memref<40xi32, #tpu.memory_space<vmem>>, vector<16xi32>,
      %get3A_260 = arith.constant 24 : index
      %get3A_261 = tpu.vector_load %arg11[%get3A_260] {strides = array<i32>} : memref<200xi32, #tpu.memory_space<vmem>>, vector<16xi32>,
      %swap3A_262 = arith.constant 24 : index
      %swap3A_263 = tpu.vector_load %arg12[%swap3A_262] {strides = array<i32>} : memref<40xi32, #tpu.memory_space<vmem>>, vector<16xi32>,
      tpu.vector_store %arg12[%swap3A_262], %get3A_261 {strides = array<i32>} : memref<40xi32, #tpu.memory_space<vmem>>, vector<16xi32>,
      %get3A_264 = arith.constant 40 : index
      %get3A_265 = tpu.vector_load %arg11[%get3A_264] {strides = array<i32>} : memref<200xi32, #tpu.memory_space<vmem>>, vector<16xi32>,
      %swap3A_266 = arith.constant 0 : index
      %swap3A_267 = tpu.vector_load %arg13[%swap3A_266] {strides = array<i32>} : memref<40xi32, #tpu.memory_space<vmem>>, vector<16xi32>,
      tpu.vector_store %arg13[%swap3A_266], %get3A_265 {strides = array<i32>} : memref<40xi32, #tpu.memory_space<vmem>>, vector<16xi32>,
      %get3A_268 = arith.constant 56 : index
      %get3A_269 = tpu.vector_load %arg11[%get3A_268] {strides = array<i32>} : memref<200xi32, #tpu.memory_space<vmem>>, vector<16xi32>,
      %swap3A_270 = arith.constant 16 : index
      %swap3A_271 = tpu.vector_load %arg13[%swap3A_270] {strides = array<i32>} : memref<40xi32, #tpu.memory_space<vmem>>, vector<16xi32>,
      tpu.vector_store %arg13[%swap3A_270], %get3A_269 {strides = array<i32>} : memref<40xi32, #tpu.memory_space<vmem>>, vector<16xi32>,
      %get3A_272 = arith.constant 64 : index
      %get3A_273 = tpu.vector_load %arg11[%get3A_272] {strides = array<i32>} : memref<200xi32, #tpu.memory_space<vmem>>, vector<16xi32>,
      %swap3A_274 = arith.constant 24 : index
      %swap3A_275 = tpu.vector_load %arg13[%swap3A_274] {strides = array<i32>} : memref<40xi32, #tpu.memory_space<vmem>>, vector<16xi32>,
      tpu.vector_store %arg13[%swap3A_274], %get3A_273 {strides = array<i32>} : memref<40xi32, #tpu.memory_space<vmem>>, vector<16xi32>,
      %get3A_276 = arith.constant 80 : index
      %get3A_277 = tpu.vector_load %arg11[%get3A_276] {strides = array<i32>} : memref<200xi32, #tpu.memory_space<vmem>>, vector<16xi32>,
      %swap3A_278 = arith.constant 0 : index
      %swap3A_279 = tpu.vector_load %arg14[%swap3A_278] {strides = array<i32>} : memref<40xi32, #tpu.memory_space<vmem>>, vector<16xi32>,
      tpu.vector_store %arg14[%swap3A_278], %get3A_277 {strides = array<i32>} : memref<40xi32, #tpu.memory_space<vmem>>, vector<16xi32>,
      %get3A_280 = arith.constant 96 : index
      %get3A_281 = tpu.vector_load %arg11[%get3A_280] {strides = array<i32>} : memref<200xi32, #tpu.memory_space<vmem>>, vector<16xi32>,
      %swap3A_282 = arith.constant 16 : index
      %swap3A_283 = tpu.vector_load %arg14[%swap3A_282] {strides = array<i32>} : memref<40xi32, #tpu.memory_space<vmem>>, vector<16xi32>,
      tpu.vector_store %arg14[%swap3A_282], %get3A_281 {strides = array<i32>} : memref<40xi32, #tpu.memory_space<vmem>>, vector<16xi32>,
      %get3A_284 = arith.constant 104 : index
      %get3A_285 = tpu.vector_load %arg11[%get3A_284] {strides = array<i32>} : memref<200xi32, #tpu.memory_space<vmem>>, vector<16xi32>,
      %swap3A_286 = arith.constant 24 : index
      %swap3A_287 = tpu.vector_load %arg14[%swap3A_286] {strides = array<i32>} : memref<40xi32, #tpu.memory_space<vmem>>, vector<16xi32>,
      tpu.vector_store %arg14[%swap3A_286], %get3A_285 {strides = array<i32>} : memref<40xi32, #tpu.memory_space<vmem>>, vector<16xi32>,
      %get3A_288 = arith.constant 120 : index
      %get3A_289 = tpu.vector_load %arg11[%get3A_288] {strides = array<i32>} : memref<200xi32, #tpu.memory_space<vmem>>, vector<16xi32>,
      %swap3A_290 = arith.constant 0 : index
      %swap3A_291 = tpu.vector_load %arg15[%swap3A_290] {strides = array<i32>} : memref<40xi32, #tpu.memory_space<vmem>>, vector<16xi32>,
      tpu.vector_store %arg15[%swap3A_290], %get3A_289 {strides = array<i32>} : memref<40xi32, #tpu.memory_space<vmem>>, vector<16xi32>,
      %get3A_292 = arith.constant 136 : index
      %get3A_293 = tpu.vector_load %arg11[%get3A_292] {strides = array<i32>} : memref<200xi32, #tpu.memory_space<vmem>>, vector<16xi32>,
      %swap3A_294 = arith.constant 16 : index
      %swap3A_295 = tpu.vector_load %arg15[%swap3A_294] {strides = array<i32>} : memref<40xi32, #tpu.memory_space<vmem>>, vector<16xi32>,
      tpu.vector_store %arg15[%swap3A_294], %get3A_293 {strides = array<i32>} : memref<40xi32, #tpu.memory_space<vmem>>, vector<16xi32>,
      %get3A_296 = arith.constant 144 : index
      %get3A_297 = tpu.vector_load %arg11[%get3A_296] {strides = array<i32>} : memref<200xi32, #tpu.memory_space<vmem>>, vector<16xi32>,
      %swap3A_298 = arith.constant 24 : index
      %swap3A_299 = tpu.vector_load %arg15[%swap3A_298] {strides = array<i32>} : memref<40xi32, #tpu.memory_space<vmem>>, vector<16xi32>,
      tpu.vector_store %arg15[%swap3A_298], %get3A_297 {strides = array<i32>} : memref<40xi32, #tpu.memory_space<vmem>>, vector<16xi32>,
      %get3A_300 = arith.constant 160 : index
      %get3A_301 = tpu.vector_load %arg11[%get3A_300] {strides = array<i32>} : memref<200xi32, #tpu.memory_space<vmem>>, vector<16xi32>,
      %swap3A_302 = arith.constant 0 : index
      %swap3A_303 = tpu.vector_load %arg16[%swap3A_302] {strides = array<i32>} : memref<40xi32, #tpu.memory_space<vmem>>, vector<16xi32>,
      tpu.vector_store %arg16[%swap3A_302], %get3A_301 {strides = array<i32>} : memref<40xi32, #tpu.memory_space<vmem>>, vector<16xi32>,
      %get3A_304 = arith.constant 176 : index
      %get3A_305 = tpu.vector_load %arg11[%get3A_304] {strides = array<i32>} : memref<200xi32, #tpu.memory_space<vmem>>, vector<16xi32>,
      %swap3A_306 = arith.constant 16 : index
      %swap3A_307 = tpu.vector_load %arg16[%swap3A_306] {strides = array<i32>} : memref<40xi32, #tpu.memory_space<vmem>>, vector<16xi32>,
      tpu.vector_store %arg16[%swap3A_306], %get3A_305 {strides = array<i32>} : memref<40xi32, #tpu.memory_space<vmem>>, vector<16xi32>,
      %get3A_308 = arith.constant 184 : index
      %get3A_309 = tpu.vector_load %arg11[%get3A_308] {strides = array<i32>} : memref<200xi32, #tpu.memory_space<vmem>>, vector<16xi32>,
      %swap3A_310 = arith.constant 24 : index
      %swap3A_311 = tpu.vector_load %arg16[%swap3A_310] {strides = array<i32>} : memref<40xi32, #tpu.memory_space<vmem>>, vector<16xi32>,
      tpu.vector_store %arg16[%swap3A_310], %get3A_309 {strides = array<i32>} : memref<40xi32, #tpu.memory_space<vmem>>, vector<16xi32>,
      %dma_start3A_312 = arith.constant 0 : i32
      %dma_start3A_313 = tpu.memref_slice %arg10[%dma_start3A_312] : memref<200xi32, #tpu.memory_space<vmem>> -> memref<40xi32, #tpu.memory_space<vmem>>
      %dma_start3A_314 = arith.constant 0 : i32
      %dma_start3A_315 = arith.constant 0 : i32
      %dma_start3A_316 = tpu.memref_slice %arg2[%dma_start3A_314, %dma_start3A_315] : memref<10000x128xf32, #tpu.memory_space<hbm>> -> memref<10000x128xf32, #tpu.memory_space<hbm>>
      tpu.enqueue_indirect_dma source(%dma_start3A_316 : memref<10000x128xf32, #tpu.memory_space<hbm>>) target(%arg17 : memref<40x128xf32, #tpu.memory_space<vmem>>) offsets(%dma_start3A_313 : memref<40xi32, #tpu.memory_space<vmem>>) semaphore(%arg23 : memref<!tpu.dma_semaphore, #tpu.memory_space<semaphore_mem>>)
      %dma_start3A_317 = arith.constant 40 : i32
      %dma_start3A_318 = tpu.memref_slice %arg10[%dma_start3A_317] : memref<200xi32, #tpu.memory_space<vmem>> -> memref<40xi32, #tpu.memory_space<vmem>>
      %dma_start3A_319 = arith.constant 0 : i32
      %dma_start3A_320 = arith.constant 0 : i32
      %dma_start3A_321 = tpu.memref_slice %arg2[%dma_start3A_319, %dma_start3A_320] : memref<10000x128xf32, #tpu.memory_space<hbm>> -> memref<10000x128xf32, #tpu.memory_space<hbm>>
      tpu.enqueue_indirect_dma source(%dma_start3A_321 : memref<10000x128xf32, #tpu.memory_space<hbm>>) target(%arg18 : memref<40x128xf32, #tpu.memory_space<vmem>>) offsets(%dma_start3A_318 : memref<40xi32, #tpu.memory_space<vmem>>) semaphore(%arg23 : memref<!tpu.dma_semaphore, #tpu.memory_space<semaphore_mem>>)
      %dma_start3A_322 = arith.constant 80 : i32
      %dma_start3A_323 = tpu.memref_slice %arg10[%dma_start3A_322] : memref<200xi32, #tpu.memory_space<vmem>> -> memref<40xi32, #tpu.memory_space<vmem>>
      %dma_start3A_324 = arith.constant 0 : i32
      %dma_start3A_325 = arith.constant 0 : i32
      %dma_start3A_326 = tpu.memref_slice %arg2[%dma_start3A_324, %dma_start3A_325] : memref<10000x128xf32, #tpu.memory_space<hbm>> -> memref<10000x128xf32, #tpu.memory_space<hbm>>
      tpu.enqueue_indirect_dma source(%dma_start3A_326 : memref<10000x128xf32, #tpu.memory_space<hbm>>) target(%arg19 : memref<40x128xf32, #tpu.memory_space<vmem>>) offsets(%dma_start3A_323 : memref<40xi32, #tpu.memory_space<vmem>>) semaphore(%arg23 : memref<!tpu.dma_semaphore, #tpu.memory_space<semaphore_mem>>)
      %dma_start3A_327 = arith.constant 120 : i32
      %dma_start3A_328 = tpu.memref_slice %arg10[%dma_start3A_327] : memref<200xi32, #tpu.memory_space<vmem>> -> memref<40xi32, #tpu.memory_space<vmem>>
      %dma_start3A_329 = arith.constant 0 : i32
      %dma_start3A_330 = arith.constant 0 : i32
      %dma_start3A_331 = tpu.memref_slice %arg2[%dma_start3A_329, %dma_start3A_330] : memref<10000x128xf32, #tpu.memory_space<hbm>> -> memref<10000x128xf32, #tpu.memory_space<hbm>>
      tpu.enqueue_indirect_dma source(%dma_start3A_331 : memref<10000x128xf32, #tpu.memory_space<hbm>>) target(%arg20 : memref<40x128xf32, #tpu.memory_space<vmem>>) offsets(%dma_start3A_328 : memref<40xi32, #tpu.memory_space<vmem>>) semaphore(%arg23 : memref<!tpu.dma_semaphore, #tpu.memory_space<semaphore_mem>>)
      %dma_start3A_332 = arith.constant 160 : i32
      %dma_start3A_333 = tpu.memref_slice %arg10[%dma_start3A_332] : memref<200xi32, #tpu.memory_space<vmem>> -> memref<40xi32, #tpu.memory_space<vmem>>
      %dma_start3A_334 = arith.constant 0 : i32
      %dma_start3A_335 = arith.constant 0 : i32
      %dma_start3A_336 = tpu.memref_slice %arg2[%dma_start3A_334, %dma_start3A_335] : memref<10000x128xf32, #tpu.memory_space<hbm>> -> memref<10000x128xf32, #tpu.memory_space<hbm>>
      tpu.enqueue_indirect_dma source(%dma_start3A_336 : memref<10000x128xf32, #tpu.memory_space<hbm>>) target(%arg21 : memref<40x128xf32, #tpu.memory_space<vmem>>) offsets(%dma_start3A_333 : memref<40xi32, #tpu.memory_space<vmem>>) semaphore(%arg23 : memref<!tpu.dma_semaphore, #tpu.memory_space<semaphore_mem>>)
      %get3A_337 = arith.constant 0 : index
      %get3A_338 = tpu.vector_load %arg11[%get3A_337] {strides = array<i32>} : memref<200xi32, #tpu.memory_space<vmem>>, vector<16xi32>,
      tpu.vector_store_idx %arg26[%get3A_338], %broadcast_in_dim3A_8 {add = true} : memref<10240xf32, #tpu.memory_space<vmem>>[vector<16xi32>], vector<16xf32>,
      %get3A_339 = arith.constant 16 : index
      %get3A_340 = tpu.vector_load %arg11[%get3A_339] {strides = array<i32>} : memref<200xi32, #tpu.memory_space<vmem>>, vector<16xi32>,
      tpu.vector_store_idx %arg26[%get3A_340], %broadcast_in_dim3A_8 {add = true} : memref<10240xf32, #tpu.memory_space<vmem>>[vector<16xi32>], vector<16xf32>,
      %get3A_341 = arith.constant 24 : index
      %get3A_342 = tpu.vector_load %arg11[%get3A_341] {strides = array<i32>} : memref<200xi32, #tpu.memory_space<vmem>>, vector<16xi32>,
      tpu.vector_store_idx %arg26[%get3A_342], %broadcast_in_dim3A_8 masked %ge3A_10 {add = true} : memref<10240xf32, #tpu.memory_space<vmem>>[vector<16xi32>], vector<16xf32>, vector<16xi1>
      %get3A_343 = arith.constant 40 : index
      %get3A_344 = tpu.vector_load %arg11[%get3A_343] {strides = array<i32>} : memref<200xi32, #tpu.memory_space<vmem>>, vector<16xi32>,
      tpu.vector_store_idx %arg26[%get3A_344], %broadcast_in_dim3A_8 {add = true} : memref<10240xf32, #tpu.memory_space<vmem>>[vector<16xi32>], vector<16xf32>,
      %get3A_345 = arith.constant 56 : index
      %get3A_346 = tpu.vector_load %arg11[%get3A_345] {strides = array<i32>} : memref<200xi32, #tpu.memory_space<vmem>>, vector<16xi32>,
      tpu.vector_store_idx %arg26[%get3A_346], %broadcast_in_dim3A_8 {add = true} : memref<10240xf32, #tpu.memory_space<vmem>>[vector<16xi32>], vector<16xf32>,
      %get3A_347 = arith.constant 64 : index
      %get3A_348 = tpu.vector_load %arg11[%get3A_347] {strides = array<i32>} : memref<200xi32, #tpu.memory_space<vmem>>, vector<16xi32>,
      tpu.vector_store_idx %arg26[%get3A_348], %broadcast_in_dim3A_8 masked %ge3A_10 {add = true} : memref<10240xf32, #tpu.memory_space<vmem>>[vector<16xi32>], vector<16xf32>, vector<16xi1>
      %get3A_349 = arith.constant 80 : index
      %get3A_350 = tpu.vector_load %arg11[%get3A_349] {strides = array<i32>} : memref<200xi32, #tpu.memory_space<vmem>>, vector<16xi32>,
      tpu.vector_store_idx %arg26[%get3A_350], %broadcast_in_dim3A_8 {add = true} : memref<10240xf32, #tpu.memory_space<vmem>>[vector<16xi32>], vector<16xf32>,
      %get3A_351 = arith.constant 96 : index
      %get3A_352 = tpu.vector_load %arg11[%get3A_351] {strides = array<i32>} : memref<200xi32, #tpu.memory_space<vmem>>, vector<16xi32>,
      tpu.vector_store_idx %arg26[%get3A_352], %broadcast_in_dim3A_8 {add = true} : memref<10240xf32, #tpu.memory_space<vmem>>[vector<16xi32>], vector<16xf32>,
      %get3A_353 = arith.constant 104 : index
      %get3A_354 = tpu.vector_load %arg11[%get3A_353] {strides = array<i32>} : memref<200xi32, #tpu.memory_space<vmem>>, vector<16xi32>,
      tpu.vector_store_idx %arg26[%get3A_354], %broadcast_in_dim3A_8 masked %ge3A_10 {add = true} : memref<10240xf32, #tpu.memory_space<vmem>>[vector<16xi32>], vector<16xf32>, vector<16xi1>
      %get3A_355 = arith.constant 120 : index
      %get3A_356 = tpu.vector_load %arg11[%get3A_355] {strides = array<i32>} : memref<200xi32, #tpu.memory_space<vmem>>, vector<16xi32>,
      tpu.vector_store_idx %arg26[%get3A_356], %broadcast_in_dim3A_8 {add = true} : memref<10240xf32, #tpu.memory_space<vmem>>[vector<16xi32>], vector<16xf32>,
      %get3A_357 = arith.constant 136 : index
      %get3A_358 = tpu.vector_load %arg11[%get3A_357] {strides = array<i32>} : memref<200xi32, #tpu.memory_space<vmem>>, vector<16xi32>,
      tpu.vector_store_idx %arg26[%get3A_358], %broadcast_in_dim3A_8 {add = true} : memref<10240xf32, #tpu.memory_space<vmem>>[vector<16xi32>], vector<16xf32>,
      %get3A_359 = arith.constant 144 : index
      %get3A_360 = tpu.vector_load %arg11[%get3A_359] {strides = array<i32>} : memref<200xi32, #tpu.memory_space<vmem>>, vector<16xi32>,
      tpu.vector_store_idx %arg26[%get3A_360], %broadcast_in_dim3A_8 masked %ge3A_10 {add = true} : memref<10240xf32, #tpu.memory_space<vmem>>[vector<16xi32>], vector<16xf32>, vector<16xi1>
      %get3A_361 = arith.constant 160 : index
      %get3A_362 = tpu.vector_load %arg11[%get3A_361] {strides = array<i32>} : memref<200xi32, #tpu.memory_space<vmem>>, vector<16xi32>,
      tpu.vector_store_idx %arg26[%get3A_362], %broadcast_in_dim3A_8 {add = true} : memref<10240xf32, #tpu.memory_space<vmem>>[vector<16xi32>], vector<16xf32>,
      %get3A_363 = arith.constant 176 : index
      %get3A_364 = tpu.vector_load %arg11[%get3A_363] {strides = array<i32>} : memref<200xi32, #tpu.memory_space<vmem>>, vector<16xi32>,
      tpu.vector_store_idx %arg26[%get3A_364], %broadcast_in_dim3A_8 {add = true} : memref<10240xf32, #tpu.memory_space<vmem>>[vector<16xi32>], vector<16xf32>,
      %get3A_365 = arith.constant 184 : index
      %get3A_366 = tpu.vector_load %arg11[%get3A_365] {strides = array<i32>} : memref<200xi32, #tpu.memory_space<vmem>>, vector<16xi32>,
      tpu.vector_store_idx %arg26[%get3A_366], %broadcast_in_dim3A_8 masked %ge3A_10 {add = true} : memref<10240xf32, #tpu.memory_space<vmem>>[vector<16xi32>], vector<16xf32>, vector<16xi1>
      %dma_wait3A_367 = arith.constant 0 : i32
      %dma_wait3A_368 = tpu.memref_slice %arg10[%dma_wait3A_367] : memref<200xi32, #tpu.memory_space<vmem>> -> memref<40xi32, #tpu.memory_space<vmem>>
      %dma_wait3A_369 = arith.constant 0 : i32
      %dma_wait3A_370 = arith.constant 0 : i32
      %dma_wait3A_371 = tpu.memref_slice %arg2[%dma_wait3A_369, %dma_wait3A_370] : memref<10000x128xf32, #tpu.memory_space<hbm>> -> memref<10000x128xf32, #tpu.memory_space<hbm>>
      tpu.wait_indirect_dma semaphore(%arg23 : memref<!tpu.dma_semaphore, #tpu.memory_space<semaphore_mem>>) src(%dma_wait3A_371 : memref<10000x128xf32, #tpu.memory_space<hbm>>) dst(%arg17 : memref<40x128xf32, #tpu.memory_space<vmem>>)
      %dma_start3A_372 = arith.constant 0 : i32
      %dma_start3A_373 = arith.constant 0 : i32
      %dma_start3A_374 = tpu.memref_slice %arg25[%dma_start3A_372, %dma_start3A_373] : memref<10240x128xf32, #tpu.memory_space<vmem_shared>> -> memref<10240x128xf32, #tpu.memory_space<vmem_shared>>
      tpu.enqueue_indirect_dma source(%arg17 : memref<40x128xf32, #tpu.memory_space<vmem>>) target(%dma_start3A_374 : memref<10240x128xf32, #tpu.memory_space<vmem_shared>>) offsets(%arg12 : memref<40xi32, #tpu.memory_space<vmem>>) semaphore(%arg24 : memref<!tpu.dma_semaphore, #tpu.memory_space<semaphore_mem>>) {add = true}
      %dma_wait3A_375 = arith.constant 40 : i32
      %dma_wait3A_376 = tpu.memref_slice %arg10[%dma_wait3A_375] : memref<200xi32, #tpu.memory_space<vmem>> -> memref<40xi32, #tpu.memory_space<vmem>>
      %dma_wait3A_377 = arith.constant 0 : i32
      %dma_wait3A_378 = arith.constant 0 : i32
      %dma_wait3A_379 = tpu.memref_slice %arg2[%dma_wait3A_377, %dma_wait3A_378] : memref<10000x128xf32, #tpu.memory_space<hbm>> -> memref<10000x128xf32, #tpu.memory_space<hbm>>
      tpu.wait_indirect_dma semaphore(%arg23 : memref<!tpu.dma_semaphore, #tpu.memory_space<semaphore_mem>>) src(%dma_wait3A_379 : memref<10000x128xf32, #tpu.memory_space<hbm>>) dst(%arg18 : memref<40x128xf32, #tpu.memory_space<vmem>>)
      %dma_start3A_380 = arith.constant 0 : i32
      %dma_start3A_381 = arith.constant 0 : i32
      %dma_start3A_382 = tpu.memref_slice %arg25[%dma_start3A_380, %dma_start3A_381] : memref<10240x128xf32, #tpu.memory_space<vmem_shared>> -> memref<10240x128xf32, #tpu.memory_space<vmem_shared>>
      tpu.enqueue_indirect_dma source(%arg18 : memref<40x128xf32, #tpu.memory_space<vmem>>) target(%dma_start3A_382 : memref<10240x128xf32, #tpu.memory_space<vmem_shared>>) offsets(%arg13 : memref<40xi32, #tpu.memory_space<vmem>>) semaphore(%arg24 : memref<!tpu.dma_semaphore, #tpu.memory_space<semaphore_mem>>) {add = true}
      %dma_wait3A_383 = arith.constant 80 : i32
      %dma_wait3A_384 = tpu.memref_slice %arg10[%dma_wait3A_383] : memref<200xi32, #tpu.memory_space<vmem>> -> memref<40xi32, #tpu.memory_space<vmem>>
      %dma_wait3A_385 = arith.constant 0 : i32
      %dma_wait3A_386 = arith.constant 0 : i32
      %dma_wait3A_387 = tpu.memref_slice %arg2[%dma_wait3A_385, %dma_wait3A_386] : memref<10000x128xf32, #tpu.memory_space<hbm>> -> memref<10000x128xf32, #tpu.memory_space<hbm>>
      tpu.wait_indirect_dma semaphore(%arg23 : memref<!tpu.dma_semaphore, #tpu.memory_space<semaphore_mem>>) src(%dma_wait3A_387 : memref<10000x128xf32, #tpu.memory_space<hbm>>) dst(%arg19 : memref<40x128xf32, #tpu.memory_space<vmem>>)
      %dma_start3A_388 = arith.constant 0 : i32
      %dma_start3A_389 = arith.constant 0 : i32
      %dma_start3A_390 = tpu.memref_slice %arg25[%dma_start3A_388, %dma_start3A_389] : memref<10240x128xf32, #tpu.memory_space<vmem_shared>> -> memref<10240x128xf32, #tpu.memory_space<vmem_shared>>
      tpu.enqueue_indirect_dma source(%arg19 : memref<40x128xf32, #tpu.memory_space<vmem>>) target(%dma_start3A_390 : memref<10240x128xf32, #tpu.memory_space<vmem_shared>>) offsets(%arg14 : memref<40xi32, #tpu.memory_space<vmem>>) semaphore(%arg24 : memref<!tpu.dma_semaphore, #tpu.memory_space<semaphore_mem>>) {add = true}
      %dma_wait3A_391 = arith.constant 120 : i32
      %dma_wait3A_392 = tpu.memref_slice %arg10[%dma_wait3A_391] : memref<200xi32, #tpu.memory_space<vmem>> -> memref<40xi32, #tpu.memory_space<vmem>>
      %dma_wait3A_393 = arith.constant 0 : i32
      %dma_wait3A_394 = arith.constant 0 : i32
      %dma_wait3A_395 = tpu.memref_slice %arg2[%dma_wait3A_393, %dma_wait3A_394] : memref<10000x128xf32, #tpu.memory_space<hbm>> -> memref<10000x128xf32, #tpu.memory_space<hbm>>
      tpu.wait_indirect_dma semaphore(%arg23 : memref<!tpu.dma_semaphore, #tpu.memory_space<semaphore_mem>>) src(%dma_wait3A_395 : memref<10000x128xf32, #tpu.memory_space<hbm>>) dst(%arg20 : memref<40x128xf32, #tpu.memory_space<vmem>>)
      %dma_start3A_396 = arith.constant 0 : i32
      %dma_start3A_397 = arith.constant 0 : i32
      %dma_start3A_398 = tpu.memref_slice %arg25[%dma_start3A_396, %dma_start3A_397] : memref<10240x128xf32, #tpu.memory_space<vmem_shared>> -> memref<10240x128xf32, #tpu.memory_space<vmem_shared>>
      tpu.enqueue_indirect_dma source(%arg20 : memref<40x128xf32, #tpu.memory_space<vmem>>) target(%dma_start3A_398 : memref<10240x128xf32, #tpu.memory_space<vmem_shared>>) offsets(%arg15 : memref<40xi32, #tpu.memory_space<vmem>>) semaphore(%arg24 : memref<!tpu.dma_semaphore, #tpu.memory_space<semaphore_mem>>) {add = true}
      %dma_wait3A_399 = arith.constant 160 : i32
      %dma_wait3A_400 = tpu.memref_slice %arg10[%dma_wait3A_399] : memref<200xi32, #tpu.memory_space<vmem>> -> memref<40xi32, #tpu.memory_space<vmem>>
      %dma_wait3A_401 = arith.constant 0 : i32
      %dma_wait3A_402 = arith.constant 0 : i32
      %dma_wait3A_403 = tpu.memref_slice %arg2[%dma_wait3A_401, %dma_wait3A_402] : memref<10000x128xf32, #tpu.memory_space<hbm>> -> memref<10000x128xf32, #tpu.memory_space<hbm>>
      tpu.wait_indirect_dma semaphore(%arg23 : memref<!tpu.dma_semaphore, #tpu.memory_space<semaphore_mem>>) src(%dma_wait3A_403 : memref<10000x128xf32, #tpu.memory_space<hbm>>) dst(%arg21 : memref<40x128xf32, #tpu.memory_space<vmem>>)
      %dma_start3A_404 = arith.constant 0 : i32
      %dma_start3A_405 = arith.constant 0 : i32
      %dma_start3A_406 = tpu.memref_slice %arg25[%dma_start3A_404, %dma_start3A_405] : memref<10240x128xf32, #tpu.memory_space<vmem_shared>> -> memref<10240x128xf32, #tpu.memory_space<vmem_shared>>
      tpu.enqueue_indirect_dma source(%arg21 : memref<40x128xf32, #tpu.memory_space<vmem>>) target(%dma_start3A_406 : memref<10240x128xf32, #tpu.memory_space<vmem_shared>>) offsets(%arg16 : memref<40xi32, #tpu.memory_space<vmem>>) semaphore(%arg24 : memref<!tpu.dma_semaphore, #tpu.memory_space<semaphore_mem>>) {add = true}
    }
    %scan3A_23 = arith.constant 25 : i32
    %dma_wait3A = arith.constant 0 : i32
    %dma_wait3A_24 = arith.constant 0 : i32
    %dma_wait3A_25 = tpu.memref_slice %arg25[%dma_wait3A, %dma_wait3A_24] : memref<10240x128xf32, #tpu.memory_space<vmem_shared>> -> memref<10240x128xf32, #tpu.memory_space<vmem_shared>>
    tpu.wait_indirect_dma semaphore(%arg24 : memref<!tpu.dma_semaphore, #tpu.memory_space<semaphore_mem>>) src(%arg17 : memref<40x128xf32, #tpu.memory_space<vmem>>) dst(%dma_wait3A_25 : memref<10240x128xf32, #tpu.memory_space<vmem_shared>>)
    %dma_wait3A_26 = arith.constant 0 : i32
    %dma_wait3A_27 = arith.constant 0 : i32
    %dma_wait3A_28 = tpu.memref_slice %arg25[%dma_wait3A_26, %dma_wait3A_27] : memref<10240x128xf32, #tpu.memory_space<vmem_shared>> -> memref<10240x128xf32, #tpu.memory_space<vmem_shared>>
    tpu.wait_indirect_dma semaphore(%arg24 : memref<!tpu.dma_semaphore, #tpu.memory_space<semaphore_mem>>) src(%arg18 : memref<40x128xf32, #tpu.memory_space<vmem>>) dst(%dma_wait3A_28 : memref<10240x128xf32, #tpu.memory_space<vmem_shared>>)
    %dma_wait3A_29 = arith.constant 0 : i32
    %dma_wait3A_30 = arith.constant 0 : i32
    %dma_wait3A_31 = tpu.memref_slice %arg25[%dma_wait3A_29, %dma_wait3A_30] : memref<10240x128xf32, #tpu.memory_space<vmem_shared>> -> memref<10240x128xf32, #tpu.memory_space<vmem_shared>>
    tpu.wait_indirect_dma semaphore(%arg24 : memref<!tpu.dma_semaphore, #tpu.memory_space<semaphore_mem>>) src(%arg19 : memref<40x128xf32, #tpu.memory_space<vmem>>) dst(%dma_wait3A_31 : memref<10240x128xf32, #tpu.memory_space<vmem_shared>>)
    %dma_wait3A_32 = arith.constant 0 : i32
    %dma_wait3A_33 = arith.constant 0 : i32
    %dma_wait3A_34 = tpu.memref_slice %arg25[%dma_wait3A_32, %dma_wait3A_33] : memref<10240x128xf32, #tpu.memory_space<vmem_shared>> -> memref<10240x128xf32, #tpu.memory_space<vmem_shared>>
    tpu.wait_indirect_dma semaphore(%arg24 : memref<!tpu.dma_semaphore, #tpu.memory_space<semaphore_mem>>) src(%arg20 : memref<40x128xf32, #tpu.memory_space<vmem>>) dst(%dma_wait3A_34 : memref<10240x128xf32, #tpu.memory_space<vmem_shared>>)
    %dma_wait3A_35 = arith.constant 0 : i32
    %dma_wait3A_36 = arith.constant 0 : i32
    %dma_wait3A_37 = tpu.memref_slice %arg25[%dma_wait3A_35, %dma_wait3A_36] : memref<10240x128xf32, #tpu.memory_space<vmem_shared>> -> memref<10240x128xf32, #tpu.memory_space<vmem_shared>>
    tpu.wait_indirect_dma semaphore(%arg24 : memref<!tpu.dma_semaphore, #tpu.memory_space<semaphore_mem>>) src(%arg21 : memref<40x128xf32, #tpu.memory_space<vmem>>) dst(%dma_wait3A_37 : memref<10240x128xf32, #tpu.memory_space<vmem_shared>>)
    %barrier3A_38 = arith.constant 0 : index
    tpu.barrier barrier_id(%barrier3A_38)
    %mul3A_39 = arith.constant 640 : i32
    %mul3A_40 = arith.muli %arg1, %mul3A_39 : i32
    %dma_start3A_41 = arith.constant 0 : i32
    %dma_start3A_42 = tpu.memref_slice %arg6[%arg0, %mul3A_40, %dma_start3A_41] : memref<2x10240x128xf32, #tpu.memory_space<hbm>> -> memref<1x640x128xf32, #tpu.memory_space<hbm>>
    %dma_start3A_43 = tpu.memref_squeeze %dma_start3A_42 : memref<1x640x128xf32, #tpu.memory_space<hbm>> -> memref<640x128xf32, #tpu.memory_space<hbm>>
    %dma_start3A_44 = arith.constant 0 : i32
    %dma_start3A_45 = tpu.memref_slice %arg25[%mul3A_40, %dma_start3A_44] : memref<10240x128xf32, #tpu.memory_space<vmem_shared>> -> memref<640x128xf32, #tpu.memory_space<vmem_shared>>
    tpu.enqueue_dma source(%dma_start3A_45 : memref<640x128xf32, #tpu.memory_space<vmem_shared>>) target(%dma_start3A_43 : memref<640x128xf32, #tpu.memory_space<hbm>>) target_semaphore(%arg24 : memref<!tpu.dma_semaphore, #tpu.memory_space<semaphore_mem>>)
    %dma_wait3A_46 = arith.constant 0 : i32
    %dma_wait3A_47 = tpu.memref_slice %arg6[%arg0, %mul3A_40, %dma_wait3A_46] : memref<2x10240x128xf32, #tpu.memory_space<hbm>> -> memref<1x640x128xf32, #tpu.memory_space<hbm>>
    %dma_wait3A_48 = tpu.memref_squeeze %dma_wait3A_47 : memref<1x640x128xf32, #tpu.memory_space<hbm>> -> memref<640x128xf32, #tpu.memory_space<hbm>>
    %dma_wait3A_49 = arith.constant 0 : i32
    %dma_wait3A_50 = tpu.memref_slice %arg25[%mul3A_40, %dma_wait3A_49] : memref<10240x128xf32, #tpu.memory_space<vmem_shared>> -> memref<640x128xf32, #tpu.memory_space<vmem_shared>>
    tpu.wait_dma2 semaphore(%arg24 : memref<!tpu.dma_semaphore, #tpu.memory_space<semaphore_mem>>) src(%dma_wait3A_50 : memref<640x128xf32, #tpu.memory_space<vmem_shared>>) dst(%dma_wait3A_48 : memref<640x128xf32, #tpu.memory_space<hbm>>)
    "tpu.region"() ({
      %run_scoped3A = tpu.sem_alloc : memref<!tpu.dma_semaphore, #tpu.memory_space<semaphore_mem>>
      %dma_start3A_51 = arith.constant 0 : i32
      %dma_start3A_52 = tpu.memref_slice %arg7[%add3A, %dma_start3A_51] : memref<32x10240xf32, #tpu.memory_space<hbm>> -> memref<1x10240xf32, #tpu.memory_space<hbm>>
      %dma_start3A_53 = tpu.memref_squeeze %dma_start3A_52 : memref<1x10240xf32, #tpu.memory_space<hbm>> -> memref<10240xf32, #tpu.memory_space<hbm>>
      %dma_start3A_54 = arith.constant 0 : i32
      %dma_start3A_55 = tpu.memref_slice %arg7[%add3A, %dma_start3A_54] : memref<32x10240xf32, #tpu.memory_space<hbm>> -> memref<1x10240xf32, #tpu.memory_space<hbm>>
      %dma_start3A_56 = tpu.memref_squeeze %dma_start3A_55 : memref<1x10240xf32, #tpu.memory_space<hbm>> -> memref<10240xf32, #tpu.memory_space<hbm>>
      tpu.enqueue_dma source(%arg26 : memref<10240xf32, #tpu.memory_space<vmem>>) target(%dma_start3A_56 : memref<10240xf32, #tpu.memory_space<hbm>>) target_semaphore(%run_scoped3A : memref<!tpu.dma_semaphore, #tpu.memory_space<semaphore_mem>>)
      %dma_wait3A_57 = arith.constant 0 : i32
      %dma_wait3A_58 = tpu.memref_slice %arg7[%add3A, %dma_wait3A_57] : memref<32x10240xf32, #tpu.memory_space<hbm>> -> memref<1x10240xf32, #tpu.memory_space<hbm>>
      %dma_wait3A_59 = tpu.memref_squeeze %dma_wait3A_58 : memref<1x10240xf32, #tpu.memory_space<hbm>> -> memref<10240xf32, #tpu.memory_space<hbm>>
      %dma_wait3A_60 = arith.constant 0 : i32
      %dma_wait3A_61 = tpu.memref_slice %arg7[%add3A, %dma_wait3A_60] : memref<32x10240xf32, #tpu.memory_space<hbm>> -> memref<1x10240xf32, #tpu.memory_space<hbm>>
      %dma_wait3A_62 = tpu.memref_squeeze %dma_wait3A_61 : memref<1x10240xf32, #tpu.memory_space<hbm>> -> memref<10240xf32, #tpu.memory_space<hbm>>
      tpu.wait_dma2 semaphore(%run_scoped3A : memref<!tpu.dma_semaphore, #tpu.memory_space<semaphore_mem>>) src(%arg26 : memref<10240xf32, #tpu.memory_space<vmem>>) dst(%dma_wait3A_62 : memref<10240xf32, #tpu.memory_space<hbm>>)
      tpu.yield
    }) : () -> ()
    return
  }
}

#map = affine_map<(d0, d1) -> (0, 0)>
#map1 = affine_map<(d0, d1) -> (0)>
#map2 = affine_map<(d0, d1) -> (0, 0, 0)>
module attributes {stable_mosaic.version = 14 : i64} {
  func.func @agg(%arg0: i32, %arg1: i32, %arg2: memref<10000x128xf32, #tpu.memory_space<hbm>>, %arg3: memref<320000xi32, #tpu.memory_space<hbm>>, %arg4: memref<320000xi32, #tpu.memory_space<hbm>>, %arg5: memref<640x128xf32, #tpu.memory_space<hbm>>, %arg6: memref<2x10240x128xf32, #tpu.memory_space<hbm>>, %arg7: memref<200xi32, #tpu.memory_space<vmem>>, %arg8: memref<200xi32, #tpu.memory_space<vmem>>, %arg9: memref<200xi32, #tpu.memory_space<vmem>>, %arg10: memref<200xi32, #tpu.memory_space<vmem>>, %arg11: memref<40xi32, #tpu.memory_space<vmem>>, %arg12: memref<40xi32, #tpu.memory_space<vmem>>, %arg13: memref<40xi32, #tpu.memory_space<vmem>>, %arg14: memref<40xi32, #tpu.memory_space<vmem>>, %arg15: memref<40xi32, #tpu.memory_space<vmem>>, %arg16: memref<40x128xf32, #tpu.memory_space<vmem>>, %arg17: memref<40x128xf32, #tpu.memory_space<vmem>>, %arg18: memref<40x128xf32, #tpu.memory_space<vmem>>, %arg19: memref<40x128xf32, #tpu.memory_space<vmem>>, %arg20: memref<40x128xf32, #tpu.memory_space<vmem>>, %arg21: memref<!tpu.dma_semaphore, #tpu.memory_space<semaphore_mem>>, %arg22: memref<!tpu.dma_semaphore, #tpu.memory_space<semaphore_mem>>, %arg23: memref<!tpu.dma_semaphore, #tpu.memory_space<semaphore_mem>>, %arg24: memref<10240x128xf32, #tpu.memory_space<vmem_shared>>) attributes {dimension_semantics = [#tpu.dimension_semantics<core_parallel>, #tpu.dimension_semantics<subcore_parallel>], iteration_bounds = array<i64: 2, 16>, scalar_prefetch = 0 : i64, scratch_operands = 18 : i64, tpu.core_type = #tpu.core_type<sc_vector_subcore>, window_params = [{transform_indices = #map}, {transform_indices = #map1}, {transform_indices = #map1}, {transform_indices = #map}, {transform_indices = #map2}]} {
    %mul3A = arith.constant 16 : i32
    %mul3A_0 = arith.muli %arg0, %mul3A : i32
    %add3A = arith.addi %mul3A_0, %arg1 : i32
    %mul3A_1 = arith.constant 640 : i32
    %mul3A_2 = arith.muli %arg1, %mul3A_1 : i32
    "tpu.region"() ({
      %run_scoped3A = tpu.sem_alloc : memref<!tpu.dma_semaphore, #tpu.memory_space<semaphore_mem>>
      %dma_start3A_45 = arith.constant 0 : i32
      %dma_start3A_46 = tpu.memref_slice %arg24[%mul3A_2, %dma_start3A_45] : memref<10240x128xf32, #tpu.memory_space<vmem_shared>> -> memref<640x128xf32, #tpu.memory_space<vmem_shared>>
      tpu.enqueue_dma source(%arg5 : memref<640x128xf32, #tpu.memory_space<hbm>>) target(%dma_start3A_46 : memref<640x128xf32, #tpu.memory_space<vmem_shared>>) target_semaphore(%run_scoped3A : memref<!tpu.dma_semaphore, #tpu.memory_space<semaphore_mem>>)
      %dma_wait3A_47 = arith.constant 0 : i32
      %dma_wait3A_48 = tpu.memref_slice %arg24[%mul3A_2, %dma_wait3A_47] : memref<10240x128xf32, #tpu.memory_space<vmem_shared>> -> memref<640x128xf32, #tpu.memory_space<vmem_shared>>
      tpu.wait_dma2 semaphore(%run_scoped3A : memref<!tpu.dma_semaphore, #tpu.memory_space<semaphore_mem>>) src(%arg5 : memref<640x128xf32, #tpu.memory_space<hbm>>) dst(%dma_wait3A_48 : memref<640x128xf32, #tpu.memory_space<vmem_shared>>)
      tpu.yield
    }) : () -> ()
    %barrier3A = arith.constant 0 : index
    tpu.barrier barrier_id(%barrier3A)
    %broadcast_in_dim3A = arith.constant 1.000000e+00 : f32
    %broadcast_in_dim3A_3 = vector.broadcast %broadcast_in_dim3A : f32 to vector<16xf32>
    %iota3A = tpu.iota {dimensions = array<i32: 0>} : vector<16xi32>
    %ge3A = arith.constant 8 : i32
    %ge3A_4 = vector.broadcast %ge3A : i32 to vector<16xi32>
    %ge3A_5 = arith.cmpi sge, %iota3A, %ge3A_4 : vector<16xi32>
    %mul3A_6 = arith.constant 10000 : i32
    %mul3A_7 = arith.muli %add3A, %mul3A_6 : i32
    %add3A_8 = arith.constant 0 : i32
    %add3A_9 = arith.addi %mul3A_7, %add3A_8 : i32
    %dma_start3A = tpu.memref_slice %arg3[%add3A_9] : memref<320000xi32, #tpu.memory_space<hbm>> -> memref<200xi32, #tpu.memory_space<hbm>>
    %dma_start3A_10 = tpu.memref_slice %arg3[%add3A_9] : memref<320000xi32, #tpu.memory_space<hbm>> -> memref<200xi32, #tpu.memory_space<hbm>>
    tpu.enqueue_dma source(%dma_start3A_10 : memref<200xi32, #tpu.memory_space<hbm>>) target(%arg7 : memref<200xi32, #tpu.memory_space<vmem>>) target_semaphore(%arg21 : memref<!tpu.dma_semaphore, #tpu.memory_space<semaphore_mem>>)
    %dma_start3A_11 = tpu.memref_slice %arg4[%add3A_9] : memref<320000xi32, #tpu.memory_space<hbm>> -> memref<200xi32, #tpu.memory_space<hbm>>
    %dma_start3A_12 = tpu.memref_slice %arg4[%add3A_9] : memref<320000xi32, #tpu.memory_space<hbm>> -> memref<200xi32, #tpu.memory_space<hbm>>
    tpu.enqueue_dma source(%dma_start3A_12 : memref<200xi32, #tpu.memory_space<hbm>>) target(%arg8 : memref<200xi32, #tpu.memory_space<vmem>>) target_semaphore(%arg21 : memref<!tpu.dma_semaphore, #tpu.memory_space<semaphore_mem>>)
    %scan3A = arith.constant 0 : i32
    %scan3A_13 = arith.constant 0 : i32
    %scan3A_14 = arith.constant 25 : i32
    %scan3A_15 = arith.addi %scan3A_13, %scan3A_14 : i32
    %scan3A_16 = arith.constant 1 : i32
    scf.for %scan3A_45 = %scan3A_13 to %scan3A_15 step %scan3A_16  : i32 {
      %mul3A_46 = arith.constant 2 : i32
      %mul3A_47 = arith.muli %mul3A_46, %scan3A_45 : i32
      %mul3A_48 = arith.constant 10000 : i32
      %mul3A_49 = arith.muli %add3A, %mul3A_48 : i32
      %mul3A_50 = arith.constant 200 : i32
      %mul3A_51 = arith.muli %mul3A_47, %mul3A_50 : i32
      %add3A_52 = arith.addi %mul3A_49, %mul3A_51 : i32
      %dma_wait3A_53 = tpu.memref_slice %arg3[%add3A_52] : memref<320000xi32, #tpu.memory_space<hbm>> -> memref<200xi32, #tpu.memory_space<hbm>>
      %dma_wait3A_54 = tpu.memref_slice %arg3[%add3A_52] : memref<320000xi32, #tpu.memory_space<hbm>> -> memref<200xi32, #tpu.memory_space<hbm>>
      tpu.wait_dma2 semaphore(%arg21 : memref<!tpu.dma_semaphore, #tpu.memory_space<semaphore_mem>>) src(%dma_wait3A_54 : memref<200xi32, #tpu.memory_space<hbm>>) dst(%arg7 : memref<200xi32, #tpu.memory_space<vmem>>)
      %dma_wait3A_55 = tpu.memref_slice %arg4[%add3A_52] : memref<320000xi32, #tpu.memory_space<hbm>> -> memref<200xi32, #tpu.memory_space<hbm>>
      %dma_wait3A_56 = tpu.memref_slice %arg4[%add3A_52] : memref<320000xi32, #tpu.memory_space<hbm>> -> memref<200xi32, #tpu.memory_space<hbm>>
      tpu.wait_dma2 semaphore(%arg21 : memref<!tpu.dma_semaphore, #tpu.memory_space<semaphore_mem>>) src(%dma_wait3A_56 : memref<200xi32, #tpu.memory_space<hbm>>) dst(%arg8 : memref<200xi32, #tpu.memory_space<vmem>>)
      %add3A_57 = arith.constant 1 : i32
      %add3A_58 = arith.addi %mul3A_47, %add3A_57 : i32
      %mul3A_59 = arith.constant 10000 : i32
      %mul3A_60 = arith.muli %add3A, %mul3A_59 : i32
      %mul3A_61 = arith.constant 200 : i32
      %mul3A_62 = arith.muli %add3A_58, %mul3A_61 : i32
      %add3A_63 = arith.addi %mul3A_60, %mul3A_62 : i32
      %dma_start3A_64 = tpu.memref_slice %arg3[%add3A_63] : memref<320000xi32, #tpu.memory_space<hbm>> -> memref<200xi32, #tpu.memory_space<hbm>>
      %dma_start3A_65 = tpu.memref_slice %arg3[%add3A_63] : memref<320000xi32, #tpu.memory_space<hbm>> -> memref<200xi32, #tpu.memory_space<hbm>>
      tpu.enqueue_dma source(%dma_start3A_65 : memref<200xi32, #tpu.memory_space<hbm>>) target(%arg9 : memref<200xi32, #tpu.memory_space<vmem>>) target_semaphore(%arg21 : memref<!tpu.dma_semaphore, #tpu.memory_space<semaphore_mem>>)
      %dma_start3A_66 = tpu.memref_slice %arg4[%add3A_63] : memref<320000xi32, #tpu.memory_space<hbm>> -> memref<200xi32, #tpu.memory_space<hbm>>
      %dma_start3A_67 = tpu.memref_slice %arg4[%add3A_63] : memref<320000xi32, #tpu.memory_space<hbm>> -> memref<200xi32, #tpu.memory_space<hbm>>
      tpu.enqueue_dma source(%dma_start3A_67 : memref<200xi32, #tpu.memory_space<hbm>>) target(%arg10 : memref<200xi32, #tpu.memory_space<vmem>>) target_semaphore(%arg21 : memref<!tpu.dma_semaphore, #tpu.memory_space<semaphore_mem>>)
      %gt3A = arith.constant 0 : i32
      %gt3A_68 = arith.cmpi sgt, %scan3A_45, %gt3A : i32
      %convert_element_type3A = arith.extui %gt3A_68 : i1 to i32
      %cond3A = arith.constant 0 : i32
      %cond3A_69 = arith.cmpi ne, %convert_element_type3A, %cond3A : i32
      scf.if %cond3A_69 {
        %dma_wait3A_341 = arith.constant 0 : i32
        %dma_wait3A_342 = arith.constant 0 : i32
        %dma_wait3A_343 = tpu.memref_slice %arg24[%dma_wait3A_341, %dma_wait3A_342] : memref<10240x128xf32, #tpu.memory_space<vmem_shared>> -> memref<10240x128xf32, #tpu.memory_space<vmem_shared>>
        tpu.wait_indirect_dma semaphore(%arg23 : memref<!tpu.dma_semaphore, #tpu.memory_space<semaphore_mem>>) src(%arg16 : memref<40x128xf32, #tpu.memory_space<vmem>>) dst(%dma_wait3A_343 : memref<10240x128xf32, #tpu.memory_space<vmem_shared>>)
        %dma_wait3A_344 = arith.constant 0 : i32
        %dma_wait3A_345 = arith.constant 0 : i32
        %dma_wait3A_346 = tpu.memref_slice %arg24[%dma_wait3A_344, %dma_wait3A_345] : memref<10240x128xf32, #tpu.memory_space<vmem_shared>> -> memref<10240x128xf32, #tpu.memory_space<vmem_shared>>
        tpu.wait_indirect_dma semaphore(%arg23 : memref<!tpu.dma_semaphore, #tpu.memory_space<semaphore_mem>>) src(%arg17 : memref<40x128xf32, #tpu.memory_space<vmem>>) dst(%dma_wait3A_346 : memref<10240x128xf32, #tpu.memory_space<vmem_shared>>)
        %dma_wait3A_347 = arith.constant 0 : i32
        %dma_wait3A_348 = arith.constant 0 : i32
        %dma_wait3A_349 = tpu.memref_slice %arg24[%dma_wait3A_347, %dma_wait3A_348] : memref<10240x128xf32, #tpu.memory_space<vmem_shared>> -> memref<10240x128xf32, #tpu.memory_space<vmem_shared>>
        tpu.wait_indirect_dma semaphore(%arg23 : memref<!tpu.dma_semaphore, #tpu.memory_space<semaphore_mem>>) src(%arg18 : memref<40x128xf32, #tpu.memory_space<vmem>>) dst(%dma_wait3A_349 : memref<10240x128xf32, #tpu.memory_space<vmem_shared>>)
        %dma_wait3A_350 = arith.constant 0 : i32
        %dma_wait3A_351 = arith.constant 0 : i32
        %dma_wait3A_352 = tpu.memref_slice %arg24[%dma_wait3A_350, %dma_wait3A_351] : memref<10240x128xf32, #tpu.memory_space<vmem_shared>> -> memref<10240x128xf32, #tpu.memory_space<vmem_shared>>
        tpu.wait_indirect_dma semaphore(%arg23 : memref<!tpu.dma_semaphore, #tpu.memory_space<semaphore_mem>>) src(%arg19 : memref<40x128xf32, #tpu.memory_space<vmem>>) dst(%dma_wait3A_352 : memref<10240x128xf32, #tpu.memory_space<vmem_shared>>)
        %dma_wait3A_353 = arith.constant 0 : i32
        %dma_wait3A_354 = arith.constant 0 : i32
        %dma_wait3A_355 = tpu.memref_slice %arg24[%dma_wait3A_353, %dma_wait3A_354] : memref<10240x128xf32, #tpu.memory_space<vmem_shared>> -> memref<10240x128xf32, #tpu.memory_space<vmem_shared>>
        tpu.wait_indirect_dma semaphore(%arg23 : memref<!tpu.dma_semaphore, #tpu.memory_space<semaphore_mem>>) src(%arg20 : memref<40x128xf32, #tpu.memory_space<vmem>>) dst(%dma_wait3A_355 : memref<10240x128xf32, #tpu.memory_space<vmem_shared>>)
      } else {
      }
      %get3A = arith.constant 0 : index
      %get3A_70 = tpu.vector_load %arg8[%get3A] {strides = array<i32>} : memref<200xi32, #tpu.memory_space<vmem>>, vector<16xi32>,
      %swap3A = arith.constant 0 : index
      %swap3A_71 = tpu.vector_load %arg11[%swap3A] {strides = array<i32>} : memref<40xi32, #tpu.memory_space<vmem>>, vector<16xi32>,
      tpu.vector_store %arg11[%swap3A], %get3A_70 {strides = array<i32>} : memref<40xi32, #tpu.memory_space<vmem>>, vector<16xi32>,
      %get3A_72 = arith.constant 16 : index
      %get3A_73 = tpu.vector_load %arg8[%get3A_72] {strides = array<i32>} : memref<200xi32, #tpu.memory_space<vmem>>, vector<16xi32>,
      %swap3A_74 = arith.constant 16 : index
      %swap3A_75 = tpu.vector_load %arg11[%swap3A_74] {strides = array<i32>} : memref<40xi32, #tpu.memory_space<vmem>>, vector<16xi32>,
      tpu.vector_store %arg11[%swap3A_74], %get3A_73 {strides = array<i32>} : memref<40xi32, #tpu.memory_space<vmem>>, vector<16xi32>,
      %get3A_76 = arith.constant 24 : index
      %get3A_77 = tpu.vector_load %arg8[%get3A_76] {strides = array<i32>} : memref<200xi32, #tpu.memory_space<vmem>>, vector<16xi32>,
      %swap3A_78 = arith.constant 24 : index
      %swap3A_79 = tpu.vector_load %arg11[%swap3A_78] {strides = array<i32>} : memref<40xi32, #tpu.memory_space<vmem>>, vector<16xi32>,
      tpu.vector_store %arg11[%swap3A_78], %get3A_77 {strides = array<i32>} : memref<40xi32, #tpu.memory_space<vmem>>, vector<16xi32>,
      %get3A_80 = arith.constant 40 : index
      %get3A_81 = tpu.vector_load %arg8[%get3A_80] {strides = array<i32>} : memref<200xi32, #tpu.memory_space<vmem>>, vector<16xi32>,
      %swap3A_82 = arith.constant 0 : index
      %swap3A_83 = tpu.vector_load %arg12[%swap3A_82] {strides = array<i32>} : memref<40xi32, #tpu.memory_space<vmem>>, vector<16xi32>,
      tpu.vector_store %arg12[%swap3A_82], %get3A_81 {strides = array<i32>} : memref<40xi32, #tpu.memory_space<vmem>>, vector<16xi32>,
      %get3A_84 = arith.constant 56 : index
      %get3A_85 = tpu.vector_load %arg8[%get3A_84] {strides = array<i32>} : memref<200xi32, #tpu.memory_space<vmem>>, vector<16xi32>,
      %swap3A_86 = arith.constant 16 : index
      %swap3A_87 = tpu.vector_load %arg12[%swap3A_86] {strides = array<i32>} : memref<40xi32, #tpu.memory_space<vmem>>, vector<16xi32>,
      tpu.vector_store %arg12[%swap3A_86], %get3A_85 {strides = array<i32>} : memref<40xi32, #tpu.memory_space<vmem>>, vector<16xi32>,
      %get3A_88 = arith.constant 64 : index
      %get3A_89 = tpu.vector_load %arg8[%get3A_88] {strides = array<i32>} : memref<200xi32, #tpu.memory_space<vmem>>, vector<16xi32>,
      %swap3A_90 = arith.constant 24 : index
      %swap3A_91 = tpu.vector_load %arg12[%swap3A_90] {strides = array<i32>} : memref<40xi32, #tpu.memory_space<vmem>>, vector<16xi32>,
      tpu.vector_store %arg12[%swap3A_90], %get3A_89 {strides = array<i32>} : memref<40xi32, #tpu.memory_space<vmem>>, vector<16xi32>,
      %get3A_92 = arith.constant 80 : index
      %get3A_93 = tpu.vector_load %arg8[%get3A_92] {strides = array<i32>} : memref<200xi32, #tpu.memory_space<vmem>>, vector<16xi32>,
      %swap3A_94 = arith.constant 0 : index
      %swap3A_95 = tpu.vector_load %arg13[%swap3A_94] {strides = array<i32>} : memref<40xi32, #tpu.memory_space<vmem>>, vector<16xi32>,
      tpu.vector_store %arg13[%swap3A_94], %get3A_93 {strides = array<i32>} : memref<40xi32, #tpu.memory_space<vmem>>, vector<16xi32>,
      %get3A_96 = arith.constant 96 : index
      %get3A_97 = tpu.vector_load %arg8[%get3A_96] {strides = array<i32>} : memref<200xi32, #tpu.memory_space<vmem>>, vector<16xi32>,
      %swap3A_98 = arith.constant 16 : index
      %swap3A_99 = tpu.vector_load %arg13[%swap3A_98] {strides = array<i32>} : memref<40xi32, #tpu.memory_space<vmem>>, vector<16xi32>,
      tpu.vector_store %arg13[%swap3A_98], %get3A_97 {strides = array<i32>} : memref<40xi32, #tpu.memory_space<vmem>>, vector<16xi32>,
      %get3A_100 = arith.constant 104 : index
      %get3A_101 = tpu.vector_load %arg8[%get3A_100] {strides = array<i32>} : memref<200xi32, #tpu.memory_space<vmem>>, vector<16xi32>,
      %swap3A_102 = arith.constant 24 : index
      %swap3A_103 = tpu.vector_load %arg13[%swap3A_102] {strides = array<i32>} : memref<40xi32, #tpu.memory_space<vmem>>, vector<16xi32>,
      tpu.vector_store %arg13[%swap3A_102], %get3A_101 {strides = array<i32>} : memref<40xi32, #tpu.memory_space<vmem>>, vector<16xi32>,
      %get3A_104 = arith.constant 120 : index
      %get3A_105 = tpu.vector_load %arg8[%get3A_104] {strides = array<i32>} : memref<200xi32, #tpu.memory_space<vmem>>, vector<16xi32>,
      %swap3A_106 = arith.constant 0 : index
      %swap3A_107 = tpu.vector_load %arg14[%swap3A_106] {strides = array<i32>} : memref<40xi32, #tpu.memory_space<vmem>>, vector<16xi32>,
      tpu.vector_store %arg14[%swap3A_106], %get3A_105 {strides = array<i32>} : memref<40xi32, #tpu.memory_space<vmem>>, vector<16xi32>,
      %get3A_108 = arith.constant 136 : index
      %get3A_109 = tpu.vector_load %arg8[%get3A_108] {strides = array<i32>} : memref<200xi32, #tpu.memory_space<vmem>>, vector<16xi32>,
      %swap3A_110 = arith.constant 16 : index
      %swap3A_111 = tpu.vector_load %arg14[%swap3A_110] {strides = array<i32>} : memref<40xi32, #tpu.memory_space<vmem>>, vector<16xi32>,
      tpu.vector_store %arg14[%swap3A_110], %get3A_109 {strides = array<i32>} : memref<40xi32, #tpu.memory_space<vmem>>, vector<16xi32>,
      %get3A_112 = arith.constant 144 : index
      %get3A_113 = tpu.vector_load %arg8[%get3A_112] {strides = array<i32>} : memref<200xi32, #tpu.memory_space<vmem>>, vector<16xi32>,
      %swap3A_114 = arith.constant 24 : index
      %swap3A_115 = tpu.vector_load %arg14[%swap3A_114] {strides = array<i32>} : memref<40xi32, #tpu.memory_space<vmem>>, vector<16xi32>,
      tpu.vector_store %arg14[%swap3A_114], %get3A_113 {strides = array<i32>} : memref<40xi32, #tpu.memory_space<vmem>>, vector<16xi32>,
      %get3A_116 = arith.constant 160 : index
      %get3A_117 = tpu.vector_load %arg8[%get3A_116] {strides = array<i32>} : memref<200xi32, #tpu.memory_space<vmem>>, vector<16xi32>,
      %swap3A_118 = arith.constant 0 : index
      %swap3A_119 = tpu.vector_load %arg15[%swap3A_118] {strides = array<i32>} : memref<40xi32, #tpu.memory_space<vmem>>, vector<16xi32>,
      tpu.vector_store %arg15[%swap3A_118], %get3A_117 {strides = array<i32>} : memref<40xi32, #tpu.memory_space<vmem>>, vector<16xi32>,
      %get3A_120 = arith.constant 176 : index
      %get3A_121 = tpu.vector_load %arg8[%get3A_120] {strides = array<i32>} : memref<200xi32, #tpu.memory_space<vmem>>, vector<16xi32>,
      %swap3A_122 = arith.constant 16 : index
      %swap3A_123 = tpu.vector_load %arg15[%swap3A_122] {strides = array<i32>} : memref<40xi32, #tpu.memory_space<vmem>>, vector<16xi32>,
      tpu.vector_store %arg15[%swap3A_122], %get3A_121 {strides = array<i32>} : memref<40xi32, #tpu.memory_space<vmem>>, vector<16xi32>,
      %get3A_124 = arith.constant 184 : index
      %get3A_125 = tpu.vector_load %arg8[%get3A_124] {strides = array<i32>} : memref<200xi32, #tpu.memory_space<vmem>>, vector<16xi32>,
      %swap3A_126 = arith.constant 24 : index
      %swap3A_127 = tpu.vector_load %arg15[%swap3A_126] {strides = array<i32>} : memref<40xi32, #tpu.memory_space<vmem>>, vector<16xi32>,
      tpu.vector_store %arg15[%swap3A_126], %get3A_125 {strides = array<i32>} : memref<40xi32, #tpu.memory_space<vmem>>, vector<16xi32>,
      %dma_start3A_128 = arith.constant 0 : i32
      %dma_start3A_129 = tpu.memref_slice %arg7[%dma_start3A_128] : memref<200xi32, #tpu.memory_space<vmem>> -> memref<40xi32, #tpu.memory_space<vmem>>
      %dma_start3A_130 = arith.constant 0 : i32
      %dma_start3A_131 = arith.constant 0 : i32
      %dma_start3A_132 = tpu.memref_slice %arg2[%dma_start3A_130, %dma_start3A_131] : memref<10000x128xf32, #tpu.memory_space<hbm>> -> memref<10000x128xf32, #tpu.memory_space<hbm>>
      tpu.enqueue_indirect_dma source(%dma_start3A_132 : memref<10000x128xf32, #tpu.memory_space<hbm>>) target(%arg16 : memref<40x128xf32, #tpu.memory_space<vmem>>) offsets(%dma_start3A_129 : memref<40xi32, #tpu.memory_space<vmem>>) semaphore(%arg22 : memref<!tpu.dma_semaphore, #tpu.memory_space<semaphore_mem>>)
      %dma_start3A_133 = arith.constant 40 : i32
      %dma_start3A_134 = tpu.memref_slice %arg7[%dma_start3A_133] : memref<200xi32, #tpu.memory_space<vmem>> -> memref<40xi32, #tpu.memory_space<vmem>>
      %dma_start3A_135 = arith.constant 0 : i32
      %dma_start3A_136 = arith.constant 0 : i32
      %dma_start3A_137 = tpu.memref_slice %arg2[%dma_start3A_135, %dma_start3A_136] : memref<10000x128xf32, #tpu.memory_space<hbm>> -> memref<10000x128xf32, #tpu.memory_space<hbm>>
      tpu.enqueue_indirect_dma source(%dma_start3A_137 : memref<10000x128xf32, #tpu.memory_space<hbm>>) target(%arg17 : memref<40x128xf32, #tpu.memory_space<vmem>>) offsets(%dma_start3A_134 : memref<40xi32, #tpu.memory_space<vmem>>) semaphore(%arg22 : memref<!tpu.dma_semaphore, #tpu.memory_space<semaphore_mem>>)
      %dma_start3A_138 = arith.constant 80 : i32
      %dma_start3A_139 = tpu.memref_slice %arg7[%dma_start3A_138] : memref<200xi32, #tpu.memory_space<vmem>> -> memref<40xi32, #tpu.memory_space<vmem>>
      %dma_start3A_140 = arith.constant 0 : i32
      %dma_start3A_141 = arith.constant 0 : i32
      %dma_start3A_142 = tpu.memref_slice %arg2[%dma_start3A_140, %dma_start3A_141] : memref<10000x128xf32, #tpu.memory_space<hbm>> -> memref<10000x128xf32, #tpu.memory_space<hbm>>
      tpu.enqueue_indirect_dma source(%dma_start3A_142 : memref<10000x128xf32, #tpu.memory_space<hbm>>) target(%arg18 : memref<40x128xf32, #tpu.memory_space<vmem>>) offsets(%dma_start3A_139 : memref<40xi32, #tpu.memory_space<vmem>>) semaphore(%arg22 : memref<!tpu.dma_semaphore, #tpu.memory_space<semaphore_mem>>)
      %dma_start3A_143 = arith.constant 120 : i32
      %dma_start3A_144 = tpu.memref_slice %arg7[%dma_start3A_143] : memref<200xi32, #tpu.memory_space<vmem>> -> memref<40xi32, #tpu.memory_space<vmem>>
      %dma_start3A_145 = arith.constant 0 : i32
      %dma_start3A_146 = arith.constant 0 : i32
      %dma_start3A_147 = tpu.memref_slice %arg2[%dma_start3A_145, %dma_start3A_146] : memref<10000x128xf32, #tpu.memory_space<hbm>> -> memref<10000x128xf32, #tpu.memory_space<hbm>>
      tpu.enqueue_indirect_dma source(%dma_start3A_147 : memref<10000x128xf32, #tpu.memory_space<hbm>>) target(%arg19 : memref<40x128xf32, #tpu.memory_space<vmem>>) offsets(%dma_start3A_144 : memref<40xi32, #tpu.memory_space<vmem>>) semaphore(%arg22 : memref<!tpu.dma_semaphore, #tpu.memory_space<semaphore_mem>>)
      %dma_start3A_148 = arith.constant 160 : i32
      %dma_start3A_149 = tpu.memref_slice %arg7[%dma_start3A_148] : memref<200xi32, #tpu.memory_space<vmem>> -> memref<40xi32, #tpu.memory_space<vmem>>
      %dma_start3A_150 = arith.constant 0 : i32
      %dma_start3A_151 = arith.constant 0 : i32
      %dma_start3A_152 = tpu.memref_slice %arg2[%dma_start3A_150, %dma_start3A_151] : memref<10000x128xf32, #tpu.memory_space<hbm>> -> memref<10000x128xf32, #tpu.memory_space<hbm>>
      tpu.enqueue_indirect_dma source(%dma_start3A_152 : memref<10000x128xf32, #tpu.memory_space<hbm>>) target(%arg20 : memref<40x128xf32, #tpu.memory_space<vmem>>) offsets(%dma_start3A_149 : memref<40xi32, #tpu.memory_space<vmem>>) semaphore(%arg22 : memref<!tpu.dma_semaphore, #tpu.memory_space<semaphore_mem>>)
      %dma_wait3A_153 = arith.constant 0 : i32
      %dma_wait3A_154 = tpu.memref_slice %arg7[%dma_wait3A_153] : memref<200xi32, #tpu.memory_space<vmem>> -> memref<40xi32, #tpu.memory_space<vmem>>
      %dma_wait3A_155 = arith.constant 0 : i32
      %dma_wait3A_156 = arith.constant 0 : i32
      %dma_wait3A_157 = tpu.memref_slice %arg2[%dma_wait3A_155, %dma_wait3A_156] : memref<10000x128xf32, #tpu.memory_space<hbm>> -> memref<10000x128xf32, #tpu.memory_space<hbm>>
      tpu.wait_indirect_dma semaphore(%arg22 : memref<!tpu.dma_semaphore, #tpu.memory_space<semaphore_mem>>) src(%dma_wait3A_157 : memref<10000x128xf32, #tpu.memory_space<hbm>>) dst(%arg16 : memref<40x128xf32, #tpu.memory_space<vmem>>)
      %dma_start3A_158 = arith.constant 0 : i32
      %dma_start3A_159 = arith.constant 0 : i32
      %dma_start3A_160 = tpu.memref_slice %arg24[%dma_start3A_158, %dma_start3A_159] : memref<10240x128xf32, #tpu.memory_space<vmem_shared>> -> memref<10240x128xf32, #tpu.memory_space<vmem_shared>>
      tpu.enqueue_indirect_dma source(%arg16 : memref<40x128xf32, #tpu.memory_space<vmem>>) target(%dma_start3A_160 : memref<10240x128xf32, #tpu.memory_space<vmem_shared>>) offsets(%arg11 : memref<40xi32, #tpu.memory_space<vmem>>) semaphore(%arg23 : memref<!tpu.dma_semaphore, #tpu.memory_space<semaphore_mem>>) {add = true}
      %dma_wait3A_161 = arith.constant 40 : i32
      %dma_wait3A_162 = tpu.memref_slice %arg7[%dma_wait3A_161] : memref<200xi32, #tpu.memory_space<vmem>> -> memref<40xi32, #tpu.memory_space<vmem>>
      %dma_wait3A_163 = arith.constant 0 : i32
      %dma_wait3A_164 = arith.constant 0 : i32
      %dma_wait3A_165 = tpu.memref_slice %arg2[%dma_wait3A_163, %dma_wait3A_164] : memref<10000x128xf32, #tpu.memory_space<hbm>> -> memref<10000x128xf32, #tpu.memory_space<hbm>>
      tpu.wait_indirect_dma semaphore(%arg22 : memref<!tpu.dma_semaphore, #tpu.memory_space<semaphore_mem>>) src(%dma_wait3A_165 : memref<10000x128xf32, #tpu.memory_space<hbm>>) dst(%arg17 : memref<40x128xf32, #tpu.memory_space<vmem>>)
      %dma_start3A_166 = arith.constant 0 : i32
      %dma_start3A_167 = arith.constant 0 : i32
      %dma_start3A_168 = tpu.memref_slice %arg24[%dma_start3A_166, %dma_start3A_167] : memref<10240x128xf32, #tpu.memory_space<vmem_shared>> -> memref<10240x128xf32, #tpu.memory_space<vmem_shared>>
      tpu.enqueue_indirect_dma source(%arg17 : memref<40x128xf32, #tpu.memory_space<vmem>>) target(%dma_start3A_168 : memref<10240x128xf32, #tpu.memory_space<vmem_shared>>) offsets(%arg12 : memref<40xi32, #tpu.memory_space<vmem>>) semaphore(%arg23 : memref<!tpu.dma_semaphore, #tpu.memory_space<semaphore_mem>>) {add = true}
      %dma_wait3A_169 = arith.constant 80 : i32
      %dma_wait3A_170 = tpu.memref_slice %arg7[%dma_wait3A_169] : memref<200xi32, #tpu.memory_space<vmem>> -> memref<40xi32, #tpu.memory_space<vmem>>
      %dma_wait3A_171 = arith.constant 0 : i32
      %dma_wait3A_172 = arith.constant 0 : i32
      %dma_wait3A_173 = tpu.memref_slice %arg2[%dma_wait3A_171, %dma_wait3A_172] : memref<10000x128xf32, #tpu.memory_space<hbm>> -> memref<10000x128xf32, #tpu.memory_space<hbm>>
      tpu.wait_indirect_dma semaphore(%arg22 : memref<!tpu.dma_semaphore, #tpu.memory_space<semaphore_mem>>) src(%dma_wait3A_173 : memref<10000x128xf32, #tpu.memory_space<hbm>>) dst(%arg18 : memref<40x128xf32, #tpu.memory_space<vmem>>)
      %dma_start3A_174 = arith.constant 0 : i32
      %dma_start3A_175 = arith.constant 0 : i32
      %dma_start3A_176 = tpu.memref_slice %arg24[%dma_start3A_174, %dma_start3A_175] : memref<10240x128xf32, #tpu.memory_space<vmem_shared>> -> memref<10240x128xf32, #tpu.memory_space<vmem_shared>>
      tpu.enqueue_indirect_dma source(%arg18 : memref<40x128xf32, #tpu.memory_space<vmem>>) target(%dma_start3A_176 : memref<10240x128xf32, #tpu.memory_space<vmem_shared>>) offsets(%arg13 : memref<40xi32, #tpu.memory_space<vmem>>) semaphore(%arg23 : memref<!tpu.dma_semaphore, #tpu.memory_space<semaphore_mem>>) {add = true}
      %dma_wait3A_177 = arith.constant 120 : i32
      %dma_wait3A_178 = tpu.memref_slice %arg7[%dma_wait3A_177] : memref<200xi32, #tpu.memory_space<vmem>> -> memref<40xi32, #tpu.memory_space<vmem>>
      %dma_wait3A_179 = arith.constant 0 : i32
      %dma_wait3A_180 = arith.constant 0 : i32
      %dma_wait3A_181 = tpu.memref_slice %arg2[%dma_wait3A_179, %dma_wait3A_180] : memref<10000x128xf32, #tpu.memory_space<hbm>> -> memref<10000x128xf32, #tpu.memory_space<hbm>>
      tpu.wait_indirect_dma semaphore(%arg22 : memref<!tpu.dma_semaphore, #tpu.memory_space<semaphore_mem>>) src(%dma_wait3A_181 : memref<10000x128xf32, #tpu.memory_space<hbm>>) dst(%arg19 : memref<40x128xf32, #tpu.memory_space<vmem>>)
      %dma_start3A_182 = arith.constant 0 : i32
      %dma_start3A_183 = arith.constant 0 : i32
      %dma_start3A_184 = tpu.memref_slice %arg24[%dma_start3A_182, %dma_start3A_183] : memref<10240x128xf32, #tpu.memory_space<vmem_shared>> -> memref<10240x128xf32, #tpu.memory_space<vmem_shared>>
      tpu.enqueue_indirect_dma source(%arg19 : memref<40x128xf32, #tpu.memory_space<vmem>>) target(%dma_start3A_184 : memref<10240x128xf32, #tpu.memory_space<vmem_shared>>) offsets(%arg14 : memref<40xi32, #tpu.memory_space<vmem>>) semaphore(%arg23 : memref<!tpu.dma_semaphore, #tpu.memory_space<semaphore_mem>>) {add = true}
      %dma_wait3A_185 = arith.constant 160 : i32
      %dma_wait3A_186 = tpu.memref_slice %arg7[%dma_wait3A_185] : memref<200xi32, #tpu.memory_space<vmem>> -> memref<40xi32, #tpu.memory_space<vmem>>
      %dma_wait3A_187 = arith.constant 0 : i32
      %dma_wait3A_188 = arith.constant 0 : i32
      %dma_wait3A_189 = tpu.memref_slice %arg2[%dma_wait3A_187, %dma_wait3A_188] : memref<10000x128xf32, #tpu.memory_space<hbm>> -> memref<10000x128xf32, #tpu.memory_space<hbm>>
      tpu.wait_indirect_dma semaphore(%arg22 : memref<!tpu.dma_semaphore, #tpu.memory_space<semaphore_mem>>) src(%dma_wait3A_189 : memref<10000x128xf32, #tpu.memory_space<hbm>>) dst(%arg20 : memref<40x128xf32, #tpu.memory_space<vmem>>)
      %dma_start3A_190 = arith.constant 0 : i32
      %dma_start3A_191 = arith.constant 0 : i32
      %dma_start3A_192 = tpu.memref_slice %arg24[%dma_start3A_190, %dma_start3A_191] : memref<10240x128xf32, #tpu.memory_space<vmem_shared>> -> memref<10240x128xf32, #tpu.memory_space<vmem_shared>>
      tpu.enqueue_indirect_dma source(%arg20 : memref<40x128xf32, #tpu.memory_space<vmem>>) target(%dma_start3A_192 : memref<10240x128xf32, #tpu.memory_space<vmem_shared>>) offsets(%arg15 : memref<40xi32, #tpu.memory_space<vmem>>) semaphore(%arg23 : memref<!tpu.dma_semaphore, #tpu.memory_space<semaphore_mem>>) {add = true}
      %dma_wait3A_193 = tpu.memref_slice %arg3[%add3A_63] : memref<320000xi32, #tpu.memory_space<hbm>> -> memref<200xi32, #tpu.memory_space<hbm>>
      %dma_wait3A_194 = tpu.memref_slice %arg3[%add3A_63] : memref<320000xi32, #tpu.memory_space<hbm>> -> memref<200xi32, #tpu.memory_space<hbm>>
      tpu.wait_dma2 semaphore(%arg21 : memref<!tpu.dma_semaphore, #tpu.memory_space<semaphore_mem>>) src(%dma_wait3A_194 : memref<200xi32, #tpu.memory_space<hbm>>) dst(%arg9 : memref<200xi32, #tpu.memory_space<vmem>>)
      %dma_wait3A_195 = tpu.memref_slice %arg4[%add3A_63] : memref<320000xi32, #tpu.memory_space<hbm>> -> memref<200xi32, #tpu.memory_space<hbm>>
      %dma_wait3A_196 = tpu.memref_slice %arg4[%add3A_63] : memref<320000xi32, #tpu.memory_space<hbm>> -> memref<200xi32, #tpu.memory_space<hbm>>
      tpu.wait_dma2 semaphore(%arg21 : memref<!tpu.dma_semaphore, #tpu.memory_space<semaphore_mem>>) src(%dma_wait3A_196 : memref<200xi32, #tpu.memory_space<hbm>>) dst(%arg10 : memref<200xi32, #tpu.memory_space<vmem>>)
      %lt3A = arith.constant 24 : i32
      %lt3A_197 = arith.cmpi slt, %scan3A_45, %lt3A : i32
      %convert_element_type3A_198 = arith.extui %lt3A_197 : i1 to i32
      %cond3A_199 = arith.constant 0 : i32
      %cond3A_200 = arith.cmpi ne, %convert_element_type3A_198, %cond3A_199 : i32
      scf.if %cond3A_200 {
        %add3A_341 = arith.constant 2 : i32
        %add3A_342 = arith.addi %mul3A_47, %add3A_341 : i32
        %mul3A_343 = arith.constant 10000 : i32
        %mul3A_344 = arith.muli %add3A, %mul3A_343 : i32
        %mul3A_345 = arith.constant 200 : i32
        %mul3A_346 = arith.muli %add3A_342, %mul3A_345 : i32
        %add3A_347 = arith.addi %mul3A_344, %mul3A_346 : i32
        %dma_start3A_348 = tpu.memref_slice %arg3[%add3A_347] : memref<320000xi32, #tpu.memory_space<hbm>> -> memref<200xi32, #tpu.memory_space<hbm>>
        %dma_start3A_349 = tpu.memref_slice %arg3[%add3A_347] : memref<320000xi32, #tpu.memory_space<hbm>> -> memref<200xi32, #tpu.memory_space<hbm>>
        tpu.enqueue_dma source(%dma_start3A_349 : memref<200xi32, #tpu.memory_space<hbm>>) target(%arg7 : memref<200xi32, #tpu.memory_space<vmem>>) target_semaphore(%arg21 : memref<!tpu.dma_semaphore, #tpu.memory_space<semaphore_mem>>)
        %dma_start3A_350 = tpu.memref_slice %arg4[%add3A_347] : memref<320000xi32, #tpu.memory_space<hbm>> -> memref<200xi32, #tpu.memory_space<hbm>>
        %dma_start3A_351 = tpu.memref_slice %arg4[%add3A_347] : memref<320000xi32, #tpu.memory_space<hbm>> -> memref<200xi32, #tpu.memory_space<hbm>>
        tpu.enqueue_dma source(%dma_start3A_351 : memref<200xi32, #tpu.memory_space<hbm>>) target(%arg8 : memref<200xi32, #tpu.memory_space<vmem>>) target_semaphore(%arg21 : memref<!tpu.dma_semaphore, #tpu.memory_space<semaphore_mem>>)
      } else {
      }
      %dma_wait3A_201 = arith.constant 0 : i32
      %dma_wait3A_202 = arith.constant 0 : i32
      %dma_wait3A_203 = tpu.memref_slice %arg24[%dma_wait3A_201, %dma_wait3A_202] : memref<10240x128xf32, #tpu.memory_space<vmem_shared>> -> memref<10240x128xf32, #tpu.memory_space<vmem_shared>>
      tpu.wait_indirect_dma semaphore(%arg23 : memref<!tpu.dma_semaphore, #tpu.memory_space<semaphore_mem>>) src(%arg16 : memref<40x128xf32, #tpu.memory_space<vmem>>) dst(%dma_wait3A_203 : memref<10240x128xf32, #tpu.memory_space<vmem_shared>>)
      %dma_wait3A_204 = arith.constant 0 : i32
      %dma_wait3A_205 = arith.constant 0 : i32
      %dma_wait3A_206 = tpu.memref_slice %arg24[%dma_wait3A_204, %dma_wait3A_205] : memref<10240x128xf32, #tpu.memory_space<vmem_shared>> -> memref<10240x128xf32, #tpu.memory_space<vmem_shared>>
      tpu.wait_indirect_dma semaphore(%arg23 : memref<!tpu.dma_semaphore, #tpu.memory_space<semaphore_mem>>) src(%arg17 : memref<40x128xf32, #tpu.memory_space<vmem>>) dst(%dma_wait3A_206 : memref<10240x128xf32, #tpu.memory_space<vmem_shared>>)
      %dma_wait3A_207 = arith.constant 0 : i32
      %dma_wait3A_208 = arith.constant 0 : i32
      %dma_wait3A_209 = tpu.memref_slice %arg24[%dma_wait3A_207, %dma_wait3A_208] : memref<10240x128xf32, #tpu.memory_space<vmem_shared>> -> memref<10240x128xf32, #tpu.memory_space<vmem_shared>>
      tpu.wait_indirect_dma semaphore(%arg23 : memref<!tpu.dma_semaphore, #tpu.memory_space<semaphore_mem>>) src(%arg18 : memref<40x128xf32, #tpu.memory_space<vmem>>) dst(%dma_wait3A_209 : memref<10240x128xf32, #tpu.memory_space<vmem_shared>>)
      %dma_wait3A_210 = arith.constant 0 : i32
      %dma_wait3A_211 = arith.constant 0 : i32
      %dma_wait3A_212 = tpu.memref_slice %arg24[%dma_wait3A_210, %dma_wait3A_211] : memref<10240x128xf32, #tpu.memory_space<vmem_shared>> -> memref<10240x128xf32, #tpu.memory_space<vmem_shared>>
      tpu.wait_indirect_dma semaphore(%arg23 : memref<!tpu.dma_semaphore, #tpu.memory_space<semaphore_mem>>) src(%arg19 : memref<40x128xf32, #tpu.memory_space<vmem>>) dst(%dma_wait3A_212 : memref<10240x128xf32, #tpu.memory_space<vmem_shared>>)
      %dma_wait3A_213 = arith.constant 0 : i32
      %dma_wait3A_214 = arith.constant 0 : i32
      %dma_wait3A_215 = tpu.memref_slice %arg24[%dma_wait3A_213, %dma_wait3A_214] : memref<10240x128xf32, #tpu.memory_space<vmem_shared>> -> memref<10240x128xf32, #tpu.memory_space<vmem_shared>>
      tpu.wait_indirect_dma semaphore(%arg23 : memref<!tpu.dma_semaphore, #tpu.memory_space<semaphore_mem>>) src(%arg20 : memref<40x128xf32, #tpu.memory_space<vmem>>) dst(%dma_wait3A_215 : memref<10240x128xf32, #tpu.memory_space<vmem_shared>>)
      %get3A_216 = arith.constant 0 : index
      %get3A_217 = tpu.vector_load %arg10[%get3A_216] {strides = array<i32>} : memref<200xi32, #tpu.memory_space<vmem>>, vector<16xi32>,
      %swap3A_218 = arith.constant 0 : index
      %swap3A_219 = tpu.vector_load %arg11[%swap3A_218] {strides = array<i32>} : memref<40xi32, #tpu.memory_space<vmem>>, vector<16xi32>,
      tpu.vector_store %arg11[%swap3A_218], %get3A_217 {strides = array<i32>} : memref<40xi32, #tpu.memory_space<vmem>>, vector<16xi32>,
      %get3A_220 = arith.constant 16 : index
      %get3A_221 = tpu.vector_load %arg10[%get3A_220] {strides = array<i32>} : memref<200xi32, #tpu.memory_space<vmem>>, vector<16xi32>,
      %swap3A_222 = arith.constant 16 : index
      %swap3A_223 = tpu.vector_load %arg11[%swap3A_222] {strides = array<i32>} : memref<40xi32, #tpu.memory_space<vmem>>, vector<16xi32>,
      tpu.vector_store %arg11[%swap3A_222], %get3A_221 {strides = array<i32>} : memref<40xi32, #tpu.memory_space<vmem>>, vector<16xi32>,
      %get3A_224 = arith.constant 24 : index
      %get3A_225 = tpu.vector_load %arg10[%get3A_224] {strides = array<i32>} : memref<200xi32, #tpu.memory_space<vmem>>, vector<16xi32>,
      %swap3A_226 = arith.constant 24 : index
      %swap3A_227 = tpu.vector_load %arg11[%swap3A_226] {strides = array<i32>} : memref<40xi32, #tpu.memory_space<vmem>>, vector<16xi32>,
      tpu.vector_store %arg11[%swap3A_226], %get3A_225 {strides = array<i32>} : memref<40xi32, #tpu.memory_space<vmem>>, vector<16xi32>,
      %get3A_228 = arith.constant 40 : index
      %get3A_229 = tpu.vector_load %arg10[%get3A_228] {strides = array<i32>} : memref<200xi32, #tpu.memory_space<vmem>>, vector<16xi32>,
      %swap3A_230 = arith.constant 0 : index
      %swap3A_231 = tpu.vector_load %arg12[%swap3A_230] {strides = array<i32>} : memref<40xi32, #tpu.memory_space<vmem>>, vector<16xi32>,
      tpu.vector_store %arg12[%swap3A_230], %get3A_229 {strides = array<i32>} : memref<40xi32, #tpu.memory_space<vmem>>, vector<16xi32>,
      %get3A_232 = arith.constant 56 : index
      %get3A_233 = tpu.vector_load %arg10[%get3A_232] {strides = array<i32>} : memref<200xi32, #tpu.memory_space<vmem>>, vector<16xi32>,
      %swap3A_234 = arith.constant 16 : index
      %swap3A_235 = tpu.vector_load %arg12[%swap3A_234] {strides = array<i32>} : memref<40xi32, #tpu.memory_space<vmem>>, vector<16xi32>,
      tpu.vector_store %arg12[%swap3A_234], %get3A_233 {strides = array<i32>} : memref<40xi32, #tpu.memory_space<vmem>>, vector<16xi32>,
      %get3A_236 = arith.constant 64 : index
      %get3A_237 = tpu.vector_load %arg10[%get3A_236] {strides = array<i32>} : memref<200xi32, #tpu.memory_space<vmem>>, vector<16xi32>,
      %swap3A_238 = arith.constant 24 : index
      %swap3A_239 = tpu.vector_load %arg12[%swap3A_238] {strides = array<i32>} : memref<40xi32, #tpu.memory_space<vmem>>, vector<16xi32>,
      tpu.vector_store %arg12[%swap3A_238], %get3A_237 {strides = array<i32>} : memref<40xi32, #tpu.memory_space<vmem>>, vector<16xi32>,
      %get3A_240 = arith.constant 80 : index
      %get3A_241 = tpu.vector_load %arg10[%get3A_240] {strides = array<i32>} : memref<200xi32, #tpu.memory_space<vmem>>, vector<16xi32>,
      %swap3A_242 = arith.constant 0 : index
      %swap3A_243 = tpu.vector_load %arg13[%swap3A_242] {strides = array<i32>} : memref<40xi32, #tpu.memory_space<vmem>>, vector<16xi32>,
      tpu.vector_store %arg13[%swap3A_242], %get3A_241 {strides = array<i32>} : memref<40xi32, #tpu.memory_space<vmem>>, vector<16xi32>,
      %get3A_244 = arith.constant 96 : index
      %get3A_245 = tpu.vector_load %arg10[%get3A_244] {strides = array<i32>} : memref<200xi32, #tpu.memory_space<vmem>>, vector<16xi32>,
      %swap3A_246 = arith.constant 16 : index
      %swap3A_247 = tpu.vector_load %arg13[%swap3A_246] {strides = array<i32>} : memref<40xi32, #tpu.memory_space<vmem>>, vector<16xi32>,
      tpu.vector_store %arg13[%swap3A_246], %get3A_245 {strides = array<i32>} : memref<40xi32, #tpu.memory_space<vmem>>, vector<16xi32>,
      %get3A_248 = arith.constant 104 : index
      %get3A_249 = tpu.vector_load %arg10[%get3A_248] {strides = array<i32>} : memref<200xi32, #tpu.memory_space<vmem>>, vector<16xi32>,
      %swap3A_250 = arith.constant 24 : index
      %swap3A_251 = tpu.vector_load %arg13[%swap3A_250] {strides = array<i32>} : memref<40xi32, #tpu.memory_space<vmem>>, vector<16xi32>,
      tpu.vector_store %arg13[%swap3A_250], %get3A_249 {strides = array<i32>} : memref<40xi32, #tpu.memory_space<vmem>>, vector<16xi32>,
      %get3A_252 = arith.constant 120 : index
      %get3A_253 = tpu.vector_load %arg10[%get3A_252] {strides = array<i32>} : memref<200xi32, #tpu.memory_space<vmem>>, vector<16xi32>,
      %swap3A_254 = arith.constant 0 : index
      %swap3A_255 = tpu.vector_load %arg14[%swap3A_254] {strides = array<i32>} : memref<40xi32, #tpu.memory_space<vmem>>, vector<16xi32>,
      tpu.vector_store %arg14[%swap3A_254], %get3A_253 {strides = array<i32>} : memref<40xi32, #tpu.memory_space<vmem>>, vector<16xi32>,
      %get3A_256 = arith.constant 136 : index
      %get3A_257 = tpu.vector_load %arg10[%get3A_256] {strides = array<i32>} : memref<200xi32, #tpu.memory_space<vmem>>, vector<16xi32>,
      %swap3A_258 = arith.constant 16 : index
      %swap3A_259 = tpu.vector_load %arg14[%swap3A_258] {strides = array<i32>} : memref<40xi32, #tpu.memory_space<vmem>>, vector<16xi32>,
      tpu.vector_store %arg14[%swap3A_258], %get3A_257 {strides = array<i32>} : memref<40xi32, #tpu.memory_space<vmem>>, vector<16xi32>,
      %get3A_260 = arith.constant 144 : index
      %get3A_261 = tpu.vector_load %arg10[%get3A_260] {strides = array<i32>} : memref<200xi32, #tpu.memory_space<vmem>>, vector<16xi32>,
      %swap3A_262 = arith.constant 24 : index
      %swap3A_263 = tpu.vector_load %arg14[%swap3A_262] {strides = array<i32>} : memref<40xi32, #tpu.memory_space<vmem>>, vector<16xi32>,
      tpu.vector_store %arg14[%swap3A_262], %get3A_261 {strides = array<i32>} : memref<40xi32, #tpu.memory_space<vmem>>, vector<16xi32>,
      %get3A_264 = arith.constant 160 : index
      %get3A_265 = tpu.vector_load %arg10[%get3A_264] {strides = array<i32>} : memref<200xi32, #tpu.memory_space<vmem>>, vector<16xi32>,
      %swap3A_266 = arith.constant 0 : index
      %swap3A_267 = tpu.vector_load %arg15[%swap3A_266] {strides = array<i32>} : memref<40xi32, #tpu.memory_space<vmem>>, vector<16xi32>,
      tpu.vector_store %arg15[%swap3A_266], %get3A_265 {strides = array<i32>} : memref<40xi32, #tpu.memory_space<vmem>>, vector<16xi32>,
      %get3A_268 = arith.constant 176 : index
      %get3A_269 = tpu.vector_load %arg10[%get3A_268] {strides = array<i32>} : memref<200xi32, #tpu.memory_space<vmem>>, vector<16xi32>,
      %swap3A_270 = arith.constant 16 : index
      %swap3A_271 = tpu.vector_load %arg15[%swap3A_270] {strides = array<i32>} : memref<40xi32, #tpu.memory_space<vmem>>, vector<16xi32>,
      tpu.vector_store %arg15[%swap3A_270], %get3A_269 {strides = array<i32>} : memref<40xi32, #tpu.memory_space<vmem>>, vector<16xi32>,
      %get3A_272 = arith.constant 184 : index
      %get3A_273 = tpu.vector_load %arg10[%get3A_272] {strides = array<i32>} : memref<200xi32, #tpu.memory_space<vmem>>, vector<16xi32>,
      %swap3A_274 = arith.constant 24 : index
      %swap3A_275 = tpu.vector_load %arg15[%swap3A_274] {strides = array<i32>} : memref<40xi32, #tpu.memory_space<vmem>>, vector<16xi32>,
      tpu.vector_store %arg15[%swap3A_274], %get3A_273 {strides = array<i32>} : memref<40xi32, #tpu.memory_space<vmem>>, vector<16xi32>,
      %dma_start3A_276 = arith.constant 0 : i32
      %dma_start3A_277 = tpu.memref_slice %arg9[%dma_start3A_276] : memref<200xi32, #tpu.memory_space<vmem>> -> memref<40xi32, #tpu.memory_space<vmem>>
      %dma_start3A_278 = arith.constant 0 : i32
      %dma_start3A_279 = arith.constant 0 : i32
      %dma_start3A_280 = tpu.memref_slice %arg2[%dma_start3A_278, %dma_start3A_279] : memref<10000x128xf32, #tpu.memory_space<hbm>> -> memref<10000x128xf32, #tpu.memory_space<hbm>>
      tpu.enqueue_indirect_dma source(%dma_start3A_280 : memref<10000x128xf32, #tpu.memory_space<hbm>>) target(%arg16 : memref<40x128xf32, #tpu.memory_space<vmem>>) offsets(%dma_start3A_277 : memref<40xi32, #tpu.memory_space<vmem>>) semaphore(%arg22 : memref<!tpu.dma_semaphore, #tpu.memory_space<semaphore_mem>>)
      %dma_start3A_281 = arith.constant 40 : i32
      %dma_start3A_282 = tpu.memref_slice %arg9[%dma_start3A_281] : memref<200xi32, #tpu.memory_space<vmem>> -> memref<40xi32, #tpu.memory_space<vmem>>
      %dma_start3A_283 = arith.constant 0 : i32
      %dma_start3A_284 = arith.constant 0 : i32
      %dma_start3A_285 = tpu.memref_slice %arg2[%dma_start3A_283, %dma_start3A_284] : memref<10000x128xf32, #tpu.memory_space<hbm>> -> memref<10000x128xf32, #tpu.memory_space<hbm>>
      tpu.enqueue_indirect_dma source(%dma_start3A_285 : memref<10000x128xf32, #tpu.memory_space<hbm>>) target(%arg17 : memref<40x128xf32, #tpu.memory_space<vmem>>) offsets(%dma_start3A_282 : memref<40xi32, #tpu.memory_space<vmem>>) semaphore(%arg22 : memref<!tpu.dma_semaphore, #tpu.memory_space<semaphore_mem>>)
      %dma_start3A_286 = arith.constant 80 : i32
      %dma_start3A_287 = tpu.memref_slice %arg9[%dma_start3A_286] : memref<200xi32, #tpu.memory_space<vmem>> -> memref<40xi32, #tpu.memory_space<vmem>>
      %dma_start3A_288 = arith.constant 0 : i32
      %dma_start3A_289 = arith.constant 0 : i32
      %dma_start3A_290 = tpu.memref_slice %arg2[%dma_start3A_288, %dma_start3A_289] : memref<10000x128xf32, #tpu.memory_space<hbm>> -> memref<10000x128xf32, #tpu.memory_space<hbm>>
      tpu.enqueue_indirect_dma source(%dma_start3A_290 : memref<10000x128xf32, #tpu.memory_space<hbm>>) target(%arg18 : memref<40x128xf32, #tpu.memory_space<vmem>>) offsets(%dma_start3A_287 : memref<40xi32, #tpu.memory_space<vmem>>) semaphore(%arg22 : memref<!tpu.dma_semaphore, #tpu.memory_space<semaphore_mem>>)
      %dma_start3A_291 = arith.constant 120 : i32
      %dma_start3A_292 = tpu.memref_slice %arg9[%dma_start3A_291] : memref<200xi32, #tpu.memory_space<vmem>> -> memref<40xi32, #tpu.memory_space<vmem>>
      %dma_start3A_293 = arith.constant 0 : i32
      %dma_start3A_294 = arith.constant 0 : i32
      %dma_start3A_295 = tpu.memref_slice %arg2[%dma_start3A_293, %dma_start3A_294] : memref<10000x128xf32, #tpu.memory_space<hbm>> -> memref<10000x128xf32, #tpu.memory_space<hbm>>
      tpu.enqueue_indirect_dma source(%dma_start3A_295 : memref<10000x128xf32, #tpu.memory_space<hbm>>) target(%arg19 : memref<40x128xf32, #tpu.memory_space<vmem>>) offsets(%dma_start3A_292 : memref<40xi32, #tpu.memory_space<vmem>>) semaphore(%arg22 : memref<!tpu.dma_semaphore, #tpu.memory_space<semaphore_mem>>)
      %dma_start3A_296 = arith.constant 160 : i32
      %dma_start3A_297 = tpu.memref_slice %arg9[%dma_start3A_296] : memref<200xi32, #tpu.memory_space<vmem>> -> memref<40xi32, #tpu.memory_space<vmem>>
      %dma_start3A_298 = arith.constant 0 : i32
      %dma_start3A_299 = arith.constant 0 : i32
      %dma_start3A_300 = tpu.memref_slice %arg2[%dma_start3A_298, %dma_start3A_299] : memref<10000x128xf32, #tpu.memory_space<hbm>> -> memref<10000x128xf32, #tpu.memory_space<hbm>>
      tpu.enqueue_indirect_dma source(%dma_start3A_300 : memref<10000x128xf32, #tpu.memory_space<hbm>>) target(%arg20 : memref<40x128xf32, #tpu.memory_space<vmem>>) offsets(%dma_start3A_297 : memref<40xi32, #tpu.memory_space<vmem>>) semaphore(%arg22 : memref<!tpu.dma_semaphore, #tpu.memory_space<semaphore_mem>>)
      %dma_wait3A_301 = arith.constant 0 : i32
      %dma_wait3A_302 = tpu.memref_slice %arg9[%dma_wait3A_301] : memref<200xi32, #tpu.memory_space<vmem>> -> memref<40xi32, #tpu.memory_space<vmem>>
      %dma_wait3A_303 = arith.constant 0 : i32
      %dma_wait3A_304 = arith.constant 0 : i32
      %dma_wait3A_305 = tpu.memref_slice %arg2[%dma_wait3A_303, %dma_wait3A_304] : memref<10000x128xf32, #tpu.memory_space<hbm>> -> memref<10000x128xf32, #tpu.memory_space<hbm>>
      tpu.wait_indirect_dma semaphore(%arg22 : memref<!tpu.dma_semaphore, #tpu.memory_space<semaphore_mem>>) src(%dma_wait3A_305 : memref<10000x128xf32, #tpu.memory_space<hbm>>) dst(%arg16 : memref<40x128xf32, #tpu.memory_space<vmem>>)
      %dma_start3A_306 = arith.constant 0 : i32
      %dma_start3A_307 = arith.constant 0 : i32
      %dma_start3A_308 = tpu.memref_slice %arg24[%dma_start3A_306, %dma_start3A_307] : memref<10240x128xf32, #tpu.memory_space<vmem_shared>> -> memref<10240x128xf32, #tpu.memory_space<vmem_shared>>
      tpu.enqueue_indirect_dma source(%arg16 : memref<40x128xf32, #tpu.memory_space<vmem>>) target(%dma_start3A_308 : memref<10240x128xf32, #tpu.memory_space<vmem_shared>>) offsets(%arg11 : memref<40xi32, #tpu.memory_space<vmem>>) semaphore(%arg23 : memref<!tpu.dma_semaphore, #tpu.memory_space<semaphore_mem>>) {add = true}
      %dma_wait3A_309 = arith.constant 40 : i32
      %dma_wait3A_310 = tpu.memref_slice %arg9[%dma_wait3A_309] : memref<200xi32, #tpu.memory_space<vmem>> -> memref<40xi32, #tpu.memory_space<vmem>>
      %dma_wait3A_311 = arith.constant 0 : i32
      %dma_wait3A_312 = arith.constant 0 : i32
      %dma_wait3A_313 = tpu.memref_slice %arg2[%dma_wait3A_311, %dma_wait3A_312] : memref<10000x128xf32, #tpu.memory_space<hbm>> -> memref<10000x128xf32, #tpu.memory_space<hbm>>
      tpu.wait_indirect_dma semaphore(%arg22 : memref<!tpu.dma_semaphore, #tpu.memory_space<semaphore_mem>>) src(%dma_wait3A_313 : memref<10000x128xf32, #tpu.memory_space<hbm>>) dst(%arg17 : memref<40x128xf32, #tpu.memory_space<vmem>>)
      %dma_start3A_314 = arith.constant 0 : i32
      %dma_start3A_315 = arith.constant 0 : i32
      %dma_start3A_316 = tpu.memref_slice %arg24[%dma_start3A_314, %dma_start3A_315] : memref<10240x128xf32, #tpu.memory_space<vmem_shared>> -> memref<10240x128xf32, #tpu.memory_space<vmem_shared>>
      tpu.enqueue_indirect_dma source(%arg17 : memref<40x128xf32, #tpu.memory_space<vmem>>) target(%dma_start3A_316 : memref<10240x128xf32, #tpu.memory_space<vmem_shared>>) offsets(%arg12 : memref<40xi32, #tpu.memory_space<vmem>>) semaphore(%arg23 : memref<!tpu.dma_semaphore, #tpu.memory_space<semaphore_mem>>) {add = true}
      %dma_wait3A_317 = arith.constant 80 : i32
      %dma_wait3A_318 = tpu.memref_slice %arg9[%dma_wait3A_317] : memref<200xi32, #tpu.memory_space<vmem>> -> memref<40xi32, #tpu.memory_space<vmem>>
      %dma_wait3A_319 = arith.constant 0 : i32
      %dma_wait3A_320 = arith.constant 0 : i32
      %dma_wait3A_321 = tpu.memref_slice %arg2[%dma_wait3A_319, %dma_wait3A_320] : memref<10000x128xf32, #tpu.memory_space<hbm>> -> memref<10000x128xf32, #tpu.memory_space<hbm>>
      tpu.wait_indirect_dma semaphore(%arg22 : memref<!tpu.dma_semaphore, #tpu.memory_space<semaphore_mem>>) src(%dma_wait3A_321 : memref<10000x128xf32, #tpu.memory_space<hbm>>) dst(%arg18 : memref<40x128xf32, #tpu.memory_space<vmem>>)
      %dma_start3A_322 = arith.constant 0 : i32
      %dma_start3A_323 = arith.constant 0 : i32
      %dma_start3A_324 = tpu.memref_slice %arg24[%dma_start3A_322, %dma_start3A_323] : memref<10240x128xf32, #tpu.memory_space<vmem_shared>> -> memref<10240x128xf32, #tpu.memory_space<vmem_shared>>
      tpu.enqueue_indirect_dma source(%arg18 : memref<40x128xf32, #tpu.memory_space<vmem>>) target(%dma_start3A_324 : memref<10240x128xf32, #tpu.memory_space<vmem_shared>>) offsets(%arg13 : memref<40xi32, #tpu.memory_space<vmem>>) semaphore(%arg23 : memref<!tpu.dma_semaphore, #tpu.memory_space<semaphore_mem>>) {add = true}
      %dma_wait3A_325 = arith.constant 120 : i32
      %dma_wait3A_326 = tpu.memref_slice %arg9[%dma_wait3A_325] : memref<200xi32, #tpu.memory_space<vmem>> -> memref<40xi32, #tpu.memory_space<vmem>>
      %dma_wait3A_327 = arith.constant 0 : i32
      %dma_wait3A_328 = arith.constant 0 : i32
      %dma_wait3A_329 = tpu.memref_slice %arg2[%dma_wait3A_327, %dma_wait3A_328] : memref<10000x128xf32, #tpu.memory_space<hbm>> -> memref<10000x128xf32, #tpu.memory_space<hbm>>
      tpu.wait_indirect_dma semaphore(%arg22 : memref<!tpu.dma_semaphore, #tpu.memory_space<semaphore_mem>>) src(%dma_wait3A_329 : memref<10000x128xf32, #tpu.memory_space<hbm>>) dst(%arg19 : memref<40x128xf32, #tpu.memory_space<vmem>>)
      %dma_start3A_330 = arith.constant 0 : i32
      %dma_start3A_331 = arith.constant 0 : i32
      %dma_start3A_332 = tpu.memref_slice %arg24[%dma_start3A_330, %dma_start3A_331] : memref<10240x128xf32, #tpu.memory_space<vmem_shared>> -> memref<10240x128xf32, #tpu.memory_space<vmem_shared>>
      tpu.enqueue_indirect_dma source(%arg19 : memref<40x128xf32, #tpu.memory_space<vmem>>) target(%dma_start3A_332 : memref<10240x128xf32, #tpu.memory_space<vmem_shared>>) offsets(%arg14 : memref<40xi32, #tpu.memory_space<vmem>>) semaphore(%arg23 : memref<!tpu.dma_semaphore, #tpu.memory_space<semaphore_mem>>) {add = true}
      %dma_wait3A_333 = arith.constant 160 : i32
      %dma_wait3A_334 = tpu.memref_slice %arg9[%dma_wait3A_333] : memref<200xi32, #tpu.memory_space<vmem>> -> memref<40xi32, #tpu.memory_space<vmem>>
      %dma_wait3A_335 = arith.constant 0 : i32
      %dma_wait3A_336 = arith.constant 0 : i32
      %dma_wait3A_337 = tpu.memref_slice %arg2[%dma_wait3A_335, %dma_wait3A_336] : memref<10000x128xf32, #tpu.memory_space<hbm>> -> memref<10000x128xf32, #tpu.memory_space<hbm>>
      tpu.wait_indirect_dma semaphore(%arg22 : memref<!tpu.dma_semaphore, #tpu.memory_space<semaphore_mem>>) src(%dma_wait3A_337 : memref<10000x128xf32, #tpu.memory_space<hbm>>) dst(%arg20 : memref<40x128xf32, #tpu.memory_space<vmem>>)
      %dma_start3A_338 = arith.constant 0 : i32
      %dma_start3A_339 = arith.constant 0 : i32
      %dma_start3A_340 = tpu.memref_slice %arg24[%dma_start3A_338, %dma_start3A_339] : memref<10240x128xf32, #tpu.memory_space<vmem_shared>> -> memref<10240x128xf32, #tpu.memory_space<vmem_shared>>
      tpu.enqueue_indirect_dma source(%arg20 : memref<40x128xf32, #tpu.memory_space<vmem>>) target(%dma_start3A_340 : memref<10240x128xf32, #tpu.memory_space<vmem_shared>>) offsets(%arg15 : memref<40xi32, #tpu.memory_space<vmem>>) semaphore(%arg23 : memref<!tpu.dma_semaphore, #tpu.memory_space<semaphore_mem>>) {add = true}
    }
    %scan3A_17 = arith.constant 25 : i32
    %dma_wait3A = arith.constant 0 : i32
    %dma_wait3A_18 = arith.constant 0 : i32
    %dma_wait3A_19 = tpu.memref_slice %arg24[%dma_wait3A, %dma_wait3A_18] : memref<10240x128xf32, #tpu.memory_space<vmem_shared>> -> memref<10240x128xf32, #tpu.memory_space<vmem_shared>>
    tpu.wait_indirect_dma semaphore(%arg23 : memref<!tpu.dma_semaphore, #tpu.memory_space<semaphore_mem>>) src(%arg16 : memref<40x128xf32, #tpu.memory_space<vmem>>) dst(%dma_wait3A_19 : memref<10240x128xf32, #tpu.memory_space<vmem_shared>>)
    %dma_wait3A_20 = arith.constant 0 : i32
    %dma_wait3A_21 = arith.constant 0 : i32
    %dma_wait3A_22 = tpu.memref_slice %arg24[%dma_wait3A_20, %dma_wait3A_21] : memref<10240x128xf32, #tpu.memory_space<vmem_shared>> -> memref<10240x128xf32, #tpu.memory_space<vmem_shared>>
    tpu.wait_indirect_dma semaphore(%arg23 : memref<!tpu.dma_semaphore, #tpu.memory_space<semaphore_mem>>) src(%arg17 : memref<40x128xf32, #tpu.memory_space<vmem>>) dst(%dma_wait3A_22 : memref<10240x128xf32, #tpu.memory_space<vmem_shared>>)
    %dma_wait3A_23 = arith.constant 0 : i32
    %dma_wait3A_24 = arith.constant 0 : i32
    %dma_wait3A_25 = tpu.memref_slice %arg24[%dma_wait3A_23, %dma_wait3A_24] : memref<10240x128xf32, #tpu.memory_space<vmem_shared>> -> memref<10240x128xf32, #tpu.memory_space<vmem_shared>>
    tpu.wait_indirect_dma semaphore(%arg23 : memref<!tpu.dma_semaphore, #tpu.memory_space<semaphore_mem>>) src(%arg18 : memref<40x128xf32, #tpu.memory_space<vmem>>) dst(%dma_wait3A_25 : memref<10240x128xf32, #tpu.memory_space<vmem_shared>>)
    %dma_wait3A_26 = arith.constant 0 : i32
    %dma_wait3A_27 = arith.constant 0 : i32
    %dma_wait3A_28 = tpu.memref_slice %arg24[%dma_wait3A_26, %dma_wait3A_27] : memref<10240x128xf32, #tpu.memory_space<vmem_shared>> -> memref<10240x128xf32, #tpu.memory_space<vmem_shared>>
    tpu.wait_indirect_dma semaphore(%arg23 : memref<!tpu.dma_semaphore, #tpu.memory_space<semaphore_mem>>) src(%arg19 : memref<40x128xf32, #tpu.memory_space<vmem>>) dst(%dma_wait3A_28 : memref<10240x128xf32, #tpu.memory_space<vmem_shared>>)
    %dma_wait3A_29 = arith.constant 0 : i32
    %dma_wait3A_30 = arith.constant 0 : i32
    %dma_wait3A_31 = tpu.memref_slice %arg24[%dma_wait3A_29, %dma_wait3A_30] : memref<10240x128xf32, #tpu.memory_space<vmem_shared>> -> memref<10240x128xf32, #tpu.memory_space<vmem_shared>>
    tpu.wait_indirect_dma semaphore(%arg23 : memref<!tpu.dma_semaphore, #tpu.memory_space<semaphore_mem>>) src(%arg20 : memref<40x128xf32, #tpu.memory_space<vmem>>) dst(%dma_wait3A_31 : memref<10240x128xf32, #tpu.memory_space<vmem_shared>>)
    %barrier3A_32 = arith.constant 0 : index
    tpu.barrier barrier_id(%barrier3A_32)
    %mul3A_33 = arith.constant 640 : i32
    %mul3A_34 = arith.muli %arg1, %mul3A_33 : i32
    %dma_start3A_35 = arith.constant 0 : i32
    %dma_start3A_36 = tpu.memref_slice %arg6[%arg0, %mul3A_34, %dma_start3A_35] : memref<2x10240x128xf32, #tpu.memory_space<hbm>> -> memref<1x640x128xf32, #tpu.memory_space<hbm>>
    %dma_start3A_37 = tpu.memref_squeeze %dma_start3A_36 : memref<1x640x128xf32, #tpu.memory_space<hbm>> -> memref<640x128xf32, #tpu.memory_space<hbm>>
    %dma_start3A_38 = arith.constant 0 : i32
    %dma_start3A_39 = tpu.memref_slice %arg24[%mul3A_34, %dma_start3A_38] : memref<10240x128xf32, #tpu.memory_space<vmem_shared>> -> memref<640x128xf32, #tpu.memory_space<vmem_shared>>
    tpu.enqueue_dma source(%dma_start3A_39 : memref<640x128xf32, #tpu.memory_space<vmem_shared>>) target(%dma_start3A_37 : memref<640x128xf32, #tpu.memory_space<hbm>>) target_semaphore(%arg23 : memref<!tpu.dma_semaphore, #tpu.memory_space<semaphore_mem>>)
    %dma_wait3A_40 = arith.constant 0 : i32
    %dma_wait3A_41 = tpu.memref_slice %arg6[%arg0, %mul3A_34, %dma_wait3A_40] : memref<2x10240x128xf32, #tpu.memory_space<hbm>> -> memref<1x640x128xf32, #tpu.memory_space<hbm>>
    %dma_wait3A_42 = tpu.memref_squeeze %dma_wait3A_41 : memref<1x640x128xf32, #tpu.memory_space<hbm>> -> memref<640x128xf32, #tpu.memory_space<hbm>>
    %dma_wait3A_43 = arith.constant 0 : i32
    %dma_wait3A_44 = tpu.memref_slice %arg24[%mul3A_34, %dma_wait3A_43] : memref<10240x128xf32, #tpu.memory_space<vmem_shared>> -> memref<640x128xf32, #tpu.memory_space<vmem_shared>>
    tpu.wait_dma2 semaphore(%arg23 : memref<!tpu.dma_semaphore, #tpu.memory_space<semaphore_mem>>) src(%dma_wait3A_44 : memref<640x128xf32, #tpu.memory_space<vmem_shared>>) dst(%dma_wait3A_42 : memref<640x128xf32, #tpu.memory_space<hbm>>)
    return
  }
}

#map = affine_map<(d0, d1) -> (0, 0)>
#map1 = affine_map<(d0, d1) -> (0)>
#map2 = affine_map<(d0, d1) -> (0, 0, 0)>
module attributes {stable_mosaic.version = 14 : i64} {
  func.func @agg(%arg0: i32, %arg1: i32, %arg2: memref<10000x128xf32, #tpu.memory_space<hbm>>, %arg3: memref<320000xi32, #tpu.memory_space<hbm>>, %arg4: memref<320000xi32, #tpu.memory_space<hbm>>, %arg5: memref<640x128xf32, #tpu.memory_space<hbm>>, %arg6: memref<2x10240x128xf32, #tpu.memory_space<hbm>>, %arg7: memref<200xi32, #tpu.memory_space<vmem>>, %arg8: memref<200xi32, #tpu.memory_space<vmem>>, %arg9: memref<200xi32, #tpu.memory_space<vmem>>, %arg10: memref<200xi32, #tpu.memory_space<vmem>>, %arg11: memref<40xi32, #tpu.memory_space<vmem>>, %arg12: memref<40xi32, #tpu.memory_space<vmem>>, %arg13: memref<40xi32, #tpu.memory_space<vmem>>, %arg14: memref<40xi32, #tpu.memory_space<vmem>>, %arg15: memref<40xi32, #tpu.memory_space<vmem>>, %arg16: memref<40x128xf32, #tpu.memory_space<vmem>>, %arg17: memref<40x128xf32, #tpu.memory_space<vmem>>, %arg18: memref<40x128xf32, #tpu.memory_space<vmem>>, %arg19: memref<40x128xf32, #tpu.memory_space<vmem>>, %arg20: memref<40x128xf32, #tpu.memory_space<vmem>>, %arg21: memref<!tpu.dma_semaphore, #tpu.memory_space<semaphore_mem>>, %arg22: memref<!tpu.dma_semaphore, #tpu.memory_space<semaphore_mem>>, %arg23: memref<!tpu.dma_semaphore, #tpu.memory_space<semaphore_mem>>, %arg24: memref<10240x128xf32, #tpu.memory_space<vmem_shared>>) attributes {dimension_semantics = [#tpu.dimension_semantics<core_parallel>, #tpu.dimension_semantics<subcore_parallel>], iteration_bounds = array<i64: 2, 16>, scalar_prefetch = 0 : i64, scratch_operands = 18 : i64, tpu.core_type = #tpu.core_type<sc_vector_subcore>, window_params = [{transform_indices = #map}, {transform_indices = #map1}, {transform_indices = #map1}, {transform_indices = #map}, {transform_indices = #map2}]} {
    %mul3A = arith.constant 16 : i32
    %mul3A_0 = arith.muli %arg0, %mul3A : i32
    %add3A = arith.addi %mul3A_0, %arg1 : i32
    %mul3A_1 = arith.constant 640 : i32
    %mul3A_2 = arith.muli %arg1, %mul3A_1 : i32
    "tpu.region"() ({
      %run_scoped3A = tpu.sem_alloc : memref<!tpu.dma_semaphore, #tpu.memory_space<semaphore_mem>>
      %dma_start3A_45 = arith.constant 0 : i32
      %dma_start3A_46 = tpu.memref_slice %arg24[%mul3A_2, %dma_start3A_45] : memref<10240x128xf32, #tpu.memory_space<vmem_shared>> -> memref<640x128xf32, #tpu.memory_space<vmem_shared>>
      tpu.enqueue_dma source(%arg5 : memref<640x128xf32, #tpu.memory_space<hbm>>) target(%dma_start3A_46 : memref<640x128xf32, #tpu.memory_space<vmem_shared>>) target_semaphore(%run_scoped3A : memref<!tpu.dma_semaphore, #tpu.memory_space<semaphore_mem>>)
      %dma_wait3A_47 = arith.constant 0 : i32
      %dma_wait3A_48 = tpu.memref_slice %arg24[%mul3A_2, %dma_wait3A_47] : memref<10240x128xf32, #tpu.memory_space<vmem_shared>> -> memref<640x128xf32, #tpu.memory_space<vmem_shared>>
      tpu.wait_dma2 semaphore(%run_scoped3A : memref<!tpu.dma_semaphore, #tpu.memory_space<semaphore_mem>>) src(%arg5 : memref<640x128xf32, #tpu.memory_space<hbm>>) dst(%dma_wait3A_48 : memref<640x128xf32, #tpu.memory_space<vmem_shared>>)
      tpu.yield
    }) : () -> ()
    %barrier3A = arith.constant 0 : index
    tpu.barrier barrier_id(%barrier3A)
    %broadcast_in_dim3A = arith.constant 1.000000e+00 : f32
    %broadcast_in_dim3A_3 = vector.broadcast %broadcast_in_dim3A : f32 to vector<16xf32>
    %iota3A = tpu.iota {dimensions = array<i32: 0>} : vector<16xi32>
    %ge3A = arith.constant 8 : i32
    %ge3A_4 = vector.broadcast %ge3A : i32 to vector<16xi32>
    %ge3A_5 = arith.cmpi sge, %iota3A, %ge3A_4 : vector<16xi32>
    %mul3A_6 = arith.constant 10000 : i32
    %mul3A_7 = arith.muli %add3A, %mul3A_6 : i32
    %add3A_8 = arith.constant 0 : i32
    %add3A_9 = arith.addi %mul3A_7, %add3A_8 : i32
    %dma_start3A = tpu.memref_slice %arg3[%add3A_9] : memref<320000xi32, #tpu.memory_space<hbm>> -> memref<200xi32, #tpu.memory_space<hbm>>
    %dma_start3A_10 = tpu.memref_slice %arg3[%add3A_9] : memref<320000xi32, #tpu.memory_space<hbm>> -> memref<200xi32, #tpu.memory_space<hbm>>
    tpu.enqueue_dma source(%dma_start3A_10 : memref<200xi32, #tpu.memory_space<hbm>>) target(%arg7 : memref<200xi32, #tpu.memory_space<vmem>>) target_semaphore(%arg21 : memref<!tpu.dma_semaphore, #tpu.memory_space<semaphore_mem>>)
    %dma_start3A_11 = tpu.memref_slice %arg4[%add3A_9] : memref<320000xi32, #tpu.memory_space<hbm>> -> memref<200xi32, #tpu.memory_space<hbm>>
    %dma_start3A_12 = tpu.memref_slice %arg4[%add3A_9] : memref<320000xi32, #tpu.memory_space<hbm>> -> memref<200xi32, #tpu.memory_space<hbm>>
    tpu.enqueue_dma source(%dma_start3A_12 : memref<200xi32, #tpu.memory_space<hbm>>) target(%arg8 : memref<200xi32, #tpu.memory_space<vmem>>) target_semaphore(%arg21 : memref<!tpu.dma_semaphore, #tpu.memory_space<semaphore_mem>>)
    %scan3A = arith.constant 0 : i32
    %scan3A_13 = arith.constant 0 : i32
    %scan3A_14 = arith.constant 25 : i32
    %scan3A_15 = arith.addi %scan3A_13, %scan3A_14 : i32
    %scan3A_16 = arith.constant 1 : i32
    scf.for %scan3A_45 = %scan3A_13 to %scan3A_15 step %scan3A_16  : i32 {
      %mul3A_46 = arith.constant 2 : i32
      %mul3A_47 = arith.muli %mul3A_46, %scan3A_45 : i32
      %mul3A_48 = arith.constant 10000 : i32
      %mul3A_49 = arith.muli %add3A, %mul3A_48 : i32
      %mul3A_50 = arith.constant 200 : i32
      %mul3A_51 = arith.muli %mul3A_47, %mul3A_50 : i32
      %add3A_52 = arith.addi %mul3A_49, %mul3A_51 : i32
      %dma_wait3A_53 = tpu.memref_slice %arg3[%add3A_52] : memref<320000xi32, #tpu.memory_space<hbm>> -> memref<200xi32, #tpu.memory_space<hbm>>
      %dma_wait3A_54 = tpu.memref_slice %arg3[%add3A_52] : memref<320000xi32, #tpu.memory_space<hbm>> -> memref<200xi32, #tpu.memory_space<hbm>>
      tpu.wait_dma2 semaphore(%arg21 : memref<!tpu.dma_semaphore, #tpu.memory_space<semaphore_mem>>) src(%dma_wait3A_54 : memref<200xi32, #tpu.memory_space<hbm>>) dst(%arg7 : memref<200xi32, #tpu.memory_space<vmem>>)
      %dma_wait3A_55 = tpu.memref_slice %arg4[%add3A_52] : memref<320000xi32, #tpu.memory_space<hbm>> -> memref<200xi32, #tpu.memory_space<hbm>>
      %dma_wait3A_56 = tpu.memref_slice %arg4[%add3A_52] : memref<320000xi32, #tpu.memory_space<hbm>> -> memref<200xi32, #tpu.memory_space<hbm>>
      tpu.wait_dma2 semaphore(%arg21 : memref<!tpu.dma_semaphore, #tpu.memory_space<semaphore_mem>>) src(%dma_wait3A_56 : memref<200xi32, #tpu.memory_space<hbm>>) dst(%arg8 : memref<200xi32, #tpu.memory_space<vmem>>)
      %add3A_57 = arith.constant 1 : i32
      %add3A_58 = arith.addi %mul3A_47, %add3A_57 : i32
      %mul3A_59 = arith.constant 10000 : i32
      %mul3A_60 = arith.muli %add3A, %mul3A_59 : i32
      %mul3A_61 = arith.constant 200 : i32
      %mul3A_62 = arith.muli %add3A_58, %mul3A_61 : i32
      %add3A_63 = arith.addi %mul3A_60, %mul3A_62 : i32
      %dma_start3A_64 = tpu.memref_slice %arg3[%add3A_63] : memref<320000xi32, #tpu.memory_space<hbm>> -> memref<200xi32, #tpu.memory_space<hbm>>
      %dma_start3A_65 = tpu.memref_slice %arg3[%add3A_63] : memref<320000xi32, #tpu.memory_space<hbm>> -> memref<200xi32, #tpu.memory_space<hbm>>
      tpu.enqueue_dma source(%dma_start3A_65 : memref<200xi32, #tpu.memory_space<hbm>>) target(%arg9 : memref<200xi32, #tpu.memory_space<vmem>>) target_semaphore(%arg21 : memref<!tpu.dma_semaphore, #tpu.memory_space<semaphore_mem>>)
      %dma_start3A_66 = tpu.memref_slice %arg4[%add3A_63] : memref<320000xi32, #tpu.memory_space<hbm>> -> memref<200xi32, #tpu.memory_space<hbm>>
      %dma_start3A_67 = tpu.memref_slice %arg4[%add3A_63] : memref<320000xi32, #tpu.memory_space<hbm>> -> memref<200xi32, #tpu.memory_space<hbm>>
      tpu.enqueue_dma source(%dma_start3A_67 : memref<200xi32, #tpu.memory_space<hbm>>) target(%arg10 : memref<200xi32, #tpu.memory_space<vmem>>) target_semaphore(%arg21 : memref<!tpu.dma_semaphore, #tpu.memory_space<semaphore_mem>>)
      %gt3A = arith.constant 0 : i32
      %gt3A_68 = arith.cmpi sgt, %scan3A_45, %gt3A : i32
      %convert_element_type3A = arith.extui %gt3A_68 : i1 to i32
      %cond3A = arith.constant 0 : i32
      %cond3A_69 = arith.cmpi ne, %convert_element_type3A, %cond3A : i32
      scf.if %cond3A_69 {
        %dma_wait3A_341 = arith.constant 0 : i32
        %dma_wait3A_342 = arith.constant 0 : i32
        %dma_wait3A_343 = tpu.memref_slice %arg24[%dma_wait3A_341, %dma_wait3A_342] : memref<10240x128xf32, #tpu.memory_space<vmem_shared>> -> memref<10240x128xf32, #tpu.memory_space<vmem_shared>>
        tpu.wait_indirect_dma semaphore(%arg23 : memref<!tpu.dma_semaphore, #tpu.memory_space<semaphore_mem>>) src(%arg16 : memref<40x128xf32, #tpu.memory_space<vmem>>) dst(%dma_wait3A_343 : memref<10240x128xf32, #tpu.memory_space<vmem_shared>>)
        %dma_wait3A_344 = arith.constant 0 : i32
        %dma_wait3A_345 = arith.constant 0 : i32
        %dma_wait3A_346 = tpu.memref_slice %arg24[%dma_wait3A_344, %dma_wait3A_345] : memref<10240x128xf32, #tpu.memory_space<vmem_shared>> -> memref<10240x128xf32, #tpu.memory_space<vmem_shared>>
        tpu.wait_indirect_dma semaphore(%arg23 : memref<!tpu.dma_semaphore, #tpu.memory_space<semaphore_mem>>) src(%arg17 : memref<40x128xf32, #tpu.memory_space<vmem>>) dst(%dma_wait3A_346 : memref<10240x128xf32, #tpu.memory_space<vmem_shared>>)
        %dma_wait3A_347 = arith.constant 0 : i32
        %dma_wait3A_348 = arith.constant 0 : i32
        %dma_wait3A_349 = tpu.memref_slice %arg24[%dma_wait3A_347, %dma_wait3A_348] : memref<10240x128xf32, #tpu.memory_space<vmem_shared>> -> memref<10240x128xf32, #tpu.memory_space<vmem_shared>>
        tpu.wait_indirect_dma semaphore(%arg23 : memref<!tpu.dma_semaphore, #tpu.memory_space<semaphore_mem>>) src(%arg18 : memref<40x128xf32, #tpu.memory_space<vmem>>) dst(%dma_wait3A_349 : memref<10240x128xf32, #tpu.memory_space<vmem_shared>>)
        %dma_wait3A_350 = arith.constant 0 : i32
        %dma_wait3A_351 = arith.constant 0 : i32
        %dma_wait3A_352 = tpu.memref_slice %arg24[%dma_wait3A_350, %dma_wait3A_351] : memref<10240x128xf32, #tpu.memory_space<vmem_shared>> -> memref<10240x128xf32, #tpu.memory_space<vmem_shared>>
        tpu.wait_indirect_dma semaphore(%arg23 : memref<!tpu.dma_semaphore, #tpu.memory_space<semaphore_mem>>) src(%arg19 : memref<40x128xf32, #tpu.memory_space<vmem>>) dst(%dma_wait3A_352 : memref<10240x128xf32, #tpu.memory_space<vmem_shared>>)
        %dma_wait3A_353 = arith.constant 0 : i32
        %dma_wait3A_354 = arith.constant 0 : i32
        %dma_wait3A_355 = tpu.memref_slice %arg24[%dma_wait3A_353, %dma_wait3A_354] : memref<10240x128xf32, #tpu.memory_space<vmem_shared>> -> memref<10240x128xf32, #tpu.memory_space<vmem_shared>>
        tpu.wait_indirect_dma semaphore(%arg23 : memref<!tpu.dma_semaphore, #tpu.memory_space<semaphore_mem>>) src(%arg20 : memref<40x128xf32, #tpu.memory_space<vmem>>) dst(%dma_wait3A_355 : memref<10240x128xf32, #tpu.memory_space<vmem_shared>>)
      } else {
      }
      %get3A = arith.constant 0 : index
      %get3A_70 = tpu.vector_load %arg8[%get3A] {strides = array<i32>} : memref<200xi32, #tpu.memory_space<vmem>>, vector<16xi32>,
      %swap3A = arith.constant 0 : index
      %swap3A_71 = tpu.vector_load %arg11[%swap3A] {strides = array<i32>} : memref<40xi32, #tpu.memory_space<vmem>>, vector<16xi32>,
      tpu.vector_store %arg11[%swap3A], %get3A_70 {strides = array<i32>} : memref<40xi32, #tpu.memory_space<vmem>>, vector<16xi32>,
      %get3A_72 = arith.constant 16 : index
      %get3A_73 = tpu.vector_load %arg8[%get3A_72] {strides = array<i32>} : memref<200xi32, #tpu.memory_space<vmem>>, vector<16xi32>,
      %swap3A_74 = arith.constant 16 : index
      %swap3A_75 = tpu.vector_load %arg11[%swap3A_74] {strides = array<i32>} : memref<40xi32, #tpu.memory_space<vmem>>, vector<16xi32>,
      tpu.vector_store %arg11[%swap3A_74], %get3A_73 {strides = array<i32>} : memref<40xi32, #tpu.memory_space<vmem>>, vector<16xi32>,
      %get3A_76 = arith.constant 24 : index
      %get3A_77 = tpu.vector_load %arg8[%get3A_76] {strides = array<i32>} : memref<200xi32, #tpu.memory_space<vmem>>, vector<16xi32>,
      %swap3A_78 = arith.constant 24 : index
      %swap3A_79 = tpu.vector_load %arg11[%swap3A_78] {strides = array<i32>} : memref<40xi32, #tpu.memory_space<vmem>>, vector<16xi32>,
      tpu.vector_store %arg11[%swap3A_78], %get3A_77 {strides = array<i32>} : memref<40xi32, #tpu.memory_space<vmem>>, vector<16xi32>,
      %get3A_80 = arith.constant 40 : index
      %get3A_81 = tpu.vector_load %arg8[%get3A_80] {strides = array<i32>} : memref<200xi32, #tpu.memory_space<vmem>>, vector<16xi32>,
      %swap3A_82 = arith.constant 0 : index
      %swap3A_83 = tpu.vector_load %arg12[%swap3A_82] {strides = array<i32>} : memref<40xi32, #tpu.memory_space<vmem>>, vector<16xi32>,
      tpu.vector_store %arg12[%swap3A_82], %get3A_81 {strides = array<i32>} : memref<40xi32, #tpu.memory_space<vmem>>, vector<16xi32>,
      %get3A_84 = arith.constant 56 : index
      %get3A_85 = tpu.vector_load %arg8[%get3A_84] {strides = array<i32>} : memref<200xi32, #tpu.memory_space<vmem>>, vector<16xi32>,
      %swap3A_86 = arith.constant 16 : index
      %swap3A_87 = tpu.vector_load %arg12[%swap3A_86] {strides = array<i32>} : memref<40xi32, #tpu.memory_space<vmem>>, vector<16xi32>,
      tpu.vector_store %arg12[%swap3A_86], %get3A_85 {strides = array<i32>} : memref<40xi32, #tpu.memory_space<vmem>>, vector<16xi32>,
      %get3A_88 = arith.constant 64 : index
      %get3A_89 = tpu.vector_load %arg8[%get3A_88] {strides = array<i32>} : memref<200xi32, #tpu.memory_space<vmem>>, vector<16xi32>,
      %swap3A_90 = arith.constant 24 : index
      %swap3A_91 = tpu.vector_load %arg12[%swap3A_90] {strides = array<i32>} : memref<40xi32, #tpu.memory_space<vmem>>, vector<16xi32>,
      tpu.vector_store %arg12[%swap3A_90], %get3A_89 {strides = array<i32>} : memref<40xi32, #tpu.memory_space<vmem>>, vector<16xi32>,
      %get3A_92 = arith.constant 80 : index
      %get3A_93 = tpu.vector_load %arg8[%get3A_92] {strides = array<i32>} : memref<200xi32, #tpu.memory_space<vmem>>, vector<16xi32>,
      %swap3A_94 = arith.constant 0 : index
      %swap3A_95 = tpu.vector_load %arg13[%swap3A_94] {strides = array<i32>} : memref<40xi32, #tpu.memory_space<vmem>>, vector<16xi32>,
      tpu.vector_store %arg13[%swap3A_94], %get3A_93 {strides = array<i32>} : memref<40xi32, #tpu.memory_space<vmem>>, vector<16xi32>,
      %get3A_96 = arith.constant 96 : index
      %get3A_97 = tpu.vector_load %arg8[%get3A_96] {strides = array<i32>} : memref<200xi32, #tpu.memory_space<vmem>>, vector<16xi32>,
      %swap3A_98 = arith.constant 16 : index
      %swap3A_99 = tpu.vector_load %arg13[%swap3A_98] {strides = array<i32>} : memref<40xi32, #tpu.memory_space<vmem>>, vector<16xi32>,
      tpu.vector_store %arg13[%swap3A_98], %get3A_97 {strides = array<i32>} : memref<40xi32, #tpu.memory_space<vmem>>, vector<16xi32>,
      %get3A_100 = arith.constant 104 : index
      %get3A_101 = tpu.vector_load %arg8[%get3A_100] {strides = array<i32>} : memref<200xi32, #tpu.memory_space<vmem>>, vector<16xi32>,
      %swap3A_102 = arith.constant 24 : index
      %swap3A_103 = tpu.vector_load %arg13[%swap3A_102] {strides = array<i32>} : memref<40xi32, #tpu.memory_space<vmem>>, vector<16xi32>,
      tpu.vector_store %arg13[%swap3A_102], %get3A_101 {strides = array<i32>} : memref<40xi32, #tpu.memory_space<vmem>>, vector<16xi32>,
      %get3A_104 = arith.constant 120 : index
      %get3A_105 = tpu.vector_load %arg8[%get3A_104] {strides = array<i32>} : memref<200xi32, #tpu.memory_space<vmem>>, vector<16xi32>,
      %swap3A_106 = arith.constant 0 : index
      %swap3A_107 = tpu.vector_load %arg14[%swap3A_106] {strides = array<i32>} : memref<40xi32, #tpu.memory_space<vmem>>, vector<16xi32>,
      tpu.vector_store %arg14[%swap3A_106], %get3A_105 {strides = array<i32>} : memref<40xi32, #tpu.memory_space<vmem>>, vector<16xi32>,
      %get3A_108 = arith.constant 136 : index
      %get3A_109 = tpu.vector_load %arg8[%get3A_108] {strides = array<i32>} : memref<200xi32, #tpu.memory_space<vmem>>, vector<16xi32>,
      %swap3A_110 = arith.constant 16 : index
      %swap3A_111 = tpu.vector_load %arg14[%swap3A_110] {strides = array<i32>} : memref<40xi32, #tpu.memory_space<vmem>>, vector<16xi32>,
      tpu.vector_store %arg14[%swap3A_110], %get3A_109 {strides = array<i32>} : memref<40xi32, #tpu.memory_space<vmem>>, vector<16xi32>,
      %get3A_112 = arith.constant 144 : index
      %get3A_113 = tpu.vector_load %arg8[%get3A_112] {strides = array<i32>} : memref<200xi32, #tpu.memory_space<vmem>>, vector<16xi32>,
      %swap3A_114 = arith.constant 24 : index
      %swap3A_115 = tpu.vector_load %arg14[%swap3A_114] {strides = array<i32>} : memref<40xi32, #tpu.memory_space<vmem>>, vector<16xi32>,
      tpu.vector_store %arg14[%swap3A_114], %get3A_113 {strides = array<i32>} : memref<40xi32, #tpu.memory_space<vmem>>, vector<16xi32>,
      %get3A_116 = arith.constant 160 : index
      %get3A_117 = tpu.vector_load %arg8[%get3A_116] {strides = array<i32>} : memref<200xi32, #tpu.memory_space<vmem>>, vector<16xi32>,
      %swap3A_118 = arith.constant 0 : index
      %swap3A_119 = tpu.vector_load %arg15[%swap3A_118] {strides = array<i32>} : memref<40xi32, #tpu.memory_space<vmem>>, vector<16xi32>,
      tpu.vector_store %arg15[%swap3A_118], %get3A_117 {strides = array<i32>} : memref<40xi32, #tpu.memory_space<vmem>>, vector<16xi32>,
      %get3A_120 = arith.constant 176 : index
      %get3A_121 = tpu.vector_load %arg8[%get3A_120] {strides = array<i32>} : memref<200xi32, #tpu.memory_space<vmem>>, vector<16xi32>,
      %swap3A_122 = arith.constant 16 : index
      %swap3A_123 = tpu.vector_load %arg15[%swap3A_122] {strides = array<i32>} : memref<40xi32, #tpu.memory_space<vmem>>, vector<16xi32>,
      tpu.vector_store %arg15[%swap3A_122], %get3A_121 {strides = array<i32>} : memref<40xi32, #tpu.memory_space<vmem>>, vector<16xi32>,
      %get3A_124 = arith.constant 184 : index
      %get3A_125 = tpu.vector_load %arg8[%get3A_124] {strides = array<i32>} : memref<200xi32, #tpu.memory_space<vmem>>, vector<16xi32>,
      %swap3A_126 = arith.constant 24 : index
      %swap3A_127 = tpu.vector_load %arg15[%swap3A_126] {strides = array<i32>} : memref<40xi32, #tpu.memory_space<vmem>>, vector<16xi32>,
      tpu.vector_store %arg15[%swap3A_126], %get3A_125 {strides = array<i32>} : memref<40xi32, #tpu.memory_space<vmem>>, vector<16xi32>,
      %dma_start3A_128 = arith.constant 0 : i32
      %dma_start3A_129 = tpu.memref_slice %arg7[%dma_start3A_128] : memref<200xi32, #tpu.memory_space<vmem>> -> memref<40xi32, #tpu.memory_space<vmem>>
      %dma_start3A_130 = arith.constant 0 : i32
      %dma_start3A_131 = arith.constant 0 : i32
      %dma_start3A_132 = tpu.memref_slice %arg2[%dma_start3A_130, %dma_start3A_131] : memref<10000x128xf32, #tpu.memory_space<hbm>> -> memref<10000x128xf32, #tpu.memory_space<hbm>>
      tpu.enqueue_indirect_dma source(%dma_start3A_132 : memref<10000x128xf32, #tpu.memory_space<hbm>>) target(%arg16 : memref<40x128xf32, #tpu.memory_space<vmem>>) offsets(%dma_start3A_129 : memref<40xi32, #tpu.memory_space<vmem>>) semaphore(%arg22 : memref<!tpu.dma_semaphore, #tpu.memory_space<semaphore_mem>>)
      %dma_start3A_133 = arith.constant 40 : i32
      %dma_start3A_134 = tpu.memref_slice %arg7[%dma_start3A_133] : memref<200xi32, #tpu.memory_space<vmem>> -> memref<40xi32, #tpu.memory_space<vmem>>
      %dma_start3A_135 = arith.constant 0 : i32
      %dma_start3A_136 = arith.constant 0 : i32
      %dma_start3A_137 = tpu.memref_slice %arg2[%dma_start3A_135, %dma_start3A_136] : memref<10000x128xf32, #tpu.memory_space<hbm>> -> memref<10000x128xf32, #tpu.memory_space<hbm>>
      tpu.enqueue_indirect_dma source(%dma_start3A_137 : memref<10000x128xf32, #tpu.memory_space<hbm>>) target(%arg17 : memref<40x128xf32, #tpu.memory_space<vmem>>) offsets(%dma_start3A_134 : memref<40xi32, #tpu.memory_space<vmem>>) semaphore(%arg22 : memref<!tpu.dma_semaphore, #tpu.memory_space<semaphore_mem>>)
      %dma_start3A_138 = arith.constant 80 : i32
      %dma_start3A_139 = tpu.memref_slice %arg7[%dma_start3A_138] : memref<200xi32, #tpu.memory_space<vmem>> -> memref<40xi32, #tpu.memory_space<vmem>>
      %dma_start3A_140 = arith.constant 0 : i32
      %dma_start3A_141 = arith.constant 0 : i32
      %dma_start3A_142 = tpu.memref_slice %arg2[%dma_start3A_140, %dma_start3A_141] : memref<10000x128xf32, #tpu.memory_space<hbm>> -> memref<10000x128xf32, #tpu.memory_space<hbm>>
      tpu.enqueue_indirect_dma source(%dma_start3A_142 : memref<10000x128xf32, #tpu.memory_space<hbm>>) target(%arg18 : memref<40x128xf32, #tpu.memory_space<vmem>>) offsets(%dma_start3A_139 : memref<40xi32, #tpu.memory_space<vmem>>) semaphore(%arg22 : memref<!tpu.dma_semaphore, #tpu.memory_space<semaphore_mem>>)
      %dma_start3A_143 = arith.constant 120 : i32
      %dma_start3A_144 = tpu.memref_slice %arg7[%dma_start3A_143] : memref<200xi32, #tpu.memory_space<vmem>> -> memref<40xi32, #tpu.memory_space<vmem>>
      %dma_start3A_145 = arith.constant 0 : i32
      %dma_start3A_146 = arith.constant 0 : i32
      %dma_start3A_147 = tpu.memref_slice %arg2[%dma_start3A_145, %dma_start3A_146] : memref<10000x128xf32, #tpu.memory_space<hbm>> -> memref<10000x128xf32, #tpu.memory_space<hbm>>
      tpu.enqueue_indirect_dma source(%dma_start3A_147 : memref<10000x128xf32, #tpu.memory_space<hbm>>) target(%arg19 : memref<40x128xf32, #tpu.memory_space<vmem>>) offsets(%dma_start3A_144 : memref<40xi32, #tpu.memory_space<vmem>>) semaphore(%arg22 : memref<!tpu.dma_semaphore, #tpu.memory_space<semaphore_mem>>)
      %dma_start3A_148 = arith.constant 160 : i32
      %dma_start3A_149 = tpu.memref_slice %arg7[%dma_start3A_148] : memref<200xi32, #tpu.memory_space<vmem>> -> memref<40xi32, #tpu.memory_space<vmem>>
      %dma_start3A_150 = arith.constant 0 : i32
      %dma_start3A_151 = arith.constant 0 : i32
      %dma_start3A_152 = tpu.memref_slice %arg2[%dma_start3A_150, %dma_start3A_151] : memref<10000x128xf32, #tpu.memory_space<hbm>> -> memref<10000x128xf32, #tpu.memory_space<hbm>>
      tpu.enqueue_indirect_dma source(%dma_start3A_152 : memref<10000x128xf32, #tpu.memory_space<hbm>>) target(%arg20 : memref<40x128xf32, #tpu.memory_space<vmem>>) offsets(%dma_start3A_149 : memref<40xi32, #tpu.memory_space<vmem>>) semaphore(%arg22 : memref<!tpu.dma_semaphore, #tpu.memory_space<semaphore_mem>>)
      %dma_wait3A_153 = arith.constant 0 : i32
      %dma_wait3A_154 = tpu.memref_slice %arg7[%dma_wait3A_153] : memref<200xi32, #tpu.memory_space<vmem>> -> memref<40xi32, #tpu.memory_space<vmem>>
      %dma_wait3A_155 = arith.constant 0 : i32
      %dma_wait3A_156 = arith.constant 0 : i32
      %dma_wait3A_157 = tpu.memref_slice %arg2[%dma_wait3A_155, %dma_wait3A_156] : memref<10000x128xf32, #tpu.memory_space<hbm>> -> memref<10000x128xf32, #tpu.memory_space<hbm>>
      tpu.wait_indirect_dma semaphore(%arg22 : memref<!tpu.dma_semaphore, #tpu.memory_space<semaphore_mem>>) src(%dma_wait3A_157 : memref<10000x128xf32, #tpu.memory_space<hbm>>) dst(%arg16 : memref<40x128xf32, #tpu.memory_space<vmem>>)
      %dma_start3A_158 = arith.constant 0 : i32
      %dma_start3A_159 = arith.constant 0 : i32
      %dma_start3A_160 = tpu.memref_slice %arg24[%dma_start3A_158, %dma_start3A_159] : memref<10240x128xf32, #tpu.memory_space<vmem_shared>> -> memref<10240x128xf32, #tpu.memory_space<vmem_shared>>
      tpu.enqueue_indirect_dma source(%arg16 : memref<40x128xf32, #tpu.memory_space<vmem>>) target(%dma_start3A_160 : memref<10240x128xf32, #tpu.memory_space<vmem_shared>>) offsets(%arg11 : memref<40xi32, #tpu.memory_space<vmem>>) semaphore(%arg23 : memref<!tpu.dma_semaphore, #tpu.memory_space<semaphore_mem>>) {add = true}
      %dma_wait3A_161 = arith.constant 40 : i32
      %dma_wait3A_162 = tpu.memref_slice %arg7[%dma_wait3A_161] : memref<200xi32, #tpu.memory_space<vmem>> -> memref<40xi32, #tpu.memory_space<vmem>>
      %dma_wait3A_163 = arith.constant 0 : i32
      %dma_wait3A_164 = arith.constant 0 : i32
      %dma_wait3A_165 = tpu.memref_slice %arg2[%dma_wait3A_163, %dma_wait3A_164] : memref<10000x128xf32, #tpu.memory_space<hbm>> -> memref<10000x128xf32, #tpu.memory_space<hbm>>
      tpu.wait_indirect_dma semaphore(%arg22 : memref<!tpu.dma_semaphore, #tpu.memory_space<semaphore_mem>>) src(%dma_wait3A_165 : memref<10000x128xf32, #tpu.memory_space<hbm>>) dst(%arg17 : memref<40x128xf32, #tpu.memory_space<vmem>>)
      %dma_start3A_166 = arith.constant 0 : i32
      %dma_start3A_167 = arith.constant 0 : i32
      %dma_start3A_168 = tpu.memref_slice %arg24[%dma_start3A_166, %dma_start3A_167] : memref<10240x128xf32, #tpu.memory_space<vmem_shared>> -> memref<10240x128xf32, #tpu.memory_space<vmem_shared>>
      tpu.enqueue_indirect_dma source(%arg17 : memref<40x128xf32, #tpu.memory_space<vmem>>) target(%dma_start3A_168 : memref<10240x128xf32, #tpu.memory_space<vmem_shared>>) offsets(%arg12 : memref<40xi32, #tpu.memory_space<vmem>>) semaphore(%arg23 : memref<!tpu.dma_semaphore, #tpu.memory_space<semaphore_mem>>) {add = true}
      %dma_wait3A_169 = arith.constant 80 : i32
      %dma_wait3A_170 = tpu.memref_slice %arg7[%dma_wait3A_169] : memref<200xi32, #tpu.memory_space<vmem>> -> memref<40xi32, #tpu.memory_space<vmem>>
      %dma_wait3A_171 = arith.constant 0 : i32
      %dma_wait3A_172 = arith.constant 0 : i32
      %dma_wait3A_173 = tpu.memref_slice %arg2[%dma_wait3A_171, %dma_wait3A_172] : memref<10000x128xf32, #tpu.memory_space<hbm>> -> memref<10000x128xf32, #tpu.memory_space<hbm>>
      tpu.wait_indirect_dma semaphore(%arg22 : memref<!tpu.dma_semaphore, #tpu.memory_space<semaphore_mem>>) src(%dma_wait3A_173 : memref<10000x128xf32, #tpu.memory_space<hbm>>) dst(%arg18 : memref<40x128xf32, #tpu.memory_space<vmem>>)
      %dma_start3A_174 = arith.constant 0 : i32
      %dma_start3A_175 = arith.constant 0 : i32
      %dma_start3A_176 = tpu.memref_slice %arg24[%dma_start3A_174, %dma_start3A_175] : memref<10240x128xf32, #tpu.memory_space<vmem_shared>> -> memref<10240x128xf32, #tpu.memory_space<vmem_shared>>
      tpu.enqueue_indirect_dma source(%arg18 : memref<40x128xf32, #tpu.memory_space<vmem>>) target(%dma_start3A_176 : memref<10240x128xf32, #tpu.memory_space<vmem_shared>>) offsets(%arg13 : memref<40xi32, #tpu.memory_space<vmem>>) semaphore(%arg23 : memref<!tpu.dma_semaphore, #tpu.memory_space<semaphore_mem>>) {add = true}
      %dma_wait3A_177 = arith.constant 120 : i32
      %dma_wait3A_178 = tpu.memref_slice %arg7[%dma_wait3A_177] : memref<200xi32, #tpu.memory_space<vmem>> -> memref<40xi32, #tpu.memory_space<vmem>>
      %dma_wait3A_179 = arith.constant 0 : i32
      %dma_wait3A_180 = arith.constant 0 : i32
      %dma_wait3A_181 = tpu.memref_slice %arg2[%dma_wait3A_179, %dma_wait3A_180] : memref<10000x128xf32, #tpu.memory_space<hbm>> -> memref<10000x128xf32, #tpu.memory_space<hbm>>
      tpu.wait_indirect_dma semaphore(%arg22 : memref<!tpu.dma_semaphore, #tpu.memory_space<semaphore_mem>>) src(%dma_wait3A_181 : memref<10000x128xf32, #tpu.memory_space<hbm>>) dst(%arg19 : memref<40x128xf32, #tpu.memory_space<vmem>>)
      %dma_start3A_182 = arith.constant 0 : i32
      %dma_start3A_183 = arith.constant 0 : i32
      %dma_start3A_184 = tpu.memref_slice %arg24[%dma_start3A_182, %dma_start3A_183] : memref<10240x128xf32, #tpu.memory_space<vmem_shared>> -> memref<10240x128xf32, #tpu.memory_space<vmem_shared>>
      tpu.enqueue_indirect_dma source(%arg19 : memref<40x128xf32, #tpu.memory_space<vmem>>) target(%dma_start3A_184 : memref<10240x128xf32, #tpu.memory_space<vmem_shared>>) offsets(%arg14 : memref<40xi32, #tpu.memory_space<vmem>>) semaphore(%arg23 : memref<!tpu.dma_semaphore, #tpu.memory_space<semaphore_mem>>) {add = true}
      %dma_wait3A_185 = arith.constant 160 : i32
      %dma_wait3A_186 = tpu.memref_slice %arg7[%dma_wait3A_185] : memref<200xi32, #tpu.memory_space<vmem>> -> memref<40xi32, #tpu.memory_space<vmem>>
      %dma_wait3A_187 = arith.constant 0 : i32
      %dma_wait3A_188 = arith.constant 0 : i32
      %dma_wait3A_189 = tpu.memref_slice %arg2[%dma_wait3A_187, %dma_wait3A_188] : memref<10000x128xf32, #tpu.memory_space<hbm>> -> memref<10000x128xf32, #tpu.memory_space<hbm>>
      tpu.wait_indirect_dma semaphore(%arg22 : memref<!tpu.dma_semaphore, #tpu.memory_space<semaphore_mem>>) src(%dma_wait3A_189 : memref<10000x128xf32, #tpu.memory_space<hbm>>) dst(%arg20 : memref<40x128xf32, #tpu.memory_space<vmem>>)
      %dma_start3A_190 = arith.constant 0 : i32
      %dma_start3A_191 = arith.constant 0 : i32
      %dma_start3A_192 = tpu.memref_slice %arg24[%dma_start3A_190, %dma_start3A_191] : memref<10240x128xf32, #tpu.memory_space<vmem_shared>> -> memref<10240x128xf32, #tpu.memory_space<vmem_shared>>
      tpu.enqueue_indirect_dma source(%arg20 : memref<40x128xf32, #tpu.memory_space<vmem>>) target(%dma_start3A_192 : memref<10240x128xf32, #tpu.memory_space<vmem_shared>>) offsets(%arg15 : memref<40xi32, #tpu.memory_space<vmem>>) semaphore(%arg23 : memref<!tpu.dma_semaphore, #tpu.memory_space<semaphore_mem>>) {add = true}
      %dma_wait3A_193 = tpu.memref_slice %arg3[%add3A_63] : memref<320000xi32, #tpu.memory_space<hbm>> -> memref<200xi32, #tpu.memory_space<hbm>>
      %dma_wait3A_194 = tpu.memref_slice %arg3[%add3A_63] : memref<320000xi32, #tpu.memory_space<hbm>> -> memref<200xi32, #tpu.memory_space<hbm>>
      tpu.wait_dma2 semaphore(%arg21 : memref<!tpu.dma_semaphore, #tpu.memory_space<semaphore_mem>>) src(%dma_wait3A_194 : memref<200xi32, #tpu.memory_space<hbm>>) dst(%arg9 : memref<200xi32, #tpu.memory_space<vmem>>)
      %dma_wait3A_195 = tpu.memref_slice %arg4[%add3A_63] : memref<320000xi32, #tpu.memory_space<hbm>> -> memref<200xi32, #tpu.memory_space<hbm>>
      %dma_wait3A_196 = tpu.memref_slice %arg4[%add3A_63] : memref<320000xi32, #tpu.memory_space<hbm>> -> memref<200xi32, #tpu.memory_space<hbm>>
      tpu.wait_dma2 semaphore(%arg21 : memref<!tpu.dma_semaphore, #tpu.memory_space<semaphore_mem>>) src(%dma_wait3A_196 : memref<200xi32, #tpu.memory_space<hbm>>) dst(%arg10 : memref<200xi32, #tpu.memory_space<vmem>>)
      %lt3A = arith.constant 24 : i32
      %lt3A_197 = arith.cmpi slt, %scan3A_45, %lt3A : i32
      %convert_element_type3A_198 = arith.extui %lt3A_197 : i1 to i32
      %cond3A_199 = arith.constant 0 : i32
      %cond3A_200 = arith.cmpi ne, %convert_element_type3A_198, %cond3A_199 : i32
      scf.if %cond3A_200 {
        %add3A_341 = arith.constant 2 : i32
        %add3A_342 = arith.addi %mul3A_47, %add3A_341 : i32
        %mul3A_343 = arith.constant 10000 : i32
        %mul3A_344 = arith.muli %add3A, %mul3A_343 : i32
        %mul3A_345 = arith.constant 200 : i32
        %mul3A_346 = arith.muli %add3A_342, %mul3A_345 : i32
        %add3A_347 = arith.addi %mul3A_344, %mul3A_346 : i32
        %dma_start3A_348 = tpu.memref_slice %arg3[%add3A_347] : memref<320000xi32, #tpu.memory_space<hbm>> -> memref<200xi32, #tpu.memory_space<hbm>>
        %dma_start3A_349 = tpu.memref_slice %arg3[%add3A_347] : memref<320000xi32, #tpu.memory_space<hbm>> -> memref<200xi32, #tpu.memory_space<hbm>>
        tpu.enqueue_dma source(%dma_start3A_349 : memref<200xi32, #tpu.memory_space<hbm>>) target(%arg7 : memref<200xi32, #tpu.memory_space<vmem>>) target_semaphore(%arg21 : memref<!tpu.dma_semaphore, #tpu.memory_space<semaphore_mem>>)
        %dma_start3A_350 = tpu.memref_slice %arg4[%add3A_347] : memref<320000xi32, #tpu.memory_space<hbm>> -> memref<200xi32, #tpu.memory_space<hbm>>
        %dma_start3A_351 = tpu.memref_slice %arg4[%add3A_347] : memref<320000xi32, #tpu.memory_space<hbm>> -> memref<200xi32, #tpu.memory_space<hbm>>
        tpu.enqueue_dma source(%dma_start3A_351 : memref<200xi32, #tpu.memory_space<hbm>>) target(%arg8 : memref<200xi32, #tpu.memory_space<vmem>>) target_semaphore(%arg21 : memref<!tpu.dma_semaphore, #tpu.memory_space<semaphore_mem>>)
      } else {
      }
      %dma_wait3A_201 = arith.constant 0 : i32
      %dma_wait3A_202 = arith.constant 0 : i32
      %dma_wait3A_203 = tpu.memref_slice %arg24[%dma_wait3A_201, %dma_wait3A_202] : memref<10240x128xf32, #tpu.memory_space<vmem_shared>> -> memref<10240x128xf32, #tpu.memory_space<vmem_shared>>
      tpu.wait_indirect_dma semaphore(%arg23 : memref<!tpu.dma_semaphore, #tpu.memory_space<semaphore_mem>>) src(%arg16 : memref<40x128xf32, #tpu.memory_space<vmem>>) dst(%dma_wait3A_203 : memref<10240x128xf32, #tpu.memory_space<vmem_shared>>)
      %dma_wait3A_204 = arith.constant 0 : i32
      %dma_wait3A_205 = arith.constant 0 : i32
      %dma_wait3A_206 = tpu.memref_slice %arg24[%dma_wait3A_204, %dma_wait3A_205] : memref<10240x128xf32, #tpu.memory_space<vmem_shared>> -> memref<10240x128xf32, #tpu.memory_space<vmem_shared>>
      tpu.wait_indirect_dma semaphore(%arg23 : memref<!tpu.dma_semaphore, #tpu.memory_space<semaphore_mem>>) src(%arg17 : memref<40x128xf32, #tpu.memory_space<vmem>>) dst(%dma_wait3A_206 : memref<10240x128xf32, #tpu.memory_space<vmem_shared>>)
      %dma_wait3A_207 = arith.constant 0 : i32
      %dma_wait3A_208 = arith.constant 0 : i32
      %dma_wait3A_209 = tpu.memref_slice %arg24[%dma_wait3A_207, %dma_wait3A_208] : memref<10240x128xf32, #tpu.memory_space<vmem_shared>> -> memref<10240x128xf32, #tpu.memory_space<vmem_shared>>
      tpu.wait_indirect_dma semaphore(%arg23 : memref<!tpu.dma_semaphore, #tpu.memory_space<semaphore_mem>>) src(%arg18 : memref<40x128xf32, #tpu.memory_space<vmem>>) dst(%dma_wait3A_209 : memref<10240x128xf32, #tpu.memory_space<vmem_shared>>)
      %dma_wait3A_210 = arith.constant 0 : i32
      %dma_wait3A_211 = arith.constant 0 : i32
      %dma_wait3A_212 = tpu.memref_slice %arg24[%dma_wait3A_210, %dma_wait3A_211] : memref<10240x128xf32, #tpu.memory_space<vmem_shared>> -> memref<10240x128xf32, #tpu.memory_space<vmem_shared>>
      tpu.wait_indirect_dma semaphore(%arg23 : memref<!tpu.dma_semaphore, #tpu.memory_space<semaphore_mem>>) src(%arg19 : memref<40x128xf32, #tpu.memory_space<vmem>>) dst(%dma_wait3A_212 : memref<10240x128xf32, #tpu.memory_space<vmem_shared>>)
      %dma_wait3A_213 = arith.constant 0 : i32
      %dma_wait3A_214 = arith.constant 0 : i32
      %dma_wait3A_215 = tpu.memref_slice %arg24[%dma_wait3A_213, %dma_wait3A_214] : memref<10240x128xf32, #tpu.memory_space<vmem_shared>> -> memref<10240x128xf32, #tpu.memory_space<vmem_shared>>
      tpu.wait_indirect_dma semaphore(%arg23 : memref<!tpu.dma_semaphore, #tpu.memory_space<semaphore_mem>>) src(%arg20 : memref<40x128xf32, #tpu.memory_space<vmem>>) dst(%dma_wait3A_215 : memref<10240x128xf32, #tpu.memory_space<vmem_shared>>)
      %get3A_216 = arith.constant 0 : index
      %get3A_217 = tpu.vector_load %arg10[%get3A_216] {strides = array<i32>} : memref<200xi32, #tpu.memory_space<vmem>>, vector<16xi32>,
      %swap3A_218 = arith.constant 0 : index
      %swap3A_219 = tpu.vector_load %arg11[%swap3A_218] {strides = array<i32>} : memref<40xi32, #tpu.memory_space<vmem>>, vector<16xi32>,
      tpu.vector_store %arg11[%swap3A_218], %get3A_217 {strides = array<i32>} : memref<40xi32, #tpu.memory_space<vmem>>, vector<16xi32>,
      %get3A_220 = arith.constant 16 : index
      %get3A_221 = tpu.vector_load %arg10[%get3A_220] {strides = array<i32>} : memref<200xi32, #tpu.memory_space<vmem>>, vector<16xi32>,
      %swap3A_222 = arith.constant 16 : index
      %swap3A_223 = tpu.vector_load %arg11[%swap3A_222] {strides = array<i32>} : memref<40xi32, #tpu.memory_space<vmem>>, vector<16xi32>,
      tpu.vector_store %arg11[%swap3A_222], %get3A_221 {strides = array<i32>} : memref<40xi32, #tpu.memory_space<vmem>>, vector<16xi32>,
      %get3A_224 = arith.constant 24 : index
      %get3A_225 = tpu.vector_load %arg10[%get3A_224] {strides = array<i32>} : memref<200xi32, #tpu.memory_space<vmem>>, vector<16xi32>,
      %swap3A_226 = arith.constant 24 : index
      %swap3A_227 = tpu.vector_load %arg11[%swap3A_226] {strides = array<i32>} : memref<40xi32, #tpu.memory_space<vmem>>, vector<16xi32>,
      tpu.vector_store %arg11[%swap3A_226], %get3A_225 {strides = array<i32>} : memref<40xi32, #tpu.memory_space<vmem>>, vector<16xi32>,
      %get3A_228 = arith.constant 40 : index
      %get3A_229 = tpu.vector_load %arg10[%get3A_228] {strides = array<i32>} : memref<200xi32, #tpu.memory_space<vmem>>, vector<16xi32>,
      %swap3A_230 = arith.constant 0 : index
      %swap3A_231 = tpu.vector_load %arg12[%swap3A_230] {strides = array<i32>} : memref<40xi32, #tpu.memory_space<vmem>>, vector<16xi32>,
      tpu.vector_store %arg12[%swap3A_230], %get3A_229 {strides = array<i32>} : memref<40xi32, #tpu.memory_space<vmem>>, vector<16xi32>,
      %get3A_232 = arith.constant 56 : index
      %get3A_233 = tpu.vector_load %arg10[%get3A_232] {strides = array<i32>} : memref<200xi32, #tpu.memory_space<vmem>>, vector<16xi32>,
      %swap3A_234 = arith.constant 16 : index
      %swap3A_235 = tpu.vector_load %arg12[%swap3A_234] {strides = array<i32>} : memref<40xi32, #tpu.memory_space<vmem>>, vector<16xi32>,
      tpu.vector_store %arg12[%swap3A_234], %get3A_233 {strides = array<i32>} : memref<40xi32, #tpu.memory_space<vmem>>, vector<16xi32>,
      %get3A_236 = arith.constant 64 : index
      %get3A_237 = tpu.vector_load %arg10[%get3A_236] {strides = array<i32>} : memref<200xi32, #tpu.memory_space<vmem>>, vector<16xi32>,
      %swap3A_238 = arith.constant 24 : index
      %swap3A_239 = tpu.vector_load %arg12[%swap3A_238] {strides = array<i32>} : memref<40xi32, #tpu.memory_space<vmem>>, vector<16xi32>,
      tpu.vector_store %arg12[%swap3A_238], %get3A_237 {strides = array<i32>} : memref<40xi32, #tpu.memory_space<vmem>>, vector<16xi32>,
      %get3A_240 = arith.constant 80 : index
      %get3A_241 = tpu.vector_load %arg10[%get3A_240] {strides = array<i32>} : memref<200xi32, #tpu.memory_space<vmem>>, vector<16xi32>,
      %swap3A_242 = arith.constant 0 : index
      %swap3A_243 = tpu.vector_load %arg13[%swap3A_242] {strides = array<i32>} : memref<40xi32, #tpu.memory_space<vmem>>, vector<16xi32>,
      tpu.vector_store %arg13[%swap3A_242], %get3A_241 {strides = array<i32>} : memref<40xi32, #tpu.memory_space<vmem>>, vector<16xi32>,
      %get3A_244 = arith.constant 96 : index
      %get3A_245 = tpu.vector_load %arg10[%get3A_244] {strides = array<i32>} : memref<200xi32, #tpu.memory_space<vmem>>, vector<16xi32>,
      %swap3A_246 = arith.constant 16 : index
      %swap3A_247 = tpu.vector_load %arg13[%swap3A_246] {strides = array<i32>} : memref<40xi32, #tpu.memory_space<vmem>>, vector<16xi32>,
      tpu.vector_store %arg13[%swap3A_246], %get3A_245 {strides = array<i32>} : memref<40xi32, #tpu.memory_space<vmem>>, vector<16xi32>,
      %get3A_248 = arith.constant 104 : index
      %get3A_249 = tpu.vector_load %arg10[%get3A_248] {strides = array<i32>} : memref<200xi32, #tpu.memory_space<vmem>>, vector<16xi32>,
      %swap3A_250 = arith.constant 24 : index
      %swap3A_251 = tpu.vector_load %arg13[%swap3A_250] {strides = array<i32>} : memref<40xi32, #tpu.memory_space<vmem>>, vector<16xi32>,
      tpu.vector_store %arg13[%swap3A_250], %get3A_249 {strides = array<i32>} : memref<40xi32, #tpu.memory_space<vmem>>, vector<16xi32>,
      %get3A_252 = arith.constant 120 : index
      %get3A_253 = tpu.vector_load %arg10[%get3A_252] {strides = array<i32>} : memref<200xi32, #tpu.memory_space<vmem>>, vector<16xi32>,
      %swap3A_254 = arith.constant 0 : index
      %swap3A_255 = tpu.vector_load %arg14[%swap3A_254] {strides = array<i32>} : memref<40xi32, #tpu.memory_space<vmem>>, vector<16xi32>,
      tpu.vector_store %arg14[%swap3A_254], %get3A_253 {strides = array<i32>} : memref<40xi32, #tpu.memory_space<vmem>>, vector<16xi32>,
      %get3A_256 = arith.constant 136 : index
      %get3A_257 = tpu.vector_load %arg10[%get3A_256] {strides = array<i32>} : memref<200xi32, #tpu.memory_space<vmem>>, vector<16xi32>,
      %swap3A_258 = arith.constant 16 : index
      %swap3A_259 = tpu.vector_load %arg14[%swap3A_258] {strides = array<i32>} : memref<40xi32, #tpu.memory_space<vmem>>, vector<16xi32>,
      tpu.vector_store %arg14[%swap3A_258], %get3A_257 {strides = array<i32>} : memref<40xi32, #tpu.memory_space<vmem>>, vector<16xi32>,
      %get3A_260 = arith.constant 144 : index
      %get3A_261 = tpu.vector_load %arg10[%get3A_260] {strides = array<i32>} : memref<200xi32, #tpu.memory_space<vmem>>, vector<16xi32>,
      %swap3A_262 = arith.constant 24 : index
      %swap3A_263 = tpu.vector_load %arg14[%swap3A_262] {strides = array<i32>} : memref<40xi32, #tpu.memory_space<vmem>>, vector<16xi32>,
      tpu.vector_store %arg14[%swap3A_262], %get3A_261 {strides = array<i32>} : memref<40xi32, #tpu.memory_space<vmem>>, vector<16xi32>,
      %get3A_264 = arith.constant 160 : index
      %get3A_265 = tpu.vector_load %arg10[%get3A_264] {strides = array<i32>} : memref<200xi32, #tpu.memory_space<vmem>>, vector<16xi32>,
      %swap3A_266 = arith.constant 0 : index
      %swap3A_267 = tpu.vector_load %arg15[%swap3A_266] {strides = array<i32>} : memref<40xi32, #tpu.memory_space<vmem>>, vector<16xi32>,
      tpu.vector_store %arg15[%swap3A_266], %get3A_265 {strides = array<i32>} : memref<40xi32, #tpu.memory_space<vmem>>, vector<16xi32>,
      %get3A_268 = arith.constant 176 : index
      %get3A_269 = tpu.vector_load %arg10[%get3A_268] {strides = array<i32>} : memref<200xi32, #tpu.memory_space<vmem>>, vector<16xi32>,
      %swap3A_270 = arith.constant 16 : index
      %swap3A_271 = tpu.vector_load %arg15[%swap3A_270] {strides = array<i32>} : memref<40xi32, #tpu.memory_space<vmem>>, vector<16xi32>,
      tpu.vector_store %arg15[%swap3A_270], %get3A_269 {strides = array<i32>} : memref<40xi32, #tpu.memory_space<vmem>>, vector<16xi32>,
      %get3A_272 = arith.constant 184 : index
      %get3A_273 = tpu.vector_load %arg10[%get3A_272] {strides = array<i32>} : memref<200xi32, #tpu.memory_space<vmem>>, vector<16xi32>,
      %swap3A_274 = arith.constant 24 : index
      %swap3A_275 = tpu.vector_load %arg15[%swap3A_274] {strides = array<i32>} : memref<40xi32, #tpu.memory_space<vmem>>, vector<16xi32>,
      tpu.vector_store %arg15[%swap3A_274], %get3A_273 {strides = array<i32>} : memref<40xi32, #tpu.memory_space<vmem>>, vector<16xi32>,
      %dma_start3A_276 = arith.constant 0 : i32
      %dma_start3A_277 = tpu.memref_slice %arg9[%dma_start3A_276] : memref<200xi32, #tpu.memory_space<vmem>> -> memref<40xi32, #tpu.memory_space<vmem>>
      %dma_start3A_278 = arith.constant 0 : i32
      %dma_start3A_279 = arith.constant 0 : i32
      %dma_start3A_280 = tpu.memref_slice %arg2[%dma_start3A_278, %dma_start3A_279] : memref<10000x128xf32, #tpu.memory_space<hbm>> -> memref<10000x128xf32, #tpu.memory_space<hbm>>
      tpu.enqueue_indirect_dma source(%dma_start3A_280 : memref<10000x128xf32, #tpu.memory_space<hbm>>) target(%arg16 : memref<40x128xf32, #tpu.memory_space<vmem>>) offsets(%dma_start3A_277 : memref<40xi32, #tpu.memory_space<vmem>>) semaphore(%arg22 : memref<!tpu.dma_semaphore, #tpu.memory_space<semaphore_mem>>)
      %dma_start3A_281 = arith.constant 40 : i32
      %dma_start3A_282 = tpu.memref_slice %arg9[%dma_start3A_281] : memref<200xi32, #tpu.memory_space<vmem>> -> memref<40xi32, #tpu.memory_space<vmem>>
      %dma_start3A_283 = arith.constant 0 : i32
      %dma_start3A_284 = arith.constant 0 : i32
      %dma_start3A_285 = tpu.memref_slice %arg2[%dma_start3A_283, %dma_start3A_284] : memref<10000x128xf32, #tpu.memory_space<hbm>> -> memref<10000x128xf32, #tpu.memory_space<hbm>>
      tpu.enqueue_indirect_dma source(%dma_start3A_285 : memref<10000x128xf32, #tpu.memory_space<hbm>>) target(%arg17 : memref<40x128xf32, #tpu.memory_space<vmem>>) offsets(%dma_start3A_282 : memref<40xi32, #tpu.memory_space<vmem>>) semaphore(%arg22 : memref<!tpu.dma_semaphore, #tpu.memory_space<semaphore_mem>>)
      %dma_start3A_286 = arith.constant 80 : i32
      %dma_start3A_287 = tpu.memref_slice %arg9[%dma_start3A_286] : memref<200xi32, #tpu.memory_space<vmem>> -> memref<40xi32, #tpu.memory_space<vmem>>
      %dma_start3A_288 = arith.constant 0 : i32
      %dma_start3A_289 = arith.constant 0 : i32
      %dma_start3A_290 = tpu.memref_slice %arg2[%dma_start3A_288, %dma_start3A_289] : memref<10000x128xf32, #tpu.memory_space<hbm>> -> memref<10000x128xf32, #tpu.memory_space<hbm>>
      tpu.enqueue_indirect_dma source(%dma_start3A_290 : memref<10000x128xf32, #tpu.memory_space<hbm>>) target(%arg18 : memref<40x128xf32, #tpu.memory_space<vmem>>) offsets(%dma_start3A_287 : memref<40xi32, #tpu.memory_space<vmem>>) semaphore(%arg22 : memref<!tpu.dma_semaphore, #tpu.memory_space<semaphore_mem>>)
      %dma_start3A_291 = arith.constant 120 : i32
      %dma_start3A_292 = tpu.memref_slice %arg9[%dma_start3A_291] : memref<200xi32, #tpu.memory_space<vmem>> -> memref<40xi32, #tpu.memory_space<vmem>>
      %dma_start3A_293 = arith.constant 0 : i32
      %dma_start3A_294 = arith.constant 0 : i32
      %dma_start3A_295 = tpu.memref_slice %arg2[%dma_start3A_293, %dma_start3A_294] : memref<10000x128xf32, #tpu.memory_space<hbm>> -> memref<10000x128xf32, #tpu.memory_space<hbm>>
      tpu.enqueue_indirect_dma source(%dma_start3A_295 : memref<10000x128xf32, #tpu.memory_space<hbm>>) target(%arg19 : memref<40x128xf32, #tpu.memory_space<vmem>>) offsets(%dma_start3A_292 : memref<40xi32, #tpu.memory_space<vmem>>) semaphore(%arg22 : memref<!tpu.dma_semaphore, #tpu.memory_space<semaphore_mem>>)
      %dma_start3A_296 = arith.constant 160 : i32
      %dma_start3A_297 = tpu.memref_slice %arg9[%dma_start3A_296] : memref<200xi32, #tpu.memory_space<vmem>> -> memref<40xi32, #tpu.memory_space<vmem>>
      %dma_start3A_298 = arith.constant 0 : i32
      %dma_start3A_299 = arith.constant 0 : i32
      %dma_start3A_300 = tpu.memref_slice %arg2[%dma_start3A_298, %dma_start3A_299] : memref<10000x128xf32, #tpu.memory_space<hbm>> -> memref<10000x128xf32, #tpu.memory_space<hbm>>
      tpu.enqueue_indirect_dma source(%dma_start3A_300 : memref<10000x128xf32, #tpu.memory_space<hbm>>) target(%arg20 : memref<40x128xf32, #tpu.memory_space<vmem>>) offsets(%dma_start3A_297 : memref<40xi32, #tpu.memory_space<vmem>>) semaphore(%arg22 : memref<!tpu.dma_semaphore, #tpu.memory_space<semaphore_mem>>)
      %dma_wait3A_301 = arith.constant 0 : i32
      %dma_wait3A_302 = tpu.memref_slice %arg9[%dma_wait3A_301] : memref<200xi32, #tpu.memory_space<vmem>> -> memref<40xi32, #tpu.memory_space<vmem>>
      %dma_wait3A_303 = arith.constant 0 : i32
      %dma_wait3A_304 = arith.constant 0 : i32
      %dma_wait3A_305 = tpu.memref_slice %arg2[%dma_wait3A_303, %dma_wait3A_304] : memref<10000x128xf32, #tpu.memory_space<hbm>> -> memref<10000x128xf32, #tpu.memory_space<hbm>>
      tpu.wait_indirect_dma semaphore(%arg22 : memref<!tpu.dma_semaphore, #tpu.memory_space<semaphore_mem>>) src(%dma_wait3A_305 : memref<10000x128xf32, #tpu.memory_space<hbm>>) dst(%arg16 : memref<40x128xf32, #tpu.memory_space<vmem>>)
      %dma_start3A_306 = arith.constant 0 : i32
      %dma_start3A_307 = arith.constant 0 : i32
      %dma_start3A_308 = tpu.memref_slice %arg24[%dma_start3A_306, %dma_start3A_307] : memref<10240x128xf32, #tpu.memory_space<vmem_shared>> -> memref<10240x128xf32, #tpu.memory_space<vmem_shared>>
      tpu.enqueue_indirect_dma source(%arg16 : memref<40x128xf32, #tpu.memory_space<vmem>>) target(%dma_start3A_308 : memref<10240x128xf32, #tpu.memory_space<vmem_shared>>) offsets(%arg11 : memref<40xi32, #tpu.memory_space<vmem>>) semaphore(%arg23 : memref<!tpu.dma_semaphore, #tpu.memory_space<semaphore_mem>>) {add = true}
      %dma_wait3A_309 = arith.constant 40 : i32
      %dma_wait3A_310 = tpu.memref_slice %arg9[%dma_wait3A_309] : memref<200xi32, #tpu.memory_space<vmem>> -> memref<40xi32, #tpu.memory_space<vmem>>
      %dma_wait3A_311 = arith.constant 0 : i32
      %dma_wait3A_312 = arith.constant 0 : i32
      %dma_wait3A_313 = tpu.memref_slice %arg2[%dma_wait3A_311, %dma_wait3A_312] : memref<10000x128xf32, #tpu.memory_space<hbm>> -> memref<10000x128xf32, #tpu.memory_space<hbm>>
      tpu.wait_indirect_dma semaphore(%arg22 : memref<!tpu.dma_semaphore, #tpu.memory_space<semaphore_mem>>) src(%dma_wait3A_313 : memref<10000x128xf32, #tpu.memory_space<hbm>>) dst(%arg17 : memref<40x128xf32, #tpu.memory_space<vmem>>)
      %dma_start3A_314 = arith.constant 0 : i32
      %dma_start3A_315 = arith.constant 0 : i32
      %dma_start3A_316 = tpu.memref_slice %arg24[%dma_start3A_314, %dma_start3A_315] : memref<10240x128xf32, #tpu.memory_space<vmem_shared>> -> memref<10240x128xf32, #tpu.memory_space<vmem_shared>>
      tpu.enqueue_indirect_dma source(%arg17 : memref<40x128xf32, #tpu.memory_space<vmem>>) target(%dma_start3A_316 : memref<10240x128xf32, #tpu.memory_space<vmem_shared>>) offsets(%arg12 : memref<40xi32, #tpu.memory_space<vmem>>) semaphore(%arg23 : memref<!tpu.dma_semaphore, #tpu.memory_space<semaphore_mem>>) {add = true}
      %dma_wait3A_317 = arith.constant 80 : i32
      %dma_wait3A_318 = tpu.memref_slice %arg9[%dma_wait3A_317] : memref<200xi32, #tpu.memory_space<vmem>> -> memref<40xi32, #tpu.memory_space<vmem>>
      %dma_wait3A_319 = arith.constant 0 : i32
      %dma_wait3A_320 = arith.constant 0 : i32
      %dma_wait3A_321 = tpu.memref_slice %arg2[%dma_wait3A_319, %dma_wait3A_320] : memref<10000x128xf32, #tpu.memory_space<hbm>> -> memref<10000x128xf32, #tpu.memory_space<hbm>>
      tpu.wait_indirect_dma semaphore(%arg22 : memref<!tpu.dma_semaphore, #tpu.memory_space<semaphore_mem>>) src(%dma_wait3A_321 : memref<10000x128xf32, #tpu.memory_space<hbm>>) dst(%arg18 : memref<40x128xf32, #tpu.memory_space<vmem>>)
      %dma_start3A_322 = arith.constant 0 : i32
      %dma_start3A_323 = arith.constant 0 : i32
      %dma_start3A_324 = tpu.memref_slice %arg24[%dma_start3A_322, %dma_start3A_323] : memref<10240x128xf32, #tpu.memory_space<vmem_shared>> -> memref<10240x128xf32, #tpu.memory_space<vmem_shared>>
      tpu.enqueue_indirect_dma source(%arg18 : memref<40x128xf32, #tpu.memory_space<vmem>>) target(%dma_start3A_324 : memref<10240x128xf32, #tpu.memory_space<vmem_shared>>) offsets(%arg13 : memref<40xi32, #tpu.memory_space<vmem>>) semaphore(%arg23 : memref<!tpu.dma_semaphore, #tpu.memory_space<semaphore_mem>>) {add = true}
      %dma_wait3A_325 = arith.constant 120 : i32
      %dma_wait3A_326 = tpu.memref_slice %arg9[%dma_wait3A_325] : memref<200xi32, #tpu.memory_space<vmem>> -> memref<40xi32, #tpu.memory_space<vmem>>
      %dma_wait3A_327 = arith.constant 0 : i32
      %dma_wait3A_328 = arith.constant 0 : i32
      %dma_wait3A_329 = tpu.memref_slice %arg2[%dma_wait3A_327, %dma_wait3A_328] : memref<10000x128xf32, #tpu.memory_space<hbm>> -> memref<10000x128xf32, #tpu.memory_space<hbm>>
      tpu.wait_indirect_dma semaphore(%arg22 : memref<!tpu.dma_semaphore, #tpu.memory_space<semaphore_mem>>) src(%dma_wait3A_329 : memref<10000x128xf32, #tpu.memory_space<hbm>>) dst(%arg19 : memref<40x128xf32, #tpu.memory_space<vmem>>)
      %dma_start3A_330 = arith.constant 0 : i32
      %dma_start3A_331 = arith.constant 0 : i32
      %dma_start3A_332 = tpu.memref_slice %arg24[%dma_start3A_330, %dma_start3A_331] : memref<10240x128xf32, #tpu.memory_space<vmem_shared>> -> memref<10240x128xf32, #tpu.memory_space<vmem_shared>>
      tpu.enqueue_indirect_dma source(%arg19 : memref<40x128xf32, #tpu.memory_space<vmem>>) target(%dma_start3A_332 : memref<10240x128xf32, #tpu.memory_space<vmem_shared>>) offsets(%arg14 : memref<40xi32, #tpu.memory_space<vmem>>) semaphore(%arg23 : memref<!tpu.dma_semaphore, #tpu.memory_space<semaphore_mem>>) {add = true}
      %dma_wait3A_333 = arith.constant 160 : i32
      %dma_wait3A_334 = tpu.memref_slice %arg9[%dma_wait3A_333] : memref<200xi32, #tpu.memory_space<vmem>> -> memref<40xi32, #tpu.memory_space<vmem>>
      %dma_wait3A_335 = arith.constant 0 : i32
      %dma_wait3A_336 = arith.constant 0 : i32
      %dma_wait3A_337 = tpu.memref_slice %arg2[%dma_wait3A_335, %dma_wait3A_336] : memref<10000x128xf32, #tpu.memory_space<hbm>> -> memref<10000x128xf32, #tpu.memory_space<hbm>>
      tpu.wait_indirect_dma semaphore(%arg22 : memref<!tpu.dma_semaphore, #tpu.memory_space<semaphore_mem>>) src(%dma_wait3A_337 : memref<10000x128xf32, #tpu.memory_space<hbm>>) dst(%arg20 : memref<40x128xf32, #tpu.memory_space<vmem>>)
      %dma_start3A_338 = arith.constant 0 : i32
      %dma_start3A_339 = arith.constant 0 : i32
      %dma_start3A_340 = tpu.memref_slice %arg24[%dma_start3A_338, %dma_start3A_339] : memref<10240x128xf32, #tpu.memory_space<vmem_shared>> -> memref<10240x128xf32, #tpu.memory_space<vmem_shared>>
      tpu.enqueue_indirect_dma source(%arg20 : memref<40x128xf32, #tpu.memory_space<vmem>>) target(%dma_start3A_340 : memref<10240x128xf32, #tpu.memory_space<vmem_shared>>) offsets(%arg15 : memref<40xi32, #tpu.memory_space<vmem>>) semaphore(%arg23 : memref<!tpu.dma_semaphore, #tpu.memory_space<semaphore_mem>>) {add = true}
    }
    %scan3A_17 = arith.constant 25 : i32
    %dma_wait3A = arith.constant 0 : i32
    %dma_wait3A_18 = arith.constant 0 : i32
    %dma_wait3A_19 = tpu.memref_slice %arg24[%dma_wait3A, %dma_wait3A_18] : memref<10240x128xf32, #tpu.memory_space<vmem_shared>> -> memref<10240x128xf32, #tpu.memory_space<vmem_shared>>
    tpu.wait_indirect_dma semaphore(%arg23 : memref<!tpu.dma_semaphore, #tpu.memory_space<semaphore_mem>>) src(%arg16 : memref<40x128xf32, #tpu.memory_space<vmem>>) dst(%dma_wait3A_19 : memref<10240x128xf32, #tpu.memory_space<vmem_shared>>)
    %dma_wait3A_20 = arith.constant 0 : i32
    %dma_wait3A_21 = arith.constant 0 : i32
    %dma_wait3A_22 = tpu.memref_slice %arg24[%dma_wait3A_20, %dma_wait3A_21] : memref<10240x128xf32, #tpu.memory_space<vmem_shared>> -> memref<10240x128xf32, #tpu.memory_space<vmem_shared>>
    tpu.wait_indirect_dma semaphore(%arg23 : memref<!tpu.dma_semaphore, #tpu.memory_space<semaphore_mem>>) src(%arg17 : memref<40x128xf32, #tpu.memory_space<vmem>>) dst(%dma_wait3A_22 : memref<10240x128xf32, #tpu.memory_space<vmem_shared>>)
    %dma_wait3A_23 = arith.constant 0 : i32
    %dma_wait3A_24 = arith.constant 0 : i32
    %dma_wait3A_25 = tpu.memref_slice %arg24[%dma_wait3A_23, %dma_wait3A_24] : memref<10240x128xf32, #tpu.memory_space<vmem_shared>> -> memref<10240x128xf32, #tpu.memory_space<vmem_shared>>
    tpu.wait_indirect_dma semaphore(%arg23 : memref<!tpu.dma_semaphore, #tpu.memory_space<semaphore_mem>>) src(%arg18 : memref<40x128xf32, #tpu.memory_space<vmem>>) dst(%dma_wait3A_25 : memref<10240x128xf32, #tpu.memory_space<vmem_shared>>)
    %dma_wait3A_26 = arith.constant 0 : i32
    %dma_wait3A_27 = arith.constant 0 : i32
    %dma_wait3A_28 = tpu.memref_slice %arg24[%dma_wait3A_26, %dma_wait3A_27] : memref<10240x128xf32, #tpu.memory_space<vmem_shared>> -> memref<10240x128xf32, #tpu.memory_space<vmem_shared>>
    tpu.wait_indirect_dma semaphore(%arg23 : memref<!tpu.dma_semaphore, #tpu.memory_space<semaphore_mem>>) src(%arg19 : memref<40x128xf32, #tpu.memory_space<vmem>>) dst(%dma_wait3A_28 : memref<10240x128xf32, #tpu.memory_space<vmem_shared>>)
    %dma_wait3A_29 = arith.constant 0 : i32
    %dma_wait3A_30 = arith.constant 0 : i32
    %dma_wait3A_31 = tpu.memref_slice %arg24[%dma_wait3A_29, %dma_wait3A_30] : memref<10240x128xf32, #tpu.memory_space<vmem_shared>> -> memref<10240x128xf32, #tpu.memory_space<vmem_shared>>
    tpu.wait_indirect_dma semaphore(%arg23 : memref<!tpu.dma_semaphore, #tpu.memory_space<semaphore_mem>>) src(%arg20 : memref<40x128xf32, #tpu.memory_space<vmem>>) dst(%dma_wait3A_31 : memref<10240x128xf32, #tpu.memory_space<vmem_shared>>)
    %barrier3A_32 = arith.constant 0 : index
    tpu.barrier barrier_id(%barrier3A_32)
    %mul3A_33 = arith.constant 640 : i32
    %mul3A_34 = arith.muli %arg1, %mul3A_33 : i32
    %dma_start3A_35 = arith.constant 0 : i32
    %dma_start3A_36 = tpu.memref_slice %arg6[%arg0, %mul3A_34, %dma_start3A_35] : memref<2x10240x128xf32, #tpu.memory_space<hbm>> -> memref<1x640x128xf32, #tpu.memory_space<hbm>>
    %dma_start3A_37 = tpu.memref_squeeze %dma_start3A_36 : memref<1x640x128xf32, #tpu.memory_space<hbm>> -> memref<640x128xf32, #tpu.memory_space<hbm>>
    %dma_start3A_38 = arith.constant 0 : i32
    %dma_start3A_39 = tpu.memref_slice %arg24[%mul3A_34, %dma_start3A_38] : memref<10240x128xf32, #tpu.memory_space<vmem_shared>> -> memref<640x128xf32, #tpu.memory_space<vmem_shared>>
    tpu.enqueue_dma source(%dma_start3A_39 : memref<640x128xf32, #tpu.memory_space<vmem_shared>>) target(%dma_start3A_37 : memref<640x128xf32, #tpu.memory_space<hbm>>) target_semaphore(%arg23 : memref<!tpu.dma_semaphore, #tpu.memory_space<semaphore_mem>>)
    %dma_wait3A_40 = arith.constant 0 : i32
    %dma_wait3A_41 = tpu.memref_slice %arg6[%arg0, %mul3A_34, %dma_wait3A_40] : memref<2x10240x128xf32, #tpu.memory_space<hbm>> -> memref<1x640x128xf32, #tpu.memory_space<hbm>>
    %dma_wait3A_42 = tpu.memref_squeeze %dma_wait3A_41 : memref<1x640x128xf32, #tpu.memory_space<hbm>> -> memref<640x128xf32, #tpu.memory_space<hbm>>
    %dma_wait3A_43 = arith.constant 0 : i32
    %dma_wait3A_44 = tpu.memref_slice %arg24[%mul3A_34, %dma_wait3A_43] : memref<10240x128xf32, #tpu.memory_space<vmem_shared>> -> memref<640x128xf32, #tpu.memory_space<vmem_shared>>
    tpu.wait_dma2 semaphore(%arg23 : memref<!tpu.dma_semaphore, #tpu.memory_space<semaphore_mem>>) src(%dma_wait3A_44 : memref<640x128xf32, #tpu.memory_space<vmem_shared>>) dst(%dma_wait3A_42 : memref<640x128xf32, #tpu.memory_space<hbm>>)
    return
  }
}

module attributes {stable_mosaic.version = 14 : i64} {
  func.func @body(%arg0: memref<10000x128xf32, #tpu.memory_space<vmem>>, %arg1: memref<128x128xf32, #tpu.memory_space<vmem>>, %arg2: memref<10000x128xf32, #tpu.memory_space<vmem>>) attributes {dimension_semantics = [], scalar_prefetch = 0 : i64, scratch_operands = 0 : i64, tpu.core_type = #tpu.core_type<tc>} {
    %get3A = arith.constant 0 : index
    %get3A_0 = arith.constant 0 : index
    %get3A_1 = vector.load %arg0[%get3A, %get3A_0] : memref<10000x128xf32, #tpu.memory_space<vmem>>, vector<10000x128xf32>
    %get3A_2 = arith.constant 0 : index
    %get3A_3 = arith.constant 0 : index
    %get3A_4 = vector.load %arg1[%get3A_2, %get3A_3] : memref<128x128xf32, #tpu.memory_space<vmem>>, vector<128x128xf32>
    %dot_general3A = arith.constant dense<0.000000e+00> : vector<10000x128xf32>
    %dot_general3A_5 = tpu.matmul %get3A_1, %get3A_4, %dot_general3A {dimension_numbers = #tpu.dot_dimension_numbers<[1], [0], [0], [1], [0, 0, 1, 1], [], []>, transpose_lhs_hint = false} : vector<10000x128xf32>, vector<128x128xf32>, vector<10000x128xf32> -> vector<10000x128xf32>
    %swap3A = arith.constant 0 : index
    %swap3A_6 = arith.constant 0 : index
    %swap3A_7 = vector.load %arg2[%swap3A, %swap3A_6] : memref<10000x128xf32, #tpu.memory_space<vmem>>, vector<10000x128xf32>
    tpu.vector_store %arg2[%swap3A, %swap3A_6], %dot_general3A_5 {strides = array<i32>} : memref<10000x128xf32, #tpu.memory_space<vmem>>, vector<10000x128xf32>,
    return
  }
}

module attributes {stable_mosaic.version = 14 : i64} {
  func.func @body(%arg0: memref<2x10240x128xf32, #tpu.memory_space<vmem>>, %arg1: memref<32x10240xf32, #tpu.memory_space<vmem>>, %arg2: memref<10000x128xf32, #tpu.memory_space<vmem>>, %arg3: memref<128x128xf32, #tpu.memory_space<vmem>>, %arg4: memref<1x128xf32, #tpu.memory_space<vmem>>, %arg5: memref<128x128xf32, #tpu.memory_space<vmem>>, %arg6: memref<10000x128xf32, #tpu.memory_space<vmem>>, %arg7: memref<10000x128xf32, #tpu.memory_space<vmem>>, %arg8: memref<10000x1xf32, #tpu.memory_space<vmem>>) attributes {dimension_semantics = [], scalar_prefetch = 0 : i64, scratch_operands = 0 : i64, tpu.core_type = #tpu.core_type<tc>} {
    %get3A = arith.constant 0 : index
    %get3A_0 = arith.constant 0 : index
    %get3A_1 = arith.constant 0 : index
    %get3A_2 = vector.load %arg0[%get3A, %get3A_0, %get3A_1] : memref<2x10240x128xf32, #tpu.memory_space<vmem>>, vector<1x10000x128xf32>
    %get3A_3 = vector.shape_cast %get3A_2 : vector<1x10000x128xf32> to vector<10000x128xf32>
    %get3A_4 = arith.constant 1 : index
    %get3A_5 = arith.constant 0 : index
    %get3A_6 = arith.constant 0 : index
    %get3A_7 = vector.load %arg0[%get3A_4, %get3A_5, %get3A_6] : memref<2x10240x128xf32, #tpu.memory_space<vmem>>, vector<1x10000x128xf32>
    %get3A_8 = vector.shape_cast %get3A_7 : vector<1x10000x128xf32> to vector<10000x128xf32>
    %add3A = arith.addf %get3A_3, %get3A_8 : vector<10000x128xf32>
    %broadcast_in_dim3A = arith.constant 1.000000e+00 : f32
    %broadcast_in_dim3A_9 = vector.broadcast %broadcast_in_dim3A : f32 to vector<32x1xf32>
    %get3A_10 = arith.constant 0 : index
    %get3A_11 = arith.constant 0 : index
    %get3A_12 = vector.load %arg1[%get3A_10, %get3A_11] : memref<32x10240xf32, #tpu.memory_space<vmem>>, vector<32x10240xf32>
    %dot_general3A = arith.constant dense<0.000000e+00> : vector<10240x1xf32>
    %dot_general3A_13 = tpu.matmul %get3A_12, %broadcast_in_dim3A_9, %dot_general3A {dimension_numbers = #tpu.dot_dimension_numbers<[0], [0], [1], [1], [0, 1, 1, 1], [], []>, transpose_lhs_hint = false} : vector<32x10240xf32>, vector<32x1xf32>, vector<10240x1xf32> -> vector<10240x1xf32>
    %slice3A = vector.extract_strided_slice %dot_general3A_13 {offsets = [0, 0], sizes = [10000, 1], strides = [1, 1]} : vector<10240x1xf32> to vector<10000x1xf32>
    %max3A = arith.constant 1.000000e+00 : f32
    %max3A_14 = vector.broadcast %max3A : f32 to vector<10000x1xf32>
    %max3A_15 = arith.maximumf %slice3A, %max3A_14 : vector<10000x1xf32>
    %div3A = arith.constant 1.000000e+00 : f32
    %div3A_16 = vector.broadcast %div3A : f32 to vector<10000x1xf32>
    %div3A_17 = arith.divf %div3A_16, %max3A_15 : vector<10000x1xf32>
    %mul3A = vector.broadcast %div3A_17 : vector<10000x1xf32> to vector<10000x128xf32>
    %mul3A_18 = arith.mulf %add3A, %mul3A : vector<10000x128xf32>
    %get3A_19 = arith.constant 0 : index
    %get3A_20 = arith.constant 0 : index
    %get3A_21 = vector.load %arg4[%get3A_19, %get3A_20] : memref<1x128xf32, #tpu.memory_space<vmem>>, vector<1x128xf32>
    %add3A_22 = vector.broadcast %get3A_21 : vector<1x128xf32> to vector<10000x128xf32>
    %add3A_23 = arith.addf %mul3A_18, %add3A_22 : vector<10000x128xf32>
    %get3A_24 = arith.constant 0 : index
    %get3A_25 = arith.constant 0 : index
    %get3A_26 = vector.load %arg2[%get3A_24, %get3A_25] : memref<10000x128xf32, #tpu.memory_space<vmem>>, vector<10000x128xf32>
    %get3A_27 = arith.constant 0 : index
    %get3A_28 = arith.constant 0 : index
    %get3A_29 = vector.load %arg3[%get3A_27, %get3A_28] : memref<128x128xf32, #tpu.memory_space<vmem>>, vector<128x128xf32>
    %dot_general3A_30 = arith.constant dense<0.000000e+00> : vector<10000x128xf32>
    %dot_general3A_31 = tpu.matmul %get3A_26, %get3A_29, %dot_general3A_30 {dimension_numbers = #tpu.dot_dimension_numbers<[1], [0], [0], [1], [0, 0, 1, 1], [], []>, transpose_lhs_hint = false} : vector<10000x128xf32>, vector<128x128xf32>, vector<10000x128xf32> -> vector<10000x128xf32>
    %add3A_32 = arith.addf %add3A_23, %dot_general3A_31 : vector<10000x128xf32>
    %max3A_33 = arith.constant 0.000000e+00 : f32
    %max3A_34 = vector.broadcast %max3A_33 : f32 to vector<10000x128xf32>
    %max3A_35 = arith.maximumf %add3A_32, %max3A_34 : vector<10000x128xf32>
    %swap3A = arith.constant 0 : index
    %swap3A_36 = arith.constant 0 : index
    %swap3A_37 = vector.load %arg6[%swap3A, %swap3A_36] : memref<10000x128xf32, #tpu.memory_space<vmem>>, vector<10000x128xf32>
    tpu.vector_store %arg6[%swap3A, %swap3A_36], %max3A_35 {strides = array<i32>} : memref<10000x128xf32, #tpu.memory_space<vmem>>, vector<10000x128xf32>,
    %get3A_38 = arith.constant 0 : index
    %get3A_39 = arith.constant 0 : index
    %get3A_40 = vector.load %arg5[%get3A_38, %get3A_39] : memref<128x128xf32, #tpu.memory_space<vmem>>, vector<128x128xf32>
    %dot_general3A_41 = arith.constant dense<0.000000e+00> : vector<10000x128xf32>
    %dot_general3A_42 = tpu.matmul %max3A_35, %get3A_40, %dot_general3A_41 {dimension_numbers = #tpu.dot_dimension_numbers<[1], [0], [0], [1], [0, 0, 1, 1], [], []>, transpose_lhs_hint = false} : vector<10000x128xf32>, vector<128x128xf32>, vector<10000x128xf32> -> vector<10000x128xf32>
    %swap3A_43 = arith.constant 0 : index
    %swap3A_44 = arith.constant 0 : index
    %swap3A_45 = vector.load %arg7[%swap3A_43, %swap3A_44] : memref<10000x128xf32, #tpu.memory_space<vmem>>, vector<10000x128xf32>
    tpu.vector_store %arg7[%swap3A_43, %swap3A_44], %dot_general3A_42 {strides = array<i32>} : memref<10000x128xf32, #tpu.memory_space<vmem>>, vector<10000x128xf32>,
    %swap3A_46 = arith.constant 0 : index
    %swap3A_47 = arith.constant 0 : index
    %swap3A_48 = vector.load %arg8[%swap3A_46, %swap3A_47] : memref<10000x1xf32, #tpu.memory_space<vmem>>, vector<10000x1xf32>
    tpu.vector_store %arg8[%swap3A_46, %swap3A_47], %div3A_17 {strides = array<i32>} : memref<10000x1xf32, #tpu.memory_space<vmem>>, vector<10000x1xf32>,
    return
  }
}

module attributes {stable_mosaic.version = 14 : i64} {
  func.func @body(%arg0: memref<2x10240x128xf32, #tpu.memory_space<vmem>>, %arg1: memref<10000x1xf32, #tpu.memory_space<vmem>>, %arg2: memref<10000x128xf32, #tpu.memory_space<vmem>>, %arg3: memref<128x128xf32, #tpu.memory_space<vmem>>, %arg4: memref<1x128xf32, #tpu.memory_space<vmem>>, %arg5: memref<10000x128xf32, #tpu.memory_space<vmem>>) attributes {dimension_semantics = [], scalar_prefetch = 0 : i64, scratch_operands = 0 : i64, tpu.core_type = #tpu.core_type<tc>} {
    %get3A = arith.constant 0 : index
    %get3A_0 = arith.constant 0 : index
    %get3A_1 = arith.constant 0 : index
    %get3A_2 = vector.load %arg0[%get3A, %get3A_0, %get3A_1] : memref<2x10240x128xf32, #tpu.memory_space<vmem>>, vector<1x10000x128xf32>
    %get3A_3 = vector.shape_cast %get3A_2 : vector<1x10000x128xf32> to vector<10000x128xf32>
    %get3A_4 = arith.constant 1 : index
    %get3A_5 = arith.constant 0 : index
    %get3A_6 = arith.constant 0 : index
    %get3A_7 = vector.load %arg0[%get3A_4, %get3A_5, %get3A_6] : memref<2x10240x128xf32, #tpu.memory_space<vmem>>, vector<1x10000x128xf32>
    %get3A_8 = vector.shape_cast %get3A_7 : vector<1x10000x128xf32> to vector<10000x128xf32>
    %add3A = arith.addf %get3A_3, %get3A_8 : vector<10000x128xf32>
    %get3A_9 = arith.constant 0 : index
    %get3A_10 = arith.constant 0 : index
    %get3A_11 = vector.load %arg1[%get3A_9, %get3A_10] : memref<10000x1xf32, #tpu.memory_space<vmem>>, vector<10000x1xf32>
    %mul3A = vector.broadcast %get3A_11 : vector<10000x1xf32> to vector<10000x128xf32>
    %mul3A_12 = arith.mulf %add3A, %mul3A : vector<10000x128xf32>
    %get3A_13 = arith.constant 0 : index
    %get3A_14 = arith.constant 0 : index
    %get3A_15 = vector.load %arg4[%get3A_13, %get3A_14] : memref<1x128xf32, #tpu.memory_space<vmem>>, vector<1x128xf32>
    %add3A_16 = vector.broadcast %get3A_15 : vector<1x128xf32> to vector<10000x128xf32>
    %add3A_17 = arith.addf %mul3A_12, %add3A_16 : vector<10000x128xf32>
    %get3A_18 = arith.constant 0 : index
    %get3A_19 = arith.constant 0 : index
    %get3A_20 = vector.load %arg2[%get3A_18, %get3A_19] : memref<10000x128xf32, #tpu.memory_space<vmem>>, vector<10000x128xf32>
    %get3A_21 = arith.constant 0 : index
    %get3A_22 = arith.constant 0 : index
    %get3A_23 = vector.load %arg3[%get3A_21, %get3A_22] : memref<128x128xf32, #tpu.memory_space<vmem>>, vector<128x128xf32>
    %dot_general3A = arith.constant dense<0.000000e+00> : vector<10000x128xf32>
    %dot_general3A_24 = tpu.matmul %get3A_20, %get3A_23, %dot_general3A {dimension_numbers = #tpu.dot_dimension_numbers<[1], [0], [0], [1], [0, 0, 1, 1], [], []>, transpose_lhs_hint = false} : vector<10000x128xf32>, vector<128x128xf32>, vector<10000x128xf32> -> vector<10000x128xf32>
    %add3A_25 = arith.addf %add3A_17, %dot_general3A_24 : vector<10000x128xf32>
    %max3A = arith.constant 0.000000e+00 : f32
    %max3A_26 = vector.broadcast %max3A : f32 to vector<10000x128xf32>
    %max3A_27 = arith.maximumf %add3A_25, %max3A_26 : vector<10000x128xf32>
    %swap3A = arith.constant 0 : index
    %swap3A_28 = arith.constant 0 : index
    %swap3A_29 = vector.load %arg5[%swap3A, %swap3A_28] : memref<10000x128xf32, #tpu.memory_space<vmem>>, vector<10000x128xf32>
    tpu.vector_store %arg5[%swap3A, %swap3A_28], %max3A_27 {strides = array<i32>} : memref<10000x128xf32, #tpu.memory_space<vmem>>, vector<10000x128xf32>,
    return
  }
}

module attributes {stable_mosaic.version = 14 : i64} {
  func.func @body(%arg0: memref<2x10240x128xf32, #tpu.memory_space<vmem>>, %arg1: memref<10000x1xf32, #tpu.memory_space<vmem>>, %arg2: memref<10000x128xf32, #tpu.memory_space<vmem>>, %arg3: memref<128x64xf32, #tpu.memory_space<vmem>>, %arg4: memref<128x64xf32, #tpu.memory_space<vmem>>, %arg5: memref<1x64xf32, #tpu.memory_space<vmem>>, %arg6: memref<10000x64xf32, #tpu.memory_space<vmem>>) attributes {dimension_semantics = [], scalar_prefetch = 0 : i64, scratch_operands = 0 : i64, tpu.core_type = #tpu.core_type<tc>} {
    %get3A = arith.constant 0 : index
    %get3A_0 = arith.constant 0 : index
    %get3A_1 = arith.constant 0 : index
    %get3A_2 = vector.load %arg0[%get3A, %get3A_0, %get3A_1] : memref<2x10240x128xf32, #tpu.memory_space<vmem>>, vector<1x10000x128xf32>
    %get3A_3 = vector.shape_cast %get3A_2 : vector<1x10000x128xf32> to vector<10000x128xf32>
    %get3A_4 = arith.constant 1 : index
    %get3A_5 = arith.constant 0 : index
    %get3A_6 = arith.constant 0 : index
    %get3A_7 = vector.load %arg0[%get3A_4, %get3A_5, %get3A_6] : memref<2x10240x128xf32, #tpu.memory_space<vmem>>, vector<1x10000x128xf32>
    %get3A_8 = vector.shape_cast %get3A_7 : vector<1x10000x128xf32> to vector<10000x128xf32>
    %add3A = arith.addf %get3A_3, %get3A_8 : vector<10000x128xf32>
    %get3A_9 = arith.constant 0 : index
    %get3A_10 = arith.constant 0 : index
    %get3A_11 = vector.load %arg1[%get3A_9, %get3A_10] : memref<10000x1xf32, #tpu.memory_space<vmem>>, vector<10000x1xf32>
    %mul3A = vector.broadcast %get3A_11 : vector<10000x1xf32> to vector<10000x128xf32>
    %mul3A_12 = arith.mulf %add3A, %mul3A : vector<10000x128xf32>
    %get3A_13 = arith.constant 0 : index
    %get3A_14 = arith.constant 0 : index
    %get3A_15 = vector.load %arg3[%get3A_13, %get3A_14] : memref<128x64xf32, #tpu.memory_space<vmem>>, vector<128x64xf32>
    %dot_general3A = arith.constant dense<0.000000e+00> : vector<10000x64xf32>
    %dot_general3A_16 = tpu.matmul %mul3A_12, %get3A_15, %dot_general3A {dimension_numbers = #tpu.dot_dimension_numbers<[1], [0], [0], [1], [0, 0, 1, 1], [], []>, transpose_lhs_hint = false} : vector<10000x128xf32>, vector<128x64xf32>, vector<10000x64xf32> -> vector<10000x64xf32>
    %get3A_17 = arith.constant 0 : index
    %get3A_18 = arith.constant 0 : index
    %get3A_19 = vector.load %arg5[%get3A_17, %get3A_18] : memref<1x64xf32, #tpu.memory_space<vmem>>, vector<1x64xf32>
    %add3A_20 = vector.broadcast %get3A_19 : vector<1x64xf32> to vector<10000x64xf32>
    %add3A_21 = arith.addf %dot_general3A_16, %add3A_20 : vector<10000x64xf32>
    %get3A_22 = arith.constant 0 : index
    %get3A_23 = arith.constant 0 : index
    %get3A_24 = vector.load %arg2[%get3A_22, %get3A_23] : memref<10000x128xf32, #tpu.memory_space<vmem>>, vector<10000x128xf32>
    %get3A_25 = arith.constant 0 : index
    %get3A_26 = arith.constant 0 : index
    %get3A_27 = vector.load %arg4[%get3A_25, %get3A_26] : memref<128x64xf32, #tpu.memory_space<vmem>>, vector<128x64xf32>
    %dot_general3A_28 = arith.constant dense<0.000000e+00> : vector<10000x64xf32>
    %dot_general3A_29 = tpu.matmul %get3A_24, %get3A_27, %dot_general3A_28 {dimension_numbers = #tpu.dot_dimension_numbers<[1], [0], [0], [1], [0, 0, 1, 1], [], []>, transpose_lhs_hint = false} : vector<10000x128xf32>, vector<128x64xf32>, vector<10000x64xf32> -> vector<10000x64xf32>
    %add3A_30 = arith.addf %add3A_21, %dot_general3A_29 : vector<10000x64xf32>
    %swap3A = arith.constant 0 : index
    %swap3A_31 = arith.constant 0 : index
    %swap3A_32 = vector.load %arg6[%swap3A, %swap3A_31] : memref<10000x64xf32, #tpu.memory_space<vmem>>, vector<10000x64xf32>
    tpu.vector_store %arg6[%swap3A, %swap3A_31], %add3A_30 {strides = array<i32>} : memref<10000x64xf32, #tpu.memory_space<vmem>>, vector<10000x64xf32>,
    return
  }
}

</mosaic_0001>

<sc_bundles>
// kernel: kernel.12.cloned.1.call-start
scs
__scs_entry_jumppad:
0x0: {  	(pc) =	sbr.rel $0x88, $3  }
0x1: {  	(tag) =	ssettag $0x0;
	lr =	simm.s32 $0x1  }
0x2: {  	[smem:$0x3F96] =	sst lr;
	_ =	strace $0xD0000000  }
0x3: {  	_ = 	snop  }
0x4: {  	_ = 	snop  }
0x5: {  	_ = 	snop  }
0x6: {  	_ = 	snop  }
0x7: {  	_ = 	snop  }
__scs_overlays_trampoline_lowered:
0x8: {  	[smem:$0x3FA5] =	sst s0  }
0x9: {  	[smem:$0x3FA6] =	sst s1  }
0xa: {  	[smem:$0x3FA7] =	sst s2  }
0xb: {  	[smem:$0x3FA8] =	sst s3  }
0xc: {  	[smem:$0x3FA9] =	sst s4  }
0xd: {  	[smem:$0x3FAA] =	sst s5  }
0xe: {  	[smem:$0x3FAB] =	sst s6  }
0xf: {  	[smem:$0x3FAC] =	sst s7  }
0x10: {  	[smem:$0x3FAD] =	sst s8  }
0x11: {  	[smem:$0x3FAE] =	sst s9;
	s0 =	simm.s32 @!p0 $0x0  }
0x12: {  	s1 =	sld [smem:$0x3F94];
	s0 =	simm.s32 @p0 $0x1  }
0x13: {  	[smem:$0x3FAF] =	sst s0;
	s0 =	simm.s32 @!p1 $0x0  }
0x14: {  	s2 =	sld [smem:$0x3F93];
	s0 =	simm.s32 @p1 $0x1  }
0x15: {  	[smem:$0x3FB0] =	sst s0;
	s0 =	simm.s32 @!p2 $0x0  }
0x16: {  	s3 =	sld [smem:$0x3FDB];
	s0 =	simm.s32 @p2 $0x1  }
0x17: {  	s4 =	simm.s32 $0x1BF5;
	[smem:$0x3FB2] =	sst s0  }
0x18: {  	s0 =	sld [smem:$0x3F95];
	_ =	swait.ge [sflag:s4], $0x0  }
0x19: {  	s7 =	sld [smem:$0x3F96]  }
0x1a: {  	s8 =	sadd.s32 $0xFFFFE003, lr  }
0x1b: {  	s9 =	sadd.s32 $0xFFFFFEF7, lr;
	s5 =	simm.s32 $0xFFFFFFFF;
	p2 =	slt.u32 s8, $0xFFFFF086  }
0x1c: {  	p1 =	slt.u32 s9, $0xF7A;
	s5 =	simm.s32 @!p2 $0x0  }
0x1d: {  	s5 =	simm.s32 @p1 $0x1;
	p0 =	seq.s32 s7, s2  }
0x1e: {  	s7 =	smul.u32 @!p0 $0xF7A, s2;
	p2 =	seq.s32 @!p0 s5, $0x0  }
0x1f: {  	s9 =	smul.u32 $0xF7A, s1;
	s8 =	simm.s32 @!p0 $0x1BF5;
	p2 =	por !p2, p0  }
0x20: {  	[sflag:s8] =	ssyncset.s32 @!p0 $0xFFFFF086;
	s6 =	sadd.s32 @!p0 s3, s7;
	s7 =	simm.s32 @!p0 $0x108  }
0x21: {  	s3 =	sadd.s32 s3, s9;
	s6 =	sadd.s32 @!p0 $0x88, s6;
	s7 =	simm.s32 @p2 $0x1082  }
0x22: {  	[simem:s7], [sflag:s8] =	dma.local @!p0 [hbm:s6], $0xF7A  }
0x23: {  	s9 =	sor.u32 $0xD0000000, s2;
	s6 =	simm.s32 $0x108;
	_ =	swait.ge @!p0 [sflag:s8], $0x0  }
0x24: {  	s3 =	sadd.s32 $0x88, s3;
	s6 =	simm.s32 @!p1 $0x1082;
	[sflag:s4] =	ssyncset.s32 $0xFFFFF086  }
0x25: {  	[simem:s6], [sflag:s4] =	dma.local [hbm:s3], $0xF7A  }
0x26: {  	[smem:$0x3F96] =	sst s1;
	(tag) =	ssettag s2;
	_ =	strace s9  }
0x27: {  	s1 =	sld [smem:$0x3FA6]  }
0x28: {  	s2 =	sld [smem:$0x3FA7]  }
0x29: {  	s4 =	sld [smem:$0x3FA9]  }
0x2a: {  	p0 =	seq.s32 s5, $0x0;
	s5 =	sld [smem:$0x3FAA]  }
0x2b: {  	s6 =	sld [smem:$0x3FAB]  }
0x2c: {  	s7 =	sld [smem:$0x3FAC]  }
0x2d: {  	s3 =	simm.s32 $0x108;
	s8 =	sld [smem:$0x3FAD]  }
0x2e: {  	s3 =	simm.s32 @!p0 $0x1082;
	s9 =	sld [smem:$0x3FAE]  }
0x2f: {  	lr =	sadd.s32 s0, s3;
	s0 =	sld [smem:$0x3FA5]  }
0x30: {  	s3 =	sld [smem:$0x3FA8]  }
0x31: {  	[smem:$0x3FB1] =	sst s10  }
0x32: {  	s10 =	sld [smem:$0x3FAF];
	_ =	sdelay $0x3  }
0x33: {  	p0 =	seq.s32 s10, $0x1;
	s10 =	sld [smem:$0x3FB1];
	_ =	sdelay $0x3  }
0x34: {  	[smem:$0x3FB1] =	sst s10  }
0x35: {  	s10 =	sld [smem:$0x3FB0];
	_ =	sdelay $0x3  }
0x36: {  	p1 =	seq.s32 s10, $0x1;
	s10 =	sld [smem:$0x3FB1];
	_ =	sdelay $0x3  }
0x37: {  	[smem:$0x3FB1] =	sst s10  }
0x38: {  	s10 =	sld [smem:$0x3FB2]  }
0x39: {  	_ = 	snop;
	(pc) =	sbr.ind lr, $3  }
0x3a: {  	_ = 	snop  }
0x3b: {  	_ = 	snop  }
0x3c: {  	p2 =	seq.s32 s10, $0x1;
	s10 =	sld [smem:$0x3FB1]  }
0x3d: {  	_ =	shalt  }
0x3e: {  	_ =	shalt  }
0x3f: {  	_ =	shalt  }
0x40: {  	_ =	shalt  }
0x41: {  	_ =	shalt  }
0x42: {  	_ =	shalt  }
0x43: {  	_ =	shalt  }
0x44: {  	_ =	shalt  }
0x45: {  	_ =	shalt  }
0x46: {  	_ =	shalt  }
0x47: {  	_ =	shalt  }
0x48: {  	_ =	shalt  }
0x49: {  	_ =	shalt  }
0x4a: {  	_ =	shalt  }
0x4b: {  	_ =	shalt  }
0x4c: {  	_ =	shalt  }
0x4d: {  	_ =	shalt  }
0x4e: {  	_ =	shalt  }
0x4f: {  	_ =	shalt  }
0x50: {  	_ =	shalt  }
0x51: {  	_ =	shalt  }
0x52: {  	_ =	shalt  }
0x53: {  	_ =	shalt  }
0x54: {  	_ =	shalt  }
0x55: {  	_ =	shalt  }
0x56: {  	_ =	shalt  }
0x57: {  	_ =	shalt  }
0x58: {  	_ =	shalt  }
0x59: {  	_ =	shalt  }
0x5a: {  	_ =	shalt  }
0x5b: {  	_ =	shalt  }
0x5c: {  	_ =	shalt  }
0x5d: {  	_ =	shalt  }
0x5e: {  	_ =	shalt  }
0x5f: {  	_ =	shalt  }
0x60: {  	_ =	shalt  }
0x61: {  	_ =	shalt  }
0x62: {  	_ =	shalt  }
0x63: {  	_ =	shalt  }
0x64: {  	_ =	shalt  }
0x65: {  	_ =	shalt  }
0x66: {  	_ =	shalt  }
0x67: {  	_ =	shalt  }
0x68: {  	_ =	shalt  }
0x69: {  	_ =	shalt  }
0x6a: {  	_ =	shalt  }
0x6b: {  	_ =	shalt  }
0x6c: {  	_ =	shalt  }
0x6d: {  	_ =	shalt  }
0x6e: {  	_ =	shalt  }
0x6f: {  	_ =	shalt  }
0x70: {  	_ =	shalt  }
0x71: {  	_ =	shalt  }
0x72: {  	_ =	shalt  }
0x73: {  	_ =	shalt  }
0x74: {  	_ =	shalt  }
0x75: {  	_ =	shalt  }
0x76: {  	_ =	shalt  }
0x77: {  	_ =	shalt  }
0x78: {  	_ =	shalt  }
0x79: {  	_ =	shalt  }
0x7a: {  	_ =	shalt  }
0x7b: {  	_ =	shalt  }
0x7c: {  	_ =	shalt  }
0x7d: {  	_ =	shalt  }
0x7e: {  	_ =	shalt  }
0x7f: {  	_ =	shalt  }
0x80: {  	_ =	shalt  }
0x81: {  	_ =	shalt  }
0x82: {  	_ =	shalt  }
0x83: {  	_ =	shalt  }
0x84: {  	_ =	shalt  }
0x85: {  	_ =	shalt  }
0x86: {  	_ =	shalt  }
0x87: {  	_ =	shalt  }
.Lfunc_end0:
.L_simem_size_0:
called_computation.1_lowered:
.L_overlay_start_0:
0x88: {  	s2 =	sld [smem:$0x3FD9]  }
0x89: {  	s3 =	sld [smem:$0x3FFE];
	_ =	sdelay $0x1  }
0x8a: {  	s1 =	srdreg.scid  }
0x8b: {  	s0 =	sand.u32 $0x1, s1  }
0x8c: {  	s16 =	sshll.u32 s0, $0xA;
	s2 =	sadd.s32 s3, s2  }
0x8d: {  	s2 =	sadd.s32 s2, s16  }
0x8e: {  	[smem:$0x3FBD] =	sst s2  }
0x8f: {  	_ = 	snop  }
0x90: {  	(tm) =	ssettm $0x1  }
0x91: {  	s17 =	sld [smem:$0x3FFB];
	_ =	sdelay $0x3  }
0x92: {  	_ =	strace s17  }
0x93: {  	s2 =	sld [smem:$0x3FFC];
	_ =	sdelay $0x3  }
0x94: {  	_ =	strace s2  }
0x95: {  	s2 =	sld [smem:$0x3FFD];
	_ =	sdelay $0x3  }
0x96: {  	_ =	strace s2  }
0x97: {  	_ =	strace $0x8FFFFFFF  }
0x98: {  	s18 =	sld [smem:$0x3FDB];
	_ =	sdelay $0x1  }
0x99: {  	s19 =	simm.s32 $_scs_section_size  }
0x9a: {  	s4 =	simm.s32 $_size__tile_overlayer_lowered;
	s5 =	simm.s32 $_tile_overlayer_lowered  }
0x9b: {  	s22 =	simm.s32 $0x1BFF;
	s21 =	sshll.u32 s5, $0x1;
	s2 =	sadd.s32 s19, s18  }
0x9c: {  	s6 =	simm.s32 $0x0;
	s20 =	sshll.u32 s4, $0x1;
	s4 =	sadd.s32 s21, s2  }
0x9d: {  	[timem:s6], [sflag:s22] =	dma.local [hbm:s4], s20  }
0x9e: {  	_ =	swait.ge [sflag:s22], s20  }
0x9f: {  	s3 =	ssub.s32 $0x0, s20;
	[sflag:s22] =	ssyncset.done $0x0  }
0xa0: {  	[sflag:s22] =	ssyncadd.s32 s3;
	_ =	sdelay $0x1  }
0xa1: {  	s23 =	simm.s32 $0x1B8B  }
0xa2: {  	_ =	swait.ge [sflag:s23], $0x1  }
0xa3: {  	[sflag:s23] =	ssyncset.done $0x0  }
0xa4: {  	s25 =	simm.s32 $0x1B8E;
	s24 =	sld [smem:$0x3FFE];
	[sflag:s23] =	ssyncadd.s32 $0xFFFFFFFF  }
0xa5: {  	s26 =	simm.s32 $execute0_lowered;
	[smem:$0x3FD2] =	sst s25  }
0xa6: {  	s4 =	sshll.u32 s26, $0x1;
	_ =	strace $0x80000049;
	[dreg:$0x1] =	wrdreg $0xFFFFFFFF  }
0xa7: {  	s28 =	simm.s32 $_size_execute0_lowered;
	s2 =	sadd.s32 s2, s4;
	[dreg:$0x0] =	wrdreg $0x0  }
0xa8: {  	s4 =	sshll.u32 s28, $0x1;
	[dreg:$0x2] =	wrdreg s2  }
0xa9: {  	[dreg:$0x3] =	wrdreg s4  }
0xaa: {  	[dreg:$0x4] =	wrdreg $0xC0  }
0xab: {  	_ =	task [dreg:s6], $0x5FFFF  }
0xac: {  	[dreg:$0x1] =	wrdreg $0xFFFFFFFF  }
0xad: {  	[dreg:$0x0] =	wrdreg $0x60  }
0xae: {  	[dreg:$0x2] =	wrdreg s24  }
0xaf: {  	[dreg:$0x3] =	wrdreg $0x6A800  }
0xb0: {  	[dreg:$0x4] =	wrdreg $0x9  }
0xb1: {  	_ =	task.clear_ibuf [dreg:s6], $0x5FFFF;
	_ =	strace $0x90000049  }
0xb2: {  	s29 =	simm.s32 $0x9;
	_ =	strace $0x8000004B  }
0xb3: {  	_ =	swait.ge [sflag:s29], $0x1  }
0xb4: {  	[sflag:s29] =	ssyncadd.s32 $0xFFFFFFFF  }
0xb5: {  	_ =	strace $0x9000004B  }
0xb6: {  	_ =	sfence  }
0xb7: {  	s30 =	sld [smem:$0x0];
	_ =	sdelay $0x2  }
0xb8: {  	s31 =	sshll.u32 s1, $0xD;
	s1 =	sshrl.u32 s1, $0x2  }
0xb9: {  	s3 =	sand.u32 $0x4000, s31;
	s1 =	sadd.s32 s1, s30  }
0xba: {  	s0 =	sor.u32 s3, s0;
	s1 =	sshll.u32 s1, $0x11  }
0xbb: {  	s0 =	sor.u32 s1, s0  }
0xbc: {  	s0 =	sadd.s32 $0x8F2B, s0  }
0xbd: {  	[sflag:s0] =	ssyncadd.remote.s32 $0x1  }
0xbe: {  	_ =	sfence.sel $0xFFFF  }
0xbf: {  	[dreg:$0x0] =	wrdreg $0xFFFFFFFF;
	(pc) =	sbr.abs _section_cstart, $3  }
0xc0: {  	[dreg:$0x1] =	wrdreg $0xFFFFFFFF  }
0xc1: {  	_ =	task.clear_ibuf [dreg:s6], $0x2FFFF;
	_ =	strace $0x9FFFFFFF  }
0xc2: {  	(tm) =	ssettm $0x7FFFFFFF  }
0xc3: {  	_ =	shalt  }
tec
execute0_lowered:
.L_overlay_start_1:
0x0: {  	(tag) =	ssettag $0x1  }
0x1: {  	s0 =	rddreg [dreg:$0x0];
	s1 =	srdreg.scid  }
0x2: {  	s2 =	rddreg [dreg:$0x1];
	s12 =	stileid.u32  }
0x3: {  	s3 =	simm.s32 $0x0;
	s19 =	simm.s32 $0x300;
	s20 =	simm.s32 $0x50  }
0x4: {  	s21 =	simm.s32 $0x78;
	s22 =	simm.s32 $0xA0;
	s23 =	simm.s32 $0x228  }
0x5: {  	s24 =	simm.s32 $0x250;
	s28 =	simm.s32 $0x400;
	s29 =	simm.s32 $0x480  }
0x6: {  	s30 =	simm.s32 $0x500;
	s31 =	simm.s32 $0x580;
	s1 =	sand.u32 $0x1, s1  }
0x7: {  	s6 =	smul.u32 $0x14000, s12;
	[smem:$0x7FF] =	sst s3;
	s8 =	sadd.s32 $0x3D600, s0  }
0x8: {  	s25 =	smul.u32 $0x50000, s12;
	_ =	strace $0x8000004A;
	[dreg:$0xd] =	wrdreg s8  }
0x9: {  	s4 =	sadd.s32 $0x16400, s0;
	s11 =	smul.u32 $0x2710, s12;
	[dreg:$0x5] =	wrdreg s19  }
0xa: {  	s5 =	smul.u32 $0x140000, s1;
	s26 =	ssub.s32 $0x2, s1;
	[dreg:$0x6] =	wrdreg s20  }
0xb: {  	s9 =	sshll.u32 s1, $0x4;
	s1 =	smul.u32 $0x27100, s1;
	[dreg:$0x7] =	wrdreg s21  }
0xc: {  	s8 =	sshll.u32 s12, $0x6;
	s19 =	simm.s32 $0x200;
	[dreg:$0x8] =	wrdreg s22  }
0xd: {  	s20 =	simm.s32 $0x28;
	[dreg:$0x9] =	wrdreg s23;
	s21 =	simm.s32 $0x680  }
0xe: {  	[dreg:$0xa] =	wrdreg s24;
	s22 =	simm.s32 $0x1A80;
	s23 =	simm.s32 $0x2E80  }
0xf: {  	s24 =	simm.s32 $0x4280;
	s10 =	sshrl.u32 s26, $0x1;
	s9 =	sor.u32 s12, s9  }
0x10: {  	s7 =	sadd.s32 s6, s5;
	s5 =	sadd.s32 $0xC600, s0;
	s13 =	ssub.s32 s26, s10  }
0x11: {  	s9 =	smul.u32 $0x2710, s9;
	s1 =	sadd.s32 s11, s1;
	s11 =	sor.u32 $0x1C04, s8  }
0x12: {  	s26 =	simm.s32 $0x2A0;
	s7 =	sshrl.u32 s7, $0x3;
	[dreg:$0xe] =	wrdreg s11  }
0x13: {  	s6 =	sadd.s32 $0x2800, s0;
	[dreg:$0xc] =	wrdreg s26;
	s0 =	sadd.s32 s7, s0  }
0x14: {  	s7 =	sshrl.u32 s25, $0x2;
	s12 =	sshrl.u32 s9, $0x3;
	s25 =	simm.s32 $0x278  }
0x15: {  	s15 =	sadd.s32 $0xC8, s1;
	s16 =	sadd.s32 s5, s12;
	[dreg:$0xb] =	wrdreg s25  }
0x16: {  	s14 =	sadd.s32 s7, s2;
	s7 =	sadd.s32 s6, s12;
	[dreg:$0xf] =	wrdreg s16  }
0x17: {  	s9 =	sshrl.u32 s15, $0x3;
	s0 =	sadd.s32 $0x3FE00, s0;
	[dreg:$0x10] =	wrdreg s7  }
0x18: {  	s13 =	smax.u32 s13, $0x1;
	s17 =	sadd.s32 s9, s6;
	[dreg:$0x11] =	wrdreg s0  }
0x19: {  	s26 =	simm.s32 $0x2;
	s18 =	sadd.s32 s9, s5;
	[dreg:$0x3] =	wrdreg s17  }
0x1a: {  	s25 =	simm.s32 $0x5680;
	s7 =	sadd.s32 $0x190, s1;
	[dreg:$0x4] =	wrdreg s18  }
0x1b: {  	s15 =	sshrl.u32 s14, $0x3;
	s16 =	simm.s32 $0x4;
	s18 =	simm.s32 $0x1  }
0x1c: {  	s0 =	simm.s32 $0x600;
	s1 =	simm.s32 $0x3;
	s17 =	simm.s32 $0x0  }
.LBB2_1:
0x1d: {  	s9 =	rddreg [dreg:$0xd]  }
0x1e: {  	s10 =	rddreg [dreg:$0xe]  }
0x1f: {  	[spmem:s15], [sflag:s10] =	dma.local [hbm:s9], $0x2800  }
0x20: {  	_ =	swait.ge [sflag:s16], $0x2800  }
0x21: {  	[sflag:s16] =	ssyncset.done $0x0  }
0x22: {  	[sflag:s16] =	ssyncadd.s32 $0xFFFFD800  }
0x23: {  	[bflag:$0x0] =	sbarrier.arrive $0xFFFF  }
0x24: {  	s11 =	rddreg [dreg:$0xf]  }
0x25: {  	[tilespmem:s3], [sflag:$0x1] =	stream.linear.gather [hbm4b:s11+s3], $0xC8, $0x38;
	[tilespmem:$0x1AA80] =	vst v63  }
0x26: {  	s14 =	simm.s32 $0x100;
	s12 =	rddreg [dreg:$0x10]  }
0x27: {  	[tilespmem:s14], [sflag:$0x1] =	stream.linear.gather [hbm4b:s12+s3], $0xC8, $0x38;
	[tilespmem:$0x1AA80] =	vst v63  }
0x28: {  	s9 =	simm.s32 $0x0;
	s14 =	smov.u32 s7  }
.LBB2_2:
0x29: {  	_ =	swait.ge [sflag:s18], $0xC8  }
0x2a: {  	[sflag:s18] =	ssyncset.done $0x0  }
0x2b: {  	[sflag:s18] =	ssyncadd.s32 $0xFFFFFF38  }
0x2c: {  	_ =	swait.ge [sflag:s18], $0xC8  }
0x2d: {  	p0 =	seq.s32 s9, $0x0;
	s10 =	rddreg [dreg:$0x4];
	[sflag:s18] =	ssyncset.done $0x0  }
0x2e: {  	s11 =	rddreg [dreg:$0x3];
	[sflag:s18] =	ssyncadd.s32 $0xFFFFFF38;
	s10 =	sadd.s32 s9, s10  }
0x2f: {  	[tilespmem:s19], [sflag:$0x1] =	stream.linear.gather [hbm4b:s10+s3], $0xC8, $0x38;
	[tilespmem:$0x1AA80] =	vst v63  }
0x30: {  	s12 =	rddreg [dreg:$0x5];
	s11 =	sadd.s32 s9, s11;
	s10 =	simm.s32 @!p0 $0x3  }
0x31: {  	[tilespmem:s12], [sflag:$0x1] =	stream.linear.gather [hbm4b:s11+s3], $0xC8, $0x38;
	[tilespmem:$0x1AA80] =	vst v63  }
0x32: {  	_ =	swait.ge @!p0 [sflag:s10], $0x1400  }
0x33: {  	[sflag:s10] =	ssyncset.done @!p0 $0x0  }
0x34: {  	[sflag:s10] =	ssyncadd.s32 @!p0 $0xFFFFEC00  }
0x35: {  	_ =	swait.ge @!p0 [sflag:s10], $0x1400  }
0x36: {  	[sflag:s10] =	ssyncset.done @!p0 $0x0  }
0x37: {  	[sflag:s10] =	ssyncadd.s32 @!p0 $0xFFFFEC00  }
0x38: {  	_ =	swait.ge @!p0 [sflag:s10], $0x1400  }
0x39: {  	[sflag:s10] =	ssyncset.done @!p0 $0x0  }
0x3a: {  	[sflag:s10] =	ssyncadd.s32 @!p0 $0xFFFFEC00  }
0x3b: {  	_ =	swait.ge @!p0 [sflag:s10], $0x1400  }
0x3c: {  	[sflag:s10] =	ssyncset.done @!p0 $0x0  }
0x3d: {  	[sflag:s10] =	ssyncadd.s32 @!p0 $0xFFFFEC00  }
0x3e: {  	_ =	swait.ge @!p0 [sflag:s10], $0x1400  }
0x3f: {  	[sflag:s10] =	ssyncset.done @!p0 $0x0  }
0x40: {  	[sflag:s10] =	ssyncadd.s32 @!p0 $0xFFFFEC00  }
0x41: {  	v0 =	vld [tilespmem:$0x100]  }
0x42: {  	v1 =	vld [tilespmem:$0x110]  }
0x43: {  	v3 =	vld [tilespmem:$0x128]  }
0x44: {  	v4 =	vld [tilespmem:$0x138]  }
0x45: {  	v40 =	vld [tilespmem:$0x150]  }
0x46: {  	v41 =	vld [tilespmem:$0x160];
	[tilespmem:$0x400] =	vst v0  }
0x47: {  	v43 =	vld [tilespmem:$0x178];
	[tilespmem:$0x410] =	vst v1  }
0x48: {  	v44 =	vld [tilespmem:$0x188];
	[tilespmem:$0x480] =	vst v3  }
0x49: {  	v46 =	vld [tilespmem:$0x1A0];
	[tilespmem:$0x490] =	vst v4  }
0x4a: {  	v47 =	vld [tilespmem:$0x1B0];
	[tilespmem:$0x500] =	vst v40  }
0x4b: {  	v2 =	vld [tilespmem:$0x118];
	[tilespmem:$0x510] =	vst v41  }
0x4c: {  	v39 =	vld [tilespmem:$0x140];
	[tilespmem:$0x580] =	vst v43  }
0x4d: {  	v42 =	vld [tilespmem:$0x168];
	[tilespmem:$0x590] =	vst v44  }
0x4e: {  	v45 =	vld [tilespmem:$0x190];
	[tilespmem:$0x600] =	vst v46  }
0x4f: {  	v48 =	vld [tilespmem:$0x1B8];
	[tilespmem:$0x610] =	vst v47  }
0x50: {  	[tilespmem:$0x418] =	vst v2  }
0x51: {  	[tilespmem:$0x498] =	vst v39  }
0x52: {  	[tilespmem:$0x518] =	vst v42  }
0x53: {  	[tilespmem:$0x598] =	vst v45  }
0x54: {  	[tilespmem:$0x618] =	vst v48  }
0x55: {  	[tilespmem:s21], [sflag:$0x2] =	stream.indirect.gather [hbm4b:s4+s20], $0x80, s3, s20, $0xb8;
	[tilespmem:$0x1AA80] =	vst v63  }
0x56: {  	_ = 	snop  }
0x57: {  	[tilespmem:s22], [sflag:$0x2] =	stream.indirect.gather [hbm4b:s4+s20], $0x80, s20, s20, $0xb8;
	[tilespmem:$0x1AA80] =	vst v63  }
0x58: {  	s12 =	rddreg [dreg:$0x6]  }
0x59: {  	[tilespmem:s23], [sflag:$0x2] =	stream.indirect.gather [hbm4b:s4+s20], $0x80, s12, s20, $0xb8;
	[tilespmem:$0x1AA80] =	vst v63  }
0x5a: {  	s11 =	rddreg [dreg:$0x7]  }
0x5b: {  	[tilespmem:s24], [sflag:$0x2] =	stream.indirect.gather [hbm4b:s4+s20], $0x80, s11, s20, $0xb8;
	[tilespmem:$0x1AA80] =	vst v63  }
0x5c: {  	s12 =	rddreg [dreg:$0x8]  }
0x5d: {  	[tilespmem:s25], [sflag:$0x2] =	stream.indirect.gather [hbm4b:s4+s20], $0x80, s12, s20, $0xb8;
	[tilespmem:$0x1AA80] =	vst v63  }
0x5e: {  	_ =	swait.ge [sflag:s26], $0x1400  }
0x5f: {  	[sflag:s26] =	ssyncset.done $0x0  }
0x60: {  	[sflag:s26] =	ssyncadd.s32 $0xFFFFEC00  }
0x61: {  	[spmem:s2] =	stream.indirect.scatter.add.f32 [tilespmem:s21], [sflag:$0x3], $0x80, s28, s20, $0xb8;
	[tilespmem:$0x1AA80] =	vst v63  }
0x62: {  	_ =	swait.ge [sflag:s26], $0x1400  }
0x63: {  	[sflag:s26] =	ssyncset.done $0x0  }
0x64: {  	[sflag:s26] =	ssyncadd.s32 $0xFFFFEC00  }
0x65: {  	[spmem:s2] =	stream.indirect.scatter.add.f32 [tilespmem:s22], [sflag:$0x3], $0x80, s29, s20, $0xb8;
	[tilespmem:$0x1AA80] =	vst v63  }
0x66: {  	_ =	swait.ge [sflag:s26], $0x1400  }
0x67: {  	[sflag:s26] =	ssyncset.done $0x0  }
0x68: {  	[sflag:s26] =	ssyncadd.s32 $0xFFFFEC00  }
0x69: {  	[spmem:s2] =	stream.indirect.scatter.add.f32 [tilespmem:s23], [sflag:$0x3], $0x80, s30, s20, $0xb8;
	[tilespmem:$0x1AA80] =	vst v63  }
0x6a: {  	_ =	swait.ge [sflag:s26], $0x1400  }
0x6b: {  	[sflag:s26] =	ssyncset.done $0x0  }
0x6c: {  	[sflag:s26] =	ssyncadd.s32 $0xFFFFEC00  }
0x6d: {  	[spmem:s2] =	stream.indirect.scatter.add.f32 [tilespmem:s24], [sflag:$0x3], $0x80, s31, s20, $0xb8;
	[tilespmem:$0x1AA80] =	vst v63  }
0x6e: {  	_ =	swait.ge [sflag:s26], $0x1400  }
0x6f: {  	[sflag:s26] =	ssyncset.done $0x0  }
0x70: {  	[sflag:s26] =	ssyncadd.s32 $0xFFFFEC00  }
0x71: {  	[spmem:s2] =	stream.indirect.scatter.add.f32 [tilespmem:s25], [sflag:$0x3], $0x80, s0, s20, $0xb8;
	[tilespmem:$0x1AA80] =	vst v63  }
0x72: {  	_ =	swait.ge [sflag:s18], $0xC8  }
0x73: {  	[sflag:s18] =	ssyncset.done $0x0  }
0x74: {  	[sflag:s18] =	ssyncadd.s32 $0xFFFFFF38  }
0x75: {  	p0 =	seq.s32 s9, $0x4B0;
	_ =	swait.ge [sflag:s18], $0xC8  }
0x76: {  	s10 =	sshrl.u32 @!p0 s14, $0x3;
	[sflag:s18] =	ssyncset.done $0x0  }
0x77: {  	s11 =	sadd.s32 @!p0 s5, s10;
	s12 =	simm.s32 @!p0 $0x0;
	[sflag:s18] =	ssyncadd.s32 $0xFFFFFF38  }
0x78: {  	[tilespmem:s12], [sflag:$0x1] =	stream.linear.gather @!p0 [hbm4b:s11+s12], $0xC8, $0x38;
	[tilespmem:$0x1AA80] =	vst v63  }
0x79: {  	s10 =	sadd.s32 @!p0 s6, s10;
	s11 =	simm.s32 @!p0 $0x100  }
0x7a: {  	[tilespmem:s11], [sflag:$0x1] =	stream.linear.gather @!p0 [hbm4b:s10+s12], $0xC8, $0x38;
	[tilespmem:$0x1AA80] =	vst v63  }
0x7b: {  	_ =	swait.ge [sflag:s1], $0x1400  }
0x7c: {  	[sflag:s1] =	ssyncset.done $0x0  }
0x7d: {  	[sflag:s1] =	ssyncadd.s32 $0xFFFFEC00  }
0x7e: {  	_ =	swait.ge [sflag:s1], $0x1400  }
0x7f: {  	[sflag:s1] =	ssyncset.done $0x0  }
0x80: {  	[sflag:s1] =	ssyncadd.s32 $0xFFFFEC00  }
0x81: {  	_ =	swait.ge [sflag:s1], $0x1400  }
0x82: {  	[sflag:s1] =	ssyncset.done $0x0  }
0x83: {  	[sflag:s1] =	ssyncadd.s32 $0xFFFFEC00  }
0x84: {  	_ =	swait.ge [sflag:s1], $0x1400  }
0x85: {  	[sflag:s1] =	ssyncset.done $0x0  }
0x86: {  	[sflag:s1] =	ssyncadd.s32 $0xFFFFEC00  }
0x87: {  	_ =	swait.ge [sflag:s1], $0x1400  }
0x88: {  	[sflag:s1] =	ssyncset.done $0x0  }
0x89: {  	[sflag:s1] =	ssyncadd.s32 $0xFFFFEC00  }
0x8a: {  	v49 =	vld [tilespmem:$0x300]  }
0x8b: {  	v50 =	vld [tilespmem:$0x310]  }
0x8c: {  	v52 =	vld [tilespmem:$0x328]  }
0x8d: {  	v53 =	vld [tilespmem:$0x338]  }
0x8e: {  	v55 =	vld [tilespmem:$0x350]  }
0x8f: {  	v56 =	vld [tilespmem:$0x360];
	[tilespmem:$0x400] =	vst v49  }
0x90: {  	v58 =	vld [tilespmem:$0x378];
	[tilespmem:$0x410] =	vst v50  }
0x91: {  	v59 =	vld [tilespmem:$0x388];
	[tilespmem:$0x480] =	vst v52  }
0x92: {  	v61 =	vld [tilespmem:$0x3A0];
	[tilespmem:$0x490] =	vst v53  }
0x93: {  	v62 =	vld [tilespmem:$0x3B0];
	[tilespmem:$0x500] =	vst v55  }
0x94: {  	v51 =	vld [tilespmem:$0x318];
	[tilespmem:$0x510] =	vst v56  }
0x95: {  	v54 =	vld [tilespmem:$0x340];
	[tilespmem:$0x580] =	vst v58  }
0x96: {  	v57 =	vld [tilespmem:$0x368];
	[tilespmem:$0x590] =	vst v59  }
0x97: {  	v60 =	vld [tilespmem:$0x390];
	[tilespmem:$0x600] =	vst v61  }
0x98: {  	v63 =	vld [tilespmem:$0x3B8];
	[tilespmem:$0x610] =	vst v62  }
0x99: {  	[tilespmem:$0x418] =	vst v51  }
0x9a: {  	[tilespmem:$0x498] =	vst v54  }
0x9b: {  	[tilespmem:$0x518] =	vst v57  }
0x9c: {  	[tilespmem:$0x598] =	vst v60  }
0x9d: {  	[tilespmem:$0x618] =	vst v63  }
0x9e: {  	[tilespmem:s21], [sflag:$0x2] =	stream.indirect.gather [hbm4b:s4+s20], $0x80, s19, s20, $0xb8;
	[tilespmem:$0x1AA80] =	vst v63  }
0x9f: {  	s11 =	rddreg [dreg:$0x9]  }
0xa0: {  	[tilespmem:s22], [sflag:$0x2] =	stream.indirect.gather [hbm4b:s4+s20], $0x80, s11, s20, $0xb8;
	[tilespmem:$0x1AA80] =	vst v63  }
0xa1: {  	s12 =	rddreg [dreg:$0xa]  }
0xa2: {  	[tilespmem:s23], [sflag:$0x2] =	stream.indirect.gather [hbm4b:s4+s20], $0x80, s12, s20, $0xb8;
	[tilespmem:$0x1AA80] =	vst v63  }
0xa3: {  	s10 =	rddreg [dreg:$0xb]  }
0xa4: {  	[tilespmem:s24], [sflag:$0x2] =	stream.indirect.gather [hbm4b:s4+s20], $0x80, s10, s20, $0xb8;
	[tilespmem:$0x1AA80] =	vst v63  }
0xa5: {  	s12 =	rddreg [dreg:$0xc]  }
0xa6: {  	[tilespmem:s25], [sflag:$0x2] =	stream.indirect.gather [hbm4b:s4+s20], $0x80, s12, s20, $0xb8;
	[tilespmem:$0x1AA80] =	vst v63  }
0xa7: {  	_ =	swait.ge [sflag:s26], $0x1400  }
0xa8: {  	[sflag:s26] =	ssyncset.done $0x0  }
0xa9: {  	[sflag:s26] =	ssyncadd.s32 $0xFFFFEC00  }
0xaa: {  	[spmem:s2] =	stream.indirect.scatter.add.f32 [tilespmem:s21], [sflag:$0x3], $0x80, s28, s20, $0xb8;
	[tilespmem:$0x1AA80] =	vst v63  }
0xab: {  	_ =	swait.ge [sflag:s26], $0x1400  }
0xac: {  	[sflag:s26] =	ssyncset.done $0x0  }
0xad: {  	[sflag:s26] =	ssyncadd.s32 $0xFFFFEC00  }
0xae: {  	[spmem:s2] =	stream.indirect.scatter.add.f32 [tilespmem:s22], [sflag:$0x3], $0x80, s29, s20, $0xb8;
	[tilespmem:$0x1AA80] =	vst v63  }
0xaf: {  	_ =	swait.ge [sflag:s26], $0x1400  }
0xb0: {  	[sflag:s26] =	ssyncset.done $0x0  }
0xb1: {  	[sflag:s26] =	ssyncadd.s32 $0xFFFFEC00  }
0xb2: {  	[spmem:s2] =	stream.indirect.scatter.add.f32 [tilespmem:s23], [sflag:$0x3], $0x80, s30, s20, $0xb8;
	[tilespmem:$0x1AA80] =	vst v63  }
0xb3: {  	_ =	swait.ge [sflag:s26], $0x1400  }
0xb4: {  	s9 =	sadd.s32 $0x32, s9;
	[sflag:s26] =	ssyncset.done $0x0  }
0xb5: {  	p0 =	sne.s32 s9, $0x4E2;
	[sflag:s26] =	ssyncadd.s32 $0xFFFFEC00  }
0xb6: {  	[spmem:s2] =	stream.indirect.scatter.add.f32 [tilespmem:s24], [sflag:$0x3], $0x80, s31, s20, $0xb8;
	[tilespmem:$0x1AA80] =	vst v63  }
.Ltmp0:
0xb7: {  	_ = 	snop;
	(pc) =	sbr.rel @p0 .LBB2_2-.Ltmp0, $4  }
0xb8: {  	_ =	swait.ge [sflag:s26], $0x1400  }
0xb9: {  	[sflag:s26] =	ssyncset.done $0x0  }
0xba: {  	s14 =	sadd.s32 $0x190, s14;
	[sflag:s26] =	ssyncadd.s32 $0xFFFFEC00  }
0xbb: {  	[spmem:s2] =	stream.indirect.scatter.add.f32 [tilespmem:s25], [sflag:$0x3], $0x80, s0, s20, $0xb8;
	[tilespmem:$0x1AA80] =	vst v63  }
0xbc: {  	_ =	swait.ge [sflag:s1], $0x1400  }
0xbd: {  	[sflag:s1] =	ssyncset.done $0x0  }
0xbe: {  	[sflag:s1] =	ssyncadd.s32 $0xFFFFEC00  }
0xbf: {  	_ =	swait.ge [sflag:s1], $0x1400  }
0xc0: {  	[sflag:s1] =	ssyncset.done $0x0  }
0xc1: {  	[sflag:s1] =	ssyncadd.s32 $0xFFFFEC00  }
0xc2: {  	_ =	swait.ge [sflag:s1], $0x1400  }
0xc3: {  	[sflag:s1] =	ssyncset.done $0x0  }
0xc4: {  	[sflag:s1] =	ssyncadd.s32 $0xFFFFEC00  }
0xc5: {  	_ =	swait.ge [sflag:s1], $0x1400  }
0xc6: {  	[sflag:s1] =	ssyncset.done $0x0  }
0xc7: {  	[sflag:s1] =	ssyncadd.s32 $0xFFFFEC00  }
0xc8: {  	_ =	swait.ge [sflag:s1], $0x1400  }
0xc9: {  	[sflag:s1] =	ssyncset.done $0x0  }
0xca: {  	s17 =	sadd.s32 $0x1, s17;
	[sflag:s1] =	ssyncadd.s32 $0xFFFFEC00  }
0xcb: {  	p0 =	sne.s32 s17, s13;
	[bflag:$0x0] =	sbarrier.arrive $0xFFFF  }
.Ltmp1:
0xcc: {  	s9 =	sor.u32 $0x1C03, s8;
	s10 =	rddreg [dreg:$0x11];
	(pc) =	sbr.rel @p0 .LBB2_1-.Ltmp1, $4  }
0xcd: {  	[hbm:s10], [sflag:s9] =	dma.local [spmem:s15], $0x2800  }
0xce: {  	_ =	swait.ge [sflag:s1], $0x2800  }
0xcf: {  	[sflag:s1] =	ssyncset.done $0x0  }
0xd0: {  	[sflag:s1] =	ssyncadd.s32 $0xFFFFD800  }
0xd1: {  	_ =	sfence.sel $0x180000  }
0xd2: {  	[bflag:$0x0] =	sbarrier.arrive $0xFFFF  }
0xd3: {  	_ =	strace $0x9000004A  }
0xd4: {  	s0 =	stileid.u32;
	[bflag:$0x2] =	sbarrier.arrive $0xFFFF  }
0xd5: {  	p0 =	sne.s32 s0, $0x0;
	s0 =	rddreg [dreg:$0x2]  }
0xd6: {  	s0 =	sadd.s32 @!p0 $0x100000, s0  }
0xd7: {  	[sflag:s0] =	ssyncadd.tile.s32 @!p0 $0x1;
	_ =	shalt  }
.Lfunc_end2:
_tile_overlayer_lowered:
.L_overlay_start_2:
0xd8: {  	(tag) =	ssettag $0x2  }
0xd9: {  	s0 =	rddreg [dreg:$0x0];
	s2 =	stileid.u32  }
0xda: {  	s1 =	rddreg [dreg:$0x1];
	p0 =	sne.s32 s2, $0x0  }
0xdb: {  	s3 =	rddreg [dreg:$0x2];
	[bflag:$0x3] =	sbarrier.arrive $0xFFFF;
	s2 =	simm.s32 @!p0 $0x1C04  }
0xdc: {  	[timem:s3], [sflag:s2] =	dma.local @!p0 [hbm:s0], s1  }
0xdd: {  	s0 =	simm.s32 @!p0 $0x4  }
0xde: {  	_ =	swait.ge @!p0 [sflag:s0], s1  }
0xdf: {  	s1 =	ssub.s32 @!p0 $0x0, s1;
	[sflag:s0] =	ssyncset.done @!p0 $0x0  }
0xe0: {  	[sflag:s0] =	ssyncadd.s32 @!p0 s1  }
0xe1: {  	[bflag:$0x3] =	sbarrier.arrive $0xFFFF  }
0xe2: {  	_ =	shalt  }

// kernel: kernel.15.cloned.1.call-start
scs
__scs_entry_jumppad:
0x0: {  	(pc) =	sbr.rel $0x88, $3  }
0x1: {  	(tag) =	ssettag $0x0;
	lr =	simm.s32 $0x1  }
0x2: {  	[smem:$0x3F96] =	sst lr;
	_ =	strace $0xD0000000  }
0x3: {  	_ = 	snop  }
0x4: {  	_ = 	snop  }
0x5: {  	_ = 	snop  }
0x6: {  	_ = 	snop  }
0x7: {  	_ = 	snop  }
__scs_overlays_trampoline_lowered:
0x8: {  	[smem:$0x3FA5] =	sst s0  }
0x9: {  	[smem:$0x3FA6] =	sst s1  }
0xa: {  	[smem:$0x3FA7] =	sst s2  }
0xb: {  	[smem:$0x3FA8] =	sst s3  }
0xc: {  	[smem:$0x3FA9] =	sst s4  }
0xd: {  	[smem:$0x3FAA] =	sst s5  }
0xe: {  	[smem:$0x3FAB] =	sst s6  }
0xf: {  	[smem:$0x3FAC] =	sst s7  }
0x10: {  	[smem:$0x3FAD] =	sst s8  }
0x11: {  	[smem:$0x3FAE] =	sst s9;
	s0 =	simm.s32 @!p0 $0x0  }
0x12: {  	s1 =	sld [smem:$0x3F94];
	s0 =	simm.s32 @p0 $0x1  }
0x13: {  	[smem:$0x3FAF] =	sst s0;
	s0 =	simm.s32 @!p1 $0x0  }
0x14: {  	s2 =	sld [smem:$0x3F93];
	s0 =	simm.s32 @p1 $0x1  }
0x15: {  	[smem:$0x3FB0] =	sst s0;
	s0 =	simm.s32 @!p2 $0x0  }
0x16: {  	s3 =	sld [smem:$0x3FDB];
	s0 =	simm.s32 @p2 $0x1  }
0x17: {  	s4 =	simm.s32 $0x1BF5;
	[smem:$0x3FB2] =	sst s0  }
0x18: {  	s0 =	sld [smem:$0x3F95];
	_ =	swait.ge [sflag:s4], $0x0  }
0x19: {  	s7 =	sld [smem:$0x3F96]  }
0x1a: {  	s8 =	sadd.s32 $0xFFFFE003, lr  }
0x1b: {  	s9 =	sadd.s32 $0xFFFFFEF7, lr;
	s5 =	simm.s32 $0xFFFFFFFF;
	p2 =	slt.u32 s8, $0xFFFFF086  }
0x1c: {  	p1 =	slt.u32 s9, $0xF7A;
	s5 =	simm.s32 @!p2 $0x0  }
0x1d: {  	s5 =	simm.s32 @p1 $0x1;
	p0 =	seq.s32 s7, s2  }
0x1e: {  	s7 =	smul.u32 @!p0 $0xF7A, s2;
	p2 =	seq.s32 @!p0 s5, $0x0  }
0x1f: {  	s9 =	smul.u32 $0xF7A, s1;
	s8 =	simm.s32 @!p0 $0x1BF5;
	p2 =	por !p2, p0  }
0x20: {  	[sflag:s8] =	ssyncset.s32 @!p0 $0xFFFFF086;
	s6 =	sadd.s32 @!p0 s3, s7;
	s7 =	simm.s32 @!p0 $0x108  }
0x21: {  	s3 =	sadd.s32 s3, s9;
	s6 =	sadd.s32 @!p0 $0x88, s6;
	s7 =	simm.s32 @p2 $0x1082  }
0x22: {  	[simem:s7], [sflag:s8] =	dma.local @!p0 [hbm:s6], $0xF7A  }
0x23: {  	s9 =	sor.u32 $0xD0000000, s2;
	s6 =	simm.s32 $0x108;
	_ =	swait.ge @!p0 [sflag:s8], $0x0  }
0x24: {  	s3 =	sadd.s32 $0x88, s3;
	s6 =	simm.s32 @!p1 $0x1082;
	[sflag:s4] =	ssyncset.s32 $0xFFFFF086  }
0x25: {  	[simem:s6], [sflag:s4] =	dma.local [hbm:s3], $0xF7A  }
0x26: {  	[smem:$0x3F96] =	sst s1;
	(tag) =	ssettag s2;
	_ =	strace s9  }
0x27: {  	s1 =	sld [smem:$0x3FA6]  }
0x28: {  	s2 =	sld [smem:$0x3FA7]  }
0x29: {  	s4 =	sld [smem:$0x3FA9]  }
0x2a: {  	p0 =	seq.s32 s5, $0x0;
	s5 =	sld [smem:$0x3FAA]  }
0x2b: {  	s6 =	sld [smem:$0x3FAB]  }
0x2c: {  	s7 =	sld [smem:$0x3FAC]  }
0x2d: {  	s3 =	simm.s32 $0x108;
	s8 =	sld [smem:$0x3FAD]  }
0x2e: {  	s3 =	simm.s32 @!p0 $0x1082;
	s9 =	sld [smem:$0x3FAE]  }
0x2f: {  	lr =	sadd.s32 s0, s3;
	s0 =	sld [smem:$0x3FA5]  }
0x30: {  	s3 =	sld [smem:$0x3FA8]  }
0x31: {  	[smem:$0x3FB1] =	sst s10  }
0x32: {  	s10 =	sld [smem:$0x3FAF];
	_ =	sdelay $0x3  }
0x33: {  	p0 =	seq.s32 s10, $0x1;
	s10 =	sld [smem:$0x3FB1];
	_ =	sdelay $0x3  }
0x34: {  	[smem:$0x3FB1] =	sst s10  }
0x35: {  	s10 =	sld [smem:$0x3FB0];
	_ =	sdelay $0x3  }
0x36: {  	p1 =	seq.s32 s10, $0x1;
	s10 =	sld [smem:$0x3FB1];
	_ =	sdelay $0x3  }
0x37: {  	[smem:$0x3FB1] =	sst s10  }
0x38: {  	s10 =	sld [smem:$0x3FB2]  }
0x39: {  	_ = 	snop;
	(pc) =	sbr.ind lr, $3  }
0x3a: {  	_ = 	snop  }
0x3b: {  	_ = 	snop  }
0x3c: {  	p2 =	seq.s32 s10, $0x1;
	s10 =	sld [smem:$0x3FB1]  }
0x3d: {  	_ =	shalt  }
0x3e: {  	_ =	shalt  }
0x3f: {  	_ =	shalt  }
0x40: {  	_ =	shalt  }
0x41: {  	_ =	shalt  }
0x42: {  	_ =	shalt  }
0x43: {  	_ =	shalt  }
0x44: {  	_ =	shalt  }
0x45: {  	_ =	shalt  }
0x46: {  	_ =	shalt  }
0x47: {  	_ =	shalt  }
0x48: {  	_ =	shalt  }
0x49: {  	_ =	shalt  }
0x4a: {  	_ =	shalt  }
0x4b: {  	_ =	shalt  }
0x4c: {  	_ =	shalt  }
0x4d: {  	_ =	shalt  }
0x4e: {  	_ =	shalt  }
0x4f: {  	_ =	shalt  }
0x50: {  	_ =	shalt  }
0x51: {  	_ =	shalt  }
0x52: {  	_ =	shalt  }
0x53: {  	_ =	shalt  }
0x54: {  	_ =	shalt  }
0x55: {  	_ =	shalt  }
0x56: {  	_ =	shalt  }
0x57: {  	_ =	shalt  }
0x58: {  	_ =	shalt  }
0x59: {  	_ =	shalt  }
0x5a: {  	_ =	shalt  }
0x5b: {  	_ =	shalt  }
0x5c: {  	_ =	shalt  }
0x5d: {  	_ =	shalt  }
0x5e: {  	_ =	shalt  }
0x5f: {  	_ =	shalt  }
0x60: {  	_ =	shalt  }
0x61: {  	_ =	shalt  }
0x62: {  	_ =	shalt  }
0x63: {  	_ =	shalt  }
0x64: {  	_ =	shalt  }
0x65: {  	_ =	shalt  }
0x66: {  	_ =	shalt  }
0x67: {  	_ =	shalt  }
0x68: {  	_ =	shalt  }
0x69: {  	_ =	shalt  }
0x6a: {  	_ =	shalt  }
0x6b: {  	_ =	shalt  }
0x6c: {  	_ =	shalt  }
0x6d: {  	_ =	shalt  }
0x6e: {  	_ =	shalt  }
0x6f: {  	_ =	shalt  }
0x70: {  	_ =	shalt  }
0x71: {  	_ =	shalt  }
0x72: {  	_ =	shalt  }
0x73: {  	_ =	shalt  }
0x74: {  	_ =	shalt  }
0x75: {  	_ =	shalt  }
0x76: {  	_ =	shalt  }
0x77: {  	_ =	shalt  }
0x78: {  	_ =	shalt  }
0x79: {  	_ =	shalt  }
0x7a: {  	_ =	shalt  }
0x7b: {  	_ =	shalt  }
0x7c: {  	_ =	shalt  }
0x7d: {  	_ =	shalt  }
0x7e: {  	_ =	shalt  }
0x7f: {  	_ =	shalt  }
0x80: {  	_ =	shalt  }
0x81: {  	_ =	shalt  }
0x82: {  	_ =	shalt  }
0x83: {  	_ =	shalt  }
0x84: {  	_ =	shalt  }
0x85: {  	_ =	shalt  }
0x86: {  	_ =	shalt  }
0x87: {  	_ =	shalt  }
.Lfunc_end0:
.L_simem_size_0:
called_computation.2_lowered:
.L_overlay_start_0:
0x88: {  	s2 =	sld [smem:$0x3FD9]  }
0x89: {  	s3 =	sld [smem:$0x3FFE];
	_ =	sdelay $0x1  }
0x8a: {  	s1 =	srdreg.scid  }
0x8b: {  	s0 =	sand.u32 $0x1, s1  }
0x8c: {  	s16 =	sshll.u32 s0, $0xA;
	s2 =	sadd.s32 s3, s2  }
0x8d: {  	s2 =	sadd.s32 s2, s16  }
0x8e: {  	[smem:$0x3FBD] =	sst s2  }
0x8f: {  	_ = 	snop  }
0x90: {  	(tm) =	ssettm $0x1  }
0x91: {  	s17 =	sld [smem:$0x3FFB];
	_ =	sdelay $0x3  }
0x92: {  	_ =	strace s17  }
0x93: {  	s2 =	sld [smem:$0x3FFC];
	_ =	sdelay $0x3  }
0x94: {  	_ =	strace s2  }
0x95: {  	s2 =	sld [smem:$0x3FFD];
	_ =	sdelay $0x3  }
0x96: {  	_ =	strace s2  }
0x97: {  	_ =	strace $0x8FFFFFFF  }
0x98: {  	s18 =	sld [smem:$0x3FDB];
	_ =	sdelay $0x1  }
0x99: {  	s19 =	simm.s32 $_scs_section_size  }
0x9a: {  	s4 =	simm.s32 $_size__tile_overlayer_lowered;
	s5 =	simm.s32 $_tile_overlayer_lowered  }
0x9b: {  	s22 =	simm.s32 $0x1BFF;
	s21 =	sshll.u32 s5, $0x1;
	s2 =	sadd.s32 s19, s18  }
0x9c: {  	s6 =	simm.s32 $0x0;
	s20 =	sshll.u32 s4, $0x1;
	s4 =	sadd.s32 s21, s2  }
0x9d: {  	[timem:s6], [sflag:s22] =	dma.local [hbm:s4], s20  }
0x9e: {  	_ =	swait.ge [sflag:s22], s20  }
0x9f: {  	s3 =	ssub.s32 $0x0, s20;
	[sflag:s22] =	ssyncset.done $0x0  }
0xa0: {  	[sflag:s22] =	ssyncadd.s32 s3;
	_ =	sdelay $0x1  }
0xa1: {  	s23 =	simm.s32 $0x1B8B  }
0xa2: {  	_ =	swait.ge [sflag:s23], $0x1  }
0xa3: {  	[sflag:s23] =	ssyncset.done $0x0  }
0xa4: {  	s25 =	simm.s32 $0x1B8E;
	s24 =	sld [smem:$0x3FFE];
	[sflag:s23] =	ssyncadd.s32 $0xFFFFFFFF  }
0xa5: {  	s26 =	simm.s32 $execute0_lowered;
	[smem:$0x3FD2] =	sst s25  }
0xa6: {  	s4 =	sshll.u32 s26, $0x1;
	_ =	strace $0x8000004C;
	[dreg:$0x1] =	wrdreg $0xFFFFFFFF  }
0xa7: {  	s28 =	simm.s32 $_size_execute0_lowered;
	s2 =	sadd.s32 s2, s4;
	[dreg:$0x0] =	wrdreg $0x0  }
0xa8: {  	s4 =	sshll.u32 s28, $0x1;
	[dreg:$0x2] =	wrdreg s2  }
0xa9: {  	[dreg:$0x3] =	wrdreg s4  }
0xaa: {  	[dreg:$0x4] =	wrdreg $0xC0  }
0xab: {  	_ =	task [dreg:s6], $0x5FFFF  }
0xac: {  	[dreg:$0x1] =	wrdreg $0xFFFFFFFF  }
0xad: {  	[dreg:$0x0] =	wrdreg $0x60  }
0xae: {  	[dreg:$0x2] =	wrdreg s24  }
0xaf: {  	[dreg:$0x3] =	wrdreg $0x6A800  }
0xb0: {  	[dreg:$0x4] =	wrdreg $0x9  }
0xb1: {  	_ =	task.clear_ibuf [dreg:s6], $0x5FFFF;
	_ =	strace $0x9000004C  }
0xb2: {  	s29 =	simm.s32 $0x9;
	_ =	strace $0x8000004E  }
0xb3: {  	_ =	swait.ge [sflag:s29], $0x1  }
0xb4: {  	[sflag:s29] =	ssyncadd.s32 $0xFFFFFFFF  }
0xb5: {  	_ =	strace $0x9000004E  }
0xb6: {  	_ =	sfence  }
0xb7: {  	s30 =	sld [smem:$0x0];
	_ =	sdelay $0x2  }
0xb8: {  	s31 =	sshll.u32 s1, $0xD;
	s1 =	sshrl.u32 s1, $0x2  }
0xb9: {  	s3 =	sand.u32 $0x4000, s31;
	s1 =	sadd.s32 s1, s30  }
0xba: {  	s0 =	sor.u32 s3, s0;
	s1 =	sshll.u32 s1, $0x11  }
0xbb: {  	s0 =	sor.u32 s1, s0  }
0xbc: {  	s0 =	sadd.s32 $0x8F2B, s0  }
0xbd: {  	[sflag:s0] =	ssyncadd.remote.s32 $0x1  }
0xbe: {  	_ =	sfence.sel $0xFFFF  }
0xbf: {  	[dreg:$0x0] =	wrdreg $0xFFFFFFFF;
	(pc) =	sbr.abs _section_cstart, $3  }
0xc0: {  	[dreg:$0x1] =	wrdreg $0xFFFFFFFF  }
0xc1: {  	_ =	task.clear_ibuf [dreg:s6], $0x2FFFF;
	_ =	strace $0x9FFFFFFF  }
0xc2: {  	(tm) =	ssettm $0x7FFFFFFF  }
0xc3: {  	_ =	shalt  }
tec
execute0_lowered:
.L_overlay_start_1:
0x0: {  	(tag) =	ssettag $0x1  }
0x1: {  	s0 =	rddreg [dreg:$0x0];
	s1 =	srdreg.scid  }
0x2: {  	s2 =	rddreg [dreg:$0x1];
	s12 =	stileid.u32  }
0x3: {  	s3 =	simm.s32 $0x0;
	s19 =	simm.s32 $0x300;
	s20 =	simm.s32 $0x50  }
0x4: {  	s21 =	simm.s32 $0x78;
	s22 =	simm.s32 $0xA0;
	s23 =	simm.s32 $0x228  }
0x5: {  	s24 =	simm.s32 $0x250;
	s28 =	simm.s32 $0x400;
	s29 =	simm.s32 $0x480  }
0x6: {  	s30 =	simm.s32 $0x500;
	s31 =	simm.s32 $0x580;
	s1 =	sand.u32 $0x1, s1  }
0x7: {  	s6 =	smul.u32 $0x14000, s12;
	[smem:$0x7FF] =	sst s3;
	s8 =	sadd.s32 $0x3D600, s0  }
0x8: {  	s25 =	smul.u32 $0x50000, s12;
	_ =	strace $0x8000004D;
	[dreg:$0xd] =	wrdreg s8  }
0x9: {  	s4 =	sadd.s32 $0x16400, s0;
	s11 =	smul.u32 $0x2710, s12;
	[dreg:$0x5] =	wrdreg s19  }
0xa: {  	s5 =	smul.u32 $0x140000, s1;
	s26 =	ssub.s32 $0x2, s1;
	[dreg:$0x6] =	wrdreg s20  }
0xb: {  	s9 =	sshll.u32 s1, $0x4;
	s1 =	smul.u32 $0x27100, s1;
	[dreg:$0x7] =	wrdreg s21  }
0xc: {  	s8 =	sshll.u32 s12, $0x6;
	s19 =	simm.s32 $0x200;
	[dreg:$0x8] =	wrdreg s22  }
0xd: {  	s20 =	simm.s32 $0x28;
	[dreg:$0x9] =	wrdreg s23;
	s21 =	simm.s32 $0x680  }
0xe: {  	[dreg:$0xa] =	wrdreg s24;
	s22 =	simm.s32 $0x1A80;
	s23 =	simm.s32 $0x2E80  }
0xf: {  	s24 =	simm.s32 $0x4280;
	s10 =	sshrl.u32 s26, $0x1;
	s9 =	sor.u32 s12, s9  }
0x10: {  	s7 =	sadd.s32 s6, s5;
	s5 =	sadd.s32 $0xC600, s0;
	s13 =	ssub.s32 s26, s10  }
0x11: {  	s9 =	smul.u32 $0x2710, s9;
	s1 =	sadd.s32 s11, s1;
	s11 =	sor.u32 $0x1C04, s8  }
0x12: {  	s26 =	simm.s32 $0x2A0;
	s7 =	sshrl.u32 s7, $0x3;
	[dreg:$0xe] =	wrdreg s11  }
0x13: {  	s6 =	sadd.s32 $0x2800, s0;
	[dreg:$0xc] =	wrdreg s26;
	s0 =	sadd.s32 s7, s0  }
0x14: {  	s7 =	sshrl.u32 s25, $0x2;
	s12 =	sshrl.u32 s9, $0x3;
	s25 =	simm.s32 $0x278  }
0x15: {  	s15 =	sadd.s32 $0xC8, s1;
	s16 =	sadd.s32 s5, s12;
	[dreg:$0xb] =	wrdreg s25  }
0x16: {  	s14 =	sadd.s32 s7, s2;
	s7 =	sadd.s32 s6, s12;
	[dreg:$0xf] =	wrdreg s16  }
0x17: {  	s9 =	sshrl.u32 s15, $0x3;
	s0 =	sadd.s32 $0x3FE00, s0;
	[dreg:$0x10] =	wrdreg s7  }
0x18: {  	s13 =	smax.u32 s13, $0x1;
	s17 =	sadd.s32 s9, s6;
	[dreg:$0x11] =	wrdreg s0  }
0x19: {  	s26 =	simm.s32 $0x2;
	s18 =	sadd.s32 s9, s5;
	[dreg:$0x3] =	wrdreg s17  }
0x1a: {  	s25 =	simm.s32 $0x5680;
	s7 =	sadd.s32 $0x190, s1;
	[dreg:$0x4] =	wrdreg s18  }
0x1b: {  	s15 =	sshrl.u32 s14, $0x3;
	s16 =	simm.s32 $0x4;
	s18 =	simm.s32 $0x1  }
0x1c: {  	s0 =	simm.s32 $0x600;
	s1 =	simm.s32 $0x3;
	s17 =	simm.s32 $0x0  }
.LBB2_1:
0x1d: {  	s9 =	rddreg [dreg:$0xd]  }
0x1e: {  	s10 =	rddreg [dreg:$0xe]  }
0x1f: {  	[spmem:s15], [sflag:s10] =	dma.local [hbm:s9], $0x2800  }
0x20: {  	_ =	swait.ge [sflag:s16], $0x2800  }
0x21: {  	[sflag:s16] =	ssyncset.done $0x0  }
0x22: {  	[sflag:s16] =	ssyncadd.s32 $0xFFFFD800  }
0x23: {  	[bflag:$0x0] =	sbarrier.arrive $0xFFFF  }
0x24: {  	s11 =	rddreg [dreg:$0xf]  }
0x25: {  	[tilespmem:s3], [sflag:$0x1] =	stream.linear.gather [hbm4b:s11+s3], $0xC8, $0x38;
	[tilespmem:$0x1AA80] =	vst v63  }
0x26: {  	s14 =	simm.s32 $0x100;
	s12 =	rddreg [dreg:$0x10]  }
0x27: {  	[tilespmem:s14], [sflag:$0x1] =	stream.linear.gather [hbm4b:s12+s3], $0xC8, $0x38;
	[tilespmem:$0x1AA80] =	vst v63  }
0x28: {  	s9 =	simm.s32 $0x0;
	s14 =	smov.u32 s7  }
.LBB2_2:
0x29: {  	_ =	swait.ge [sflag:s18], $0xC8  }
0x2a: {  	[sflag:s18] =	ssyncset.done $0x0  }
0x2b: {  	[sflag:s18] =	ssyncadd.s32 $0xFFFFFF38  }
0x2c: {  	_ =	swait.ge [sflag:s18], $0xC8  }
0x2d: {  	p0 =	seq.s32 s9, $0x0;
	s10 =	rddreg [dreg:$0x4];
	[sflag:s18] =	ssyncset.done $0x0  }
0x2e: {  	s11 =	rddreg [dreg:$0x3];
	[sflag:s18] =	ssyncadd.s32 $0xFFFFFF38;
	s10 =	sadd.s32 s9, s10  }
0x2f: {  	[tilespmem:s19], [sflag:$0x1] =	stream.linear.gather [hbm4b:s10+s3], $0xC8, $0x38;
	[tilespmem:$0x1AA80] =	vst v63  }
0x30: {  	s12 =	rddreg [dreg:$0x5];
	s11 =	sadd.s32 s9, s11;
	s10 =	simm.s32 @!p0 $0x3  }
0x31: {  	[tilespmem:s12], [sflag:$0x1] =	stream.linear.gather [hbm4b:s11+s3], $0xC8, $0x38;
	[tilespmem:$0x1AA80] =	vst v63  }
0x32: {  	_ =	swait.ge @!p0 [sflag:s10], $0x1400  }
0x33: {  	[sflag:s10] =	ssyncset.done @!p0 $0x0  }
0x34: {  	[sflag:s10] =	ssyncadd.s32 @!p0 $0xFFFFEC00  }
0x35: {  	_ =	swait.ge @!p0 [sflag:s10], $0x1400  }
0x36: {  	[sflag:s10] =	ssyncset.done @!p0 $0x0  }
0x37: {  	[sflag:s10] =	ssyncadd.s32 @!p0 $0xFFFFEC00  }
0x38: {  	_ =	swait.ge @!p0 [sflag:s10], $0x1400  }
0x39: {  	[sflag:s10] =	ssyncset.done @!p0 $0x0  }
0x3a: {  	[sflag:s10] =	ssyncadd.s32 @!p0 $0xFFFFEC00  }
0x3b: {  	_ =	swait.ge @!p0 [sflag:s10], $0x1400  }
0x3c: {  	[sflag:s10] =	ssyncset.done @!p0 $0x0  }
0x3d: {  	[sflag:s10] =	ssyncadd.s32 @!p0 $0xFFFFEC00  }
0x3e: {  	_ =	swait.ge @!p0 [sflag:s10], $0x1400  }
0x3f: {  	[sflag:s10] =	ssyncset.done @!p0 $0x0  }
0x40: {  	[sflag:s10] =	ssyncadd.s32 @!p0 $0xFFFFEC00  }
0x41: {  	v0 =	vld [tilespmem:$0x100]  }
0x42: {  	v1 =	vld [tilespmem:$0x110]  }
0x43: {  	v3 =	vld [tilespmem:$0x128]  }
0x44: {  	v4 =	vld [tilespmem:$0x138]  }
0x45: {  	v40 =	vld [tilespmem:$0x150]  }
0x46: {  	v41 =	vld [tilespmem:$0x160];
	[tilespmem:$0x400] =	vst v0  }
0x47: {  	v43 =	vld [tilespmem:$0x178];
	[tilespmem:$0x410] =	vst v1  }
0x48: {  	v44 =	vld [tilespmem:$0x188];
	[tilespmem:$0x480] =	vst v3  }
0x49: {  	v46 =	vld [tilespmem:$0x1A0];
	[tilespmem:$0x490] =	vst v4  }
0x4a: {  	v47 =	vld [tilespmem:$0x1B0];
	[tilespmem:$0x500] =	vst v40  }
0x4b: {  	v2 =	vld [tilespmem:$0x118];
	[tilespmem:$0x510] =	vst v41  }
0x4c: {  	v39 =	vld [tilespmem:$0x140];
	[tilespmem:$0x580] =	vst v43  }
0x4d: {  	v42 =	vld [tilespmem:$0x168];
	[tilespmem:$0x590] =	vst v44  }
0x4e: {  	v45 =	vld [tilespmem:$0x190];
	[tilespmem:$0x600] =	vst v46  }
0x4f: {  	v48 =	vld [tilespmem:$0x1B8];
	[tilespmem:$0x610] =	vst v47  }
0x50: {  	[tilespmem:$0x418] =	vst v2  }
0x51: {  	[tilespmem:$0x498] =	vst v39  }
0x52: {  	[tilespmem:$0x518] =	vst v42  }
0x53: {  	[tilespmem:$0x598] =	vst v45  }
0x54: {  	[tilespmem:$0x618] =	vst v48  }
0x55: {  	[tilespmem:s21], [sflag:$0x2] =	stream.indirect.gather [hbm4b:s4+s20], $0x80, s3, s20, $0xb8;
	[tilespmem:$0x1AA80] =	vst v63  }
0x56: {  	_ = 	snop  }
0x57: {  	[tilespmem:s22], [sflag:$0x2] =	stream.indirect.gather [hbm4b:s4+s20], $0x80, s20, s20, $0xb8;
	[tilespmem:$0x1AA80] =	vst v63  }
0x58: {  	s12 =	rddreg [dreg:$0x6]  }
0x59: {  	[tilespmem:s23], [sflag:$0x2] =	stream.indirect.gather [hbm4b:s4+s20], $0x80, s12, s20, $0xb8;
	[tilespmem:$0x1AA80] =	vst v63  }
0x5a: {  	s11 =	rddreg [dreg:$0x7]  }
0x5b: {  	[tilespmem:s24], [sflag:$0x2] =	stream.indirect.gather [hbm4b:s4+s20], $0x80, s11, s20, $0xb8;
	[tilespmem:$0x1AA80] =	vst v63  }
0x5c: {  	s12 =	rddreg [dreg:$0x8]  }
0x5d: {  	[tilespmem:s25], [sflag:$0x2] =	stream.indirect.gather [hbm4b:s4+s20], $0x80, s12, s20, $0xb8;
	[tilespmem:$0x1AA80] =	vst v63  }
0x5e: {  	_ =	swait.ge [sflag:s26], $0x1400  }
0x5f: {  	[sflag:s26] =	ssyncset.done $0x0  }
0x60: {  	[sflag:s26] =	ssyncadd.s32 $0xFFFFEC00  }
0x61: {  	[spmem:s2] =	stream.indirect.scatter.add.f32 [tilespmem:s21], [sflag:$0x3], $0x80, s28, s20, $0xb8;
	[tilespmem:$0x1AA80] =	vst v63  }
0x62: {  	_ =	swait.ge [sflag:s26], $0x1400  }
0x63: {  	[sflag:s26] =	ssyncset.done $0x0  }
0x64: {  	[sflag:s26] =	ssyncadd.s32 $0xFFFFEC00  }
0x65: {  	[spmem:s2] =	stream.indirect.scatter.add.f32 [tilespmem:s22], [sflag:$0x3], $0x80, s29, s20, $0xb8;
	[tilespmem:$0x1AA80] =	vst v63  }
0x66: {  	_ =	swait.ge [sflag:s26], $0x1400  }
0x67: {  	[sflag:s26] =	ssyncset.done $0x0  }
0x68: {  	[sflag:s26] =	ssyncadd.s32 $0xFFFFEC00  }
0x69: {  	[spmem:s2] =	stream.indirect.scatter.add.f32 [tilespmem:s23], [sflag:$0x3], $0x80, s30, s20, $0xb8;
	[tilespmem:$0x1AA80] =	vst v63  }
0x6a: {  	_ =	swait.ge [sflag:s26], $0x1400  }
0x6b: {  	[sflag:s26] =	ssyncset.done $0x0  }
0x6c: {  	[sflag:s26] =	ssyncadd.s32 $0xFFFFEC00  }
0x6d: {  	[spmem:s2] =	stream.indirect.scatter.add.f32 [tilespmem:s24], [sflag:$0x3], $0x80, s31, s20, $0xb8;
	[tilespmem:$0x1AA80] =	vst v63  }
0x6e: {  	_ =	swait.ge [sflag:s26], $0x1400  }
0x6f: {  	[sflag:s26] =	ssyncset.done $0x0  }
0x70: {  	[sflag:s26] =	ssyncadd.s32 $0xFFFFEC00  }
0x71: {  	[spmem:s2] =	stream.indirect.scatter.add.f32 [tilespmem:s25], [sflag:$0x3], $0x80, s0, s20, $0xb8;
	[tilespmem:$0x1AA80] =	vst v63  }
0x72: {  	_ =	swait.ge [sflag:s18], $0xC8  }
0x73: {  	[sflag:s18] =	ssyncset.done $0x0  }
0x74: {  	[sflag:s18] =	ssyncadd.s32 $0xFFFFFF38  }
0x75: {  	p0 =	seq.s32 s9, $0x4B0;
	_ =	swait.ge [sflag:s18], $0xC8  }
0x76: {  	s10 =	sshrl.u32 @!p0 s14, $0x3;
	[sflag:s18] =	ssyncset.done $0x0  }
0x77: {  	s11 =	sadd.s32 @!p0 s5, s10;
	s12 =	simm.s32 @!p0 $0x0;
	[sflag:s18] =	ssyncadd.s32 $0xFFFFFF38  }
0x78: {  	[tilespmem:s12], [sflag:$0x1] =	stream.linear.gather @!p0 [hbm4b:s11+s12], $0xC8, $0x38;
	[tilespmem:$0x1AA80] =	vst v63  }
0x79: {  	s10 =	sadd.s32 @!p0 s6, s10;
	s11 =	simm.s32 @!p0 $0x100  }
0x7a: {  	[tilespmem:s11], [sflag:$0x1] =	stream.linear.gather @!p0 [hbm4b:s10+s12], $0xC8, $0x38;
	[tilespmem:$0x1AA80] =	vst v63  }
0x7b: {  	_ =	swait.ge [sflag:s1], $0x1400  }
0x7c: {  	[sflag:s1] =	ssyncset.done $0x0  }
0x7d: {  	[sflag:s1] =	ssyncadd.s32 $0xFFFFEC00  }
0x7e: {  	_ =	swait.ge [sflag:s1], $0x1400  }
0x7f: {  	[sflag:s1] =	ssyncset.done $0x0  }
0x80: {  	[sflag:s1] =	ssyncadd.s32 $0xFFFFEC00  }
0x81: {  	_ =	swait.ge [sflag:s1], $0x1400  }
0x82: {  	[sflag:s1] =	ssyncset.done $0x0  }
0x83: {  	[sflag:s1] =	ssyncadd.s32 $0xFFFFEC00  }
0x84: {  	_ =	swait.ge [sflag:s1], $0x1400  }
0x85: {  	[sflag:s1] =	ssyncset.done $0x0  }
0x86: {  	[sflag:s1] =	ssyncadd.s32 $0xFFFFEC00  }
0x87: {  	_ =	swait.ge [sflag:s1], $0x1400  }
0x88: {  	[sflag:s1] =	ssyncset.done $0x0  }
0x89: {  	[sflag:s1] =	ssyncadd.s32 $0xFFFFEC00  }
0x8a: {  	v49 =	vld [tilespmem:$0x300]  }
0x8b: {  	v50 =	vld [tilespmem:$0x310]  }
0x8c: {  	v52 =	vld [tilespmem:$0x328]  }
0x8d: {  	v53 =	vld [tilespmem:$0x338]  }
0x8e: {  	v55 =	vld [tilespmem:$0x350]  }
0x8f: {  	v56 =	vld [tilespmem:$0x360];
	[tilespmem:$0x400] =	vst v49  }
0x90: {  	v58 =	vld [tilespmem:$0x378];
	[tilespmem:$0x410] =	vst v50  }
0x91: {  	v59 =	vld [tilespmem:$0x388];
	[tilespmem:$0x480] =	vst v52  }
0x92: {  	v61 =	vld [tilespmem:$0x3A0];
	[tilespmem:$0x490] =	vst v53  }
0x93: {  	v62 =	vld [tilespmem:$0x3B0];
	[tilespmem:$0x500] =	vst v55  }
0x94: {  	v51 =	vld [tilespmem:$0x318];
	[tilespmem:$0x510] =	vst v56  }
0x95: {  	v54 =	vld [tilespmem:$0x340];
	[tilespmem:$0x580] =	vst v58  }
0x96: {  	v57 =	vld [tilespmem:$0x368];
	[tilespmem:$0x590] =	vst v59  }
0x97: {  	v60 =	vld [tilespmem:$0x390];
	[tilespmem:$0x600] =	vst v61  }
0x98: {  	v63 =	vld [tilespmem:$0x3B8];
	[tilespmem:$0x610] =	vst v62  }
0x99: {  	[tilespmem:$0x418] =	vst v51  }
0x9a: {  	[tilespmem:$0x498] =	vst v54  }
0x9b: {  	[tilespmem:$0x518] =	vst v57  }
0x9c: {  	[tilespmem:$0x598] =	vst v60  }
0x9d: {  	[tilespmem:$0x618] =	vst v63  }
0x9e: {  	[tilespmem:s21], [sflag:$0x2] =	stream.indirect.gather [hbm4b:s4+s20], $0x80, s19, s20, $0xb8;
	[tilespmem:$0x1AA80] =	vst v63  }
0x9f: {  	s11 =	rddreg [dreg:$0x9]  }
0xa0: {  	[tilespmem:s22], [sflag:$0x2] =	stream.indirect.gather [hbm4b:s4+s20], $0x80, s11, s20, $0xb8;
	[tilespmem:$0x1AA80] =	vst v63  }
0xa1: {  	s12 =	rddreg [dreg:$0xa]  }
0xa2: {  	[tilespmem:s23], [sflag:$0x2] =	stream.indirect.gather [hbm4b:s4+s20], $0x80, s12, s20, $0xb8;
	[tilespmem:$0x1AA80] =	vst v63  }
0xa3: {  	s10 =	rddreg [dreg:$0xb]  }
0xa4: {  	[tilespmem:s24], [sflag:$0x2] =	stream.indirect.gather [hbm4b:s4+s20], $0x80, s10, s20, $0xb8;
	[tilespmem:$0x1AA80] =	vst v63  }
0xa5: {  	s12 =	rddreg [dreg:$0xc]  }
0xa6: {  	[tilespmem:s25], [sflag:$0x2] =	stream.indirect.gather [hbm4b:s4+s20], $0x80, s12, s20, $0xb8;
	[tilespmem:$0x1AA80] =	vst v63  }
0xa7: {  	_ =	swait.ge [sflag:s26], $0x1400  }
0xa8: {  	[sflag:s26] =	ssyncset.done $0x0  }
0xa9: {  	[sflag:s26] =	ssyncadd.s32 $0xFFFFEC00  }
0xaa: {  	[spmem:s2] =	stream.indirect.scatter.add.f32 [tilespmem:s21], [sflag:$0x3], $0x80, s28, s20, $0xb8;
	[tilespmem:$0x1AA80] =	vst v63  }
0xab: {  	_ =	swait.ge [sflag:s26], $0x1400  }
0xac: {  	[sflag:s26] =	ssyncset.done $0x0  }
0xad: {  	[sflag:s26] =	ssyncadd.s32 $0xFFFFEC00  }
0xae: {  	[spmem:s2] =	stream.indirect.scatter.add.f32 [tilespmem:s22], [sflag:$0x3], $0x80, s29, s20, $0xb8;
	[tilespmem:$0x1AA80] =	vst v63  }
0xaf: {  	_ =	swait.ge [sflag:s26], $0x1400  }
0xb0: {  	[sflag:s26] =	ssyncset.done $0x0  }
0xb1: {  	[sflag:s26] =	ssyncadd.s32 $0xFFFFEC00  }
0xb2: {  	[spmem:s2] =	stream.indirect.scatter.add.f32 [tilespmem:s23], [sflag:$0x3], $0x80, s30, s20, $0xb8;
	[tilespmem:$0x1AA80] =	vst v63  }
0xb3: {  	_ =	swait.ge [sflag:s26], $0x1400  }
0xb4: {  	s9 =	sadd.s32 $0x32, s9;
	[sflag:s26] =	ssyncset.done $0x0  }
0xb5: {  	p0 =	sne.s32 s9, $0x4E2;
	[sflag:s26] =	ssyncadd.s32 $0xFFFFEC00  }
0xb6: {  	[spmem:s2] =	stream.indirect.scatter.add.f32 [tilespmem:s24], [sflag:$0x3], $0x80, s31, s20, $0xb8;
	[tilespmem:$0x1AA80] =	vst v63  }
.Ltmp0:
0xb7: {  	_ = 	snop;
	(pc) =	sbr.rel @p0 .LBB2_2-.Ltmp0, $4  }
0xb8: {  	_ =	swait.ge [sflag:s26], $0x1400  }
0xb9: {  	[sflag:s26] =	ssyncset.done $0x0  }
0xba: {  	s14 =	sadd.s32 $0x190, s14;
	[sflag:s26] =	ssyncadd.s32 $0xFFFFEC00  }
0xbb: {  	[spmem:s2] =	stream.indirect.scatter.add.f32 [tilespmem:s25], [sflag:$0x3], $0x80, s0, s20, $0xb8;
	[tilespmem:$0x1AA80] =	vst v63  }
0xbc: {  	_ =	swait.ge [sflag:s1], $0x1400  }
0xbd: {  	[sflag:s1] =	ssyncset.done $0x0  }
0xbe: {  	[sflag:s1] =	ssyncadd.s32 $0xFFFFEC00  }
0xbf: {  	_ =	swait.ge [sflag:s1], $0x1400  }
0xc0: {  	[sflag:s1] =	ssyncset.done $0x0  }
0xc1: {  	[sflag:s1] =	ssyncadd.s32 $0xFFFFEC00  }
0xc2: {  	_ =	swait.ge [sflag:s1], $0x1400  }
0xc3: {  	[sflag:s1] =	ssyncset.done $0x0  }
0xc4: {  	[sflag:s1] =	ssyncadd.s32 $0xFFFFEC00  }
0xc5: {  	_ =	swait.ge [sflag:s1], $0x1400  }
0xc6: {  	[sflag:s1] =	ssyncset.done $0x0  }
0xc7: {  	[sflag:s1] =	ssyncadd.s32 $0xFFFFEC00  }
0xc8: {  	_ =	swait.ge [sflag:s1], $0x1400  }
0xc9: {  	[sflag:s1] =	ssyncset.done $0x0  }
0xca: {  	s17 =	sadd.s32 $0x1, s17;
	[sflag:s1] =	ssyncadd.s32 $0xFFFFEC00  }
0xcb: {  	p0 =	sne.s32 s17, s13;
	[bflag:$0x0] =	sbarrier.arrive $0xFFFF  }
.Ltmp1:
0xcc: {  	s9 =	sor.u32 $0x1C03, s8;
	s10 =	rddreg [dreg:$0x11];
	(pc) =	sbr.rel @p0 .LBB2_1-.Ltmp1, $4  }
0xcd: {  	[hbm:s10], [sflag:s9] =	dma.local [spmem:s15], $0x2800  }
0xce: {  	_ =	swait.ge [sflag:s1], $0x2800  }
0xcf: {  	[sflag:s1] =	ssyncset.done $0x0  }
0xd0: {  	[sflag:s1] =	ssyncadd.s32 $0xFFFFD800  }
0xd1: {  	_ =	sfence.sel $0x180000  }
0xd2: {  	[bflag:$0x0] =	sbarrier.arrive $0xFFFF  }
0xd3: {  	_ =	strace $0x9000004D  }
0xd4: {  	s0 =	stileid.u32;
	[bflag:$0x2] =	sbarrier.arrive $0xFFFF  }
0xd5: {  	p0 =	sne.s32 s0, $0x0;
	s0 =	rddreg [dreg:$0x2]  }
0xd6: {  	s0 =	sadd.s32 @!p0 $0x100000, s0  }
0xd7: {  	[sflag:s0] =	ssyncadd.tile.s32 @!p0 $0x1;
	_ =	shalt  }
.Lfunc_end2:
_tile_overlayer_lowered:
.L_overlay_start_2:
0xd8: {  	(tag) =	ssettag $0x2  }
0xd9: {  	s0 =	rddreg [dreg:$0x0];
	s2 =	stileid.u32  }
0xda: {  	s1 =	rddreg [dreg:$0x1];
	p0 =	sne.s32 s2, $0x0  }
0xdb: {  	s3 =	rddreg [dreg:$0x2];
	[bflag:$0x3] =	sbarrier.arrive $0xFFFF;
	s2 =	simm.s32 @!p0 $0x1C04  }
0xdc: {  	[timem:s3], [sflag:s2] =	dma.local @!p0 [hbm:s0], s1  }
0xdd: {  	s0 =	simm.s32 @!p0 $0x4  }
0xde: {  	_ =	swait.ge @!p0 [sflag:s0], s1  }
0xdf: {  	s1 =	ssub.s32 @!p0 $0x0, s1;
	[sflag:s0] =	ssyncset.done @!p0 $0x0  }
0xe0: {  	[sflag:s0] =	ssyncadd.s32 @!p0 s1  }
0xe1: {  	[bflag:$0x3] =	sbarrier.arrive $0xFFFF  }
0xe2: {  	_ =	shalt  }

// kernel: kernel.9.cloned.1.call-start
scs
__scs_entry_jumppad:
0x0: {  	(pc) =	sbr.rel $0x88, $3  }
0x1: {  	(tag) =	ssettag $0x0;
	lr =	simm.s32 $0x1  }
0x2: {  	[smem:$0x3F96] =	sst lr;
	_ =	strace $0xD0000000  }
0x3: {  	_ = 	snop  }
0x4: {  	_ = 	snop  }
0x5: {  	_ = 	snop  }
0x6: {  	_ = 	snop  }
0x7: {  	_ = 	snop  }
__scs_overlays_trampoline_lowered:
0x8: {  	[smem:$0x3FA5] =	sst s0  }
0x9: {  	[smem:$0x3FA6] =	sst s1  }
0xa: {  	[smem:$0x3FA7] =	sst s2  }
0xb: {  	[smem:$0x3FA8] =	sst s3  }
0xc: {  	[smem:$0x3FA9] =	sst s4  }
0xd: {  	[smem:$0x3FAA] =	sst s5  }
0xe: {  	[smem:$0x3FAB] =	sst s6  }
0xf: {  	[smem:$0x3FAC] =	sst s7  }
0x10: {  	[smem:$0x3FAD] =	sst s8  }
0x11: {  	[smem:$0x3FAE] =	sst s9;
	s0 =	simm.s32 @!p0 $0x0  }
0x12: {  	s1 =	sld [smem:$0x3F94];
	s0 =	simm.s32 @p0 $0x1  }
0x13: {  	[smem:$0x3FAF] =	sst s0;
	s0 =	simm.s32 @!p1 $0x0  }
0x14: {  	s2 =	sld [smem:$0x3F93];
	s0 =	simm.s32 @p1 $0x1  }
0x15: {  	[smem:$0x3FB0] =	sst s0;
	s0 =	simm.s32 @!p2 $0x0  }
0x16: {  	s3 =	sld [smem:$0x3FDB];
	s0 =	simm.s32 @p2 $0x1  }
0x17: {  	s4 =	simm.s32 $0x1BF5;
	[smem:$0x3FB2] =	sst s0  }
0x18: {  	s0 =	sld [smem:$0x3F95];
	_ =	swait.ge [sflag:s4], $0x0  }
0x19: {  	s7 =	sld [smem:$0x3F96]  }
0x1a: {  	s8 =	sadd.s32 $0xFFFFE003, lr  }
0x1b: {  	s9 =	sadd.s32 $0xFFFFFEF7, lr;
	s5 =	simm.s32 $0xFFFFFFFF;
	p2 =	slt.u32 s8, $0xFFFFF086  }
0x1c: {  	p1 =	slt.u32 s9, $0xF7A;
	s5 =	simm.s32 @!p2 $0x0  }
0x1d: {  	s5 =	simm.s32 @p1 $0x1;
	p0 =	seq.s32 s7, s2  }
0x1e: {  	s7 =	smul.u32 @!p0 $0xF7A, s2;
	p2 =	seq.s32 @!p0 s5, $0x0  }
0x1f: {  	s9 =	smul.u32 $0xF7A, s1;
	s8 =	simm.s32 @!p0 $0x1BF5;
	p2 =	por !p2, p0  }
0x20: {  	[sflag:s8] =	ssyncset.s32 @!p0 $0xFFFFF086;
	s6 =	sadd.s32 @!p0 s3, s7;
	s7 =	simm.s32 @!p0 $0x108  }
0x21: {  	s3 =	sadd.s32 s3, s9;
	s6 =	sadd.s32 @!p0 $0x88, s6;
	s7 =	simm.s32 @p2 $0x1082  }
0x22: {  	[simem:s7], [sflag:s8] =	dma.local @!p0 [hbm:s6], $0xF7A  }
0x23: {  	s9 =	sor.u32 $0xD0000000, s2;
	s6 =	simm.s32 $0x108;
	_ =	swait.ge @!p0 [sflag:s8], $0x0  }
0x24: {  	s3 =	sadd.s32 $0x88, s3;
	s6 =	simm.s32 @!p1 $0x1082;
	[sflag:s4] =	ssyncset.s32 $0xFFFFF086  }
0x25: {  	[simem:s6], [sflag:s4] =	dma.local [hbm:s3], $0xF7A  }
0x26: {  	[smem:$0x3F96] =	sst s1;
	(tag) =	ssettag s2;
	_ =	strace s9  }
0x27: {  	s1 =	sld [smem:$0x3FA6]  }
0x28: {  	s2 =	sld [smem:$0x3FA7]  }
0x29: {  	s4 =	sld [smem:$0x3FA9]  }
0x2a: {  	p0 =	seq.s32 s5, $0x0;
	s5 =	sld [smem:$0x3FAA]  }
0x2b: {  	s6 =	sld [smem:$0x3FAB]  }
0x2c: {  	s7 =	sld [smem:$0x3FAC]  }
0x2d: {  	s3 =	simm.s32 $0x108;
	s8 =	sld [smem:$0x3FAD]  }
0x2e: {  	s3 =	simm.s32 @!p0 $0x1082;
	s9 =	sld [smem:$0x3FAE]  }
0x2f: {  	lr =	sadd.s32 s0, s3;
	s0 =	sld [smem:$0x3FA5]  }
0x30: {  	s3 =	sld [smem:$0x3FA8]  }
0x31: {  	[smem:$0x3FB1] =	sst s10  }
0x32: {  	s10 =	sld [smem:$0x3FAF];
	_ =	sdelay $0x3  }
0x33: {  	p0 =	seq.s32 s10, $0x1;
	s10 =	sld [smem:$0x3FB1];
	_ =	sdelay $0x3  }
0x34: {  	[smem:$0x3FB1] =	sst s10  }
0x35: {  	s10 =	sld [smem:$0x3FB0];
	_ =	sdelay $0x3  }
0x36: {  	p1 =	seq.s32 s10, $0x1;
	s10 =	sld [smem:$0x3FB1];
	_ =	sdelay $0x3  }
0x37: {  	[smem:$0x3FB1] =	sst s10  }
0x38: {  	s10 =	sld [smem:$0x3FB2]  }
0x39: {  	_ = 	snop;
	(pc) =	sbr.ind lr, $3  }
0x3a: {  	_ = 	snop  }
0x3b: {  	_ = 	snop  }
0x3c: {  	p2 =	seq.s32 s10, $0x1;
	s10 =	sld [smem:$0x3FB1]  }
0x3d: {  	_ =	shalt  }
0x3e: {  	_ =	shalt  }
0x3f: {  	_ =	shalt  }
0x40: {  	_ =	shalt  }
0x41: {  	_ =	shalt  }
0x42: {  	_ =	shalt  }
0x43: {  	_ =	shalt  }
0x44: {  	_ =	shalt  }
0x45: {  	_ =	shalt  }
0x46: {  	_ =	shalt  }
0x47: {  	_ =	shalt  }
0x48: {  	_ =	shalt  }
0x49: {  	_ =	shalt  }
0x4a: {  	_ =	shalt  }
0x4b: {  	_ =	shalt  }
0x4c: {  	_ =	shalt  }
0x4d: {  	_ =	shalt  }
0x4e: {  	_ =	shalt  }
0x4f: {  	_ =	shalt  }
0x50: {  	_ =	shalt  }
0x51: {  	_ =	shalt  }
0x52: {  	_ =	shalt  }
0x53: {  	_ =	shalt  }
0x54: {  	_ =	shalt  }
0x55: {  	_ =	shalt  }
0x56: {  	_ =	shalt  }
0x57: {  	_ =	shalt  }
0x58: {  	_ =	shalt  }
0x59: {  	_ =	shalt  }
0x5a: {  	_ =	shalt  }
0x5b: {  	_ =	shalt  }
0x5c: {  	_ =	shalt  }
0x5d: {  	_ =	shalt  }
0x5e: {  	_ =	shalt  }
0x5f: {  	_ =	shalt  }
0x60: {  	_ =	shalt  }
0x61: {  	_ =	shalt  }
0x62: {  	_ =	shalt  }
0x63: {  	_ =	shalt  }
0x64: {  	_ =	shalt  }
0x65: {  	_ =	shalt  }
0x66: {  	_ =	shalt  }
0x67: {  	_ =	shalt  }
0x68: {  	_ =	shalt  }
0x69: {  	_ =	shalt  }
0x6a: {  	_ =	shalt  }
0x6b: {  	_ =	shalt  }
0x6c: {  	_ =	shalt  }
0x6d: {  	_ =	shalt  }
0x6e: {  	_ =	shalt  }
0x6f: {  	_ =	shalt  }
0x70: {  	_ =	shalt  }
0x71: {  	_ =	shalt  }
0x72: {  	_ =	shalt  }
0x73: {  	_ =	shalt  }
0x74: {  	_ =	shalt  }
0x75: {  	_ =	shalt  }
0x76: {  	_ =	shalt  }
0x77: {  	_ =	shalt  }
0x78: {  	_ =	shalt  }
0x79: {  	_ =	shalt  }
0x7a: {  	_ =	shalt  }
0x7b: {  	_ =	shalt  }
0x7c: {  	_ =	shalt  }
0x7d: {  	_ =	shalt  }
0x7e: {  	_ =	shalt  }
0x7f: {  	_ =	shalt  }
0x80: {  	_ =	shalt  }
0x81: {  	_ =	shalt  }
0x82: {  	_ =	shalt  }
0x83: {  	_ =	shalt  }
0x84: {  	_ =	shalt  }
0x85: {  	_ =	shalt  }
0x86: {  	_ =	shalt  }
0x87: {  	_ =	shalt  }
.Lfunc_end0:
.L_simem_size_0:
called_computation_lowered:
.L_overlay_start_0:
0x88: {  	s2 =	sld [smem:$0x3FD9]  }
0x89: {  	s3 =	sld [smem:$0x3FFE];
	_ =	sdelay $0x1  }
0x8a: {  	s1 =	srdreg.scid  }
0x8b: {  	s0 =	sand.u32 $0x1, s1  }
0x8c: {  	s17 =	sshll.u32 s0, $0xA;
	s2 =	sadd.s32 s3, s2  }
0x8d: {  	s2 =	sadd.s32 s2, s17  }
0x8e: {  	[smem:$0x3FBD] =	sst s2  }
0x8f: {  	_ = 	snop  }
0x90: {  	s2 =	sld [smem:$0x3FD0];
	(tm) =	ssettm $0x1  }
0x91: {  	s18 =	sld [smem:$0x3FFB];
	_ =	sdelay $0x3  }
0x92: {  	_ =	strace s18  }
0x93: {  	s3 =	sld [smem:$0x3FFC];
	_ =	sdelay $0x3  }
0x94: {  	_ =	strace s3  }
0x95: {  	s3 =	sld [smem:$0x3FFD];
	_ =	sdelay $0x3  }
0x96: {  	_ =	strace s3  }
0x97: {  	_ =	strace $0x8FFFFFFF  }
0x98: {  	s19 =	sld [smem:$0x3FDB];
	_ =	sdelay $0x1  }
0x99: {  	s4 =	simm.s32 $_scs_section_size  }
0x9a: {  	s5 =	simm.s32 $_size__tile_overlayer_lowered;
	s6 =	simm.s32 $_tile_overlayer_lowered  }
0x9b: {  	s22 =	simm.s32 $0x1BFF;
	s21 =	sshll.u32 s6, $0x1;
	s3 =	sadd.s32 s4, s19  }
0x9c: {  	s7 =	simm.s32 $0x0;
	s20 =	sshll.u32 s5, $0x1;
	s5 =	sadd.s32 s21, s3  }
0x9d: {  	[timem:s7], [sflag:s22] =	dma.local [hbm:s5], s20  }
0x9e: {  	_ =	swait.ge [sflag:s22], s20  }
0x9f: {  	s4 =	ssub.s32 $0x0, s20;
	[sflag:s22] =	ssyncset.done $0x0  }
0xa0: {  	[sflag:s22] =	ssyncadd.s32 s4;
	_ =	sdelay $0x1  }
0xa1: {  	s23 =	simm.s32 $0x1B8B  }
0xa2: {  	_ =	swait.ge [sflag:s23], $0x1  }
0xa3: {  	[sflag:s23] =	ssyncset.done $0x0  }
0xa4: {  	s25 =	simm.s32 $0x1B8E;
	s24 =	sld [smem:$0x3FFE];
	[sflag:s23] =	ssyncadd.s32 $0xFFFFFFFF  }
0xa5: {  	s26 =	simm.s32 $execute0_lowered;
	[smem:$0x3FD2] =	sst s25  }
0xa6: {  	s5 =	sshll.u32 s26, $0x1;
	_ =	strace $0x80000046;
	[dreg:$0x1] =	wrdreg $0xFFFFFFFF  }
0xa7: {  	s28 =	simm.s32 $_size_execute0_lowered;
	s3 =	sadd.s32 s3, s5;
	[dreg:$0x0] =	wrdreg $0x0  }
0xa8: {  	s5 =	sshll.u32 s28, $0x1;
	[dreg:$0x2] =	wrdreg s3  }
0xa9: {  	[dreg:$0x3] =	wrdreg s5  }
0xaa: {  	[dreg:$0x4] =	wrdreg $0xC0  }
0xab: {  	_ =	task [dreg:s7], $0x5FFFF  }
0xac: {  	[dreg:$0x1] =	wrdreg $0xFFFFFFFF  }
0xad: {  	[dreg:$0x0] =	wrdreg $0x60  }
0xae: {  	[dreg:$0x2] =	wrdreg s24  }
0xaf: {  	[dreg:$0x3] =	wrdreg s2  }
0xb0: {  	[dreg:$0x4] =	wrdreg $0x6A800  }
0xb1: {  	[dreg:$0x5] =	wrdreg $0x9  }
0xb2: {  	_ =	task.clear_ibuf [dreg:s7], $0x6FFFF;
	_ =	strace $0x90000046  }
0xb3: {  	s29 =	simm.s32 $0x9;
	_ =	strace $0x80000048  }
0xb4: {  	_ =	swait.ge [sflag:s29], $0x1  }
0xb5: {  	[sflag:s29] =	ssyncadd.s32 $0xFFFFFFFF  }
0xb6: {  	_ =	strace $0x90000048  }
0xb7: {  	_ =	sfence  }
0xb8: {  	s30 =	sld [smem:$0x0];
	_ =	sdelay $0x2  }
0xb9: {  	s31 =	sshll.u32 s1, $0xD;
	s1 =	sshrl.u32 s1, $0x2  }
0xba: {  	s3 =	sand.u32 $0x4000, s31;
	s1 =	sadd.s32 s1, s30  }
0xbb: {  	s0 =	sor.u32 s3, s0;
	s1 =	sshll.u32 s1, $0x11  }
0xbc: {  	s0 =	sor.u32 s1, s0  }
0xbd: {  	s0 =	sadd.s32 $0x8F2B, s0  }
0xbe: {  	[sflag:s0] =	ssyncadd.remote.s32 $0x1  }
0xbf: {  	_ =	sfence.sel $0xFFFF  }
0xc0: {  	[dreg:$0x0] =	wrdreg $0xFFFFFFFF;
	(pc) =	sbr.abs _section_cstart, $3  }
0xc1: {  	[dreg:$0x1] =	wrdreg $0xFFFFFFFF  }
0xc2: {  	_ =	task.clear_ibuf [dreg:s7], $0x2FFFF;
	_ =	strace $0x9FFFFFFF  }
0xc3: {  	(tm) =	ssettm $0x7FFFFFFF  }
tec
execute0_lowered:
.L_overlay_start_1:
0x0: {  	(tag) =	ssettag $0x1  }
0x1: {  	s0 =	rddreg [dreg:$0x0]  }
0x2: {  	s2 =	rddreg [dreg:$0x1]  }
0x3: {  	s1 =	rddreg [dreg:$0x2]  }
0x4: {  	s3 =	srdreg.scid;
	s13 =	stileid.u32;
	s19 =	simm.s32 $0x300  }
0x5: {  	s20 =	simm.s32 $0x50;
	s21 =	simm.s32 $0x78;
	s28 =	simm.s32 $0x1AA80  }
0x6: {  	s29 =	simm.s32 $0x2;
	s30 =	simm.s32 $0x400;
	s31 =	simm.s32 $0x480  }
0x7: {  	s7 =	sand.u32 $0x1, s3;
	s3 =	simm.s32 $0x0;
	s9 =	smul.u32 $0x14000, s13  }
0x8: {  	s4 =	sadd.s32 $0x16400, s0;
	s5 =	sadd.s32 $0xC600, s0;
	s10 =	sadd.s32 $0x3D600, s0  }
0x9: {  	s23 =	smul.u32 $0x50000, s13;
	s14 =	sshll.u32 s13, $0x6;
	[smem:$0x7FF] =	sst s3  }
0xa: {  	s25 =	smul.u32 $0x2710, s13;
	_ =	strace $0x80000047;
	[dreg:$0xe] =	wrdreg s10  }
0xb: {  	s6 =	sadd.s32 $0x2800, s0;
	s8 =	smul.u32 $0x140000, s7;
	[dreg:$0xf] =	wrdreg s14  }
0xc: {  	s22 =	sshll.u32 s7, $0x4;
	s24 =	ssub.s32 $0x2, s7;
	[dreg:$0x6] =	wrdreg s19  }
0xd: {  	s7 =	smul.u32 $0x27100, s7;
	s11 =	sshrl.u32 s24, $0x1;
	[dreg:$0x7] =	wrdreg s20  }
0xe: {  	s10 =	sshrl.u32 s23, $0x2;
	s14 =	sor.u32 $0x1C04, s14;
	[dreg:$0x8] =	wrdreg s21  }
0xf: {  	s19 =	simm.s32 $0x1;
	s23 =	simm.s32 $0x228;
	s20 =	simm.s32 $0x200  }
0x10: {  	s21 =	simm.s32 $0x28;
	s8 =	sadd.s32 s9, s8;
	s9 =	sor.u32 s13, s22  }
0x11: {  	s10 =	sadd.s32 s10, s1;
	[dreg:$0x10] =	wrdreg s14;
	s13 =	sshll.u32 s13, $0x7  }
0x12: {  	s7 =	sadd.s32 s25, s7;
	s22 =	simm.s32 $0xA0;
	[dreg:$0xa] =	wrdreg s23  }
0x13: {  	s25 =	simm.s32 $0x278;
	s23 =	simm.s32 $0x1A80;
	s8 =	sshrl.u32 s8, $0x3  }
0x14: {  	s12 =	smul.u32 $0x2710, s9;
	s9 =	sshrl.u32 s9, $0x3;
	s13 =	sand.u32 $0x380, s13  }
0x15: {  	s14 =	sadd.s32 $0xC8, s7;
	[dreg:$0x9] =	wrdreg s22;
	s22 =	simm.s32 $0x680  }
0x16: {  	[dreg:$0xc] =	wrdreg s25;
	s25 =	simm.s32 $0x4280;
	s0 =	sadd.s32 s8, s0  }
0x17: {  	s8 =	ssub.s32 s24, s11;
	s9 =	smul.u32 $0x14000, s9;
	s24 =	simm.s32 $0x250  }
0x18: {  	s12 =	sshrl.u32 s12, $0x3;
	s0 =	sadd.s32 $0x3FE00, s0;
	[dreg:$0xb] =	wrdreg s24  }
0x19: {  	s24 =	simm.s32 $0x2E80;
	s26 =	sadd.s32 s5, s12;
	[dreg:$0x13] =	wrdreg s0  }
0x1a: {  	s9 =	sor.u32 s13, s9;
	s15 =	sadd.s32 s6, s12;
	[dreg:$0x11] =	wrdreg s26  }
0x1b: {  	s0 =	simm.s32 $0x500;
	[dreg:$0x12] =	wrdreg s15;
	s9 =	sshrl.u32 s9, $0x3  }
0x1c: {  	s15 =	sshrl.u32 s14, $0x3;
	s14 =	smax.u32 s8, $0x1;
	s26 =	simm.s32 $0x2A0  }
0x1d: {  	s8 =	sadd.s32 $0x190, s7;
	s16 =	sadd.s32 s2, s9;
	[dreg:$0xd] =	wrdreg s26  }
0x1e: {  	s7 =	simm.s32 $0x3;
	s17 =	sadd.s32 s15, s6;
	[dreg:$0x14] =	wrdreg s16  }
0x1f: {  	s18 =	sadd.s32 s15, s5;
	s26 =	simm.s32 $0x5680;
	[dreg:$0x4] =	wrdreg s17  }
0x20: {  	s2 =	simm.s32 $0x580;
	s9 =	simm.s32 $0x0;
	[dreg:$0x5] =	wrdreg s18  }
0x21: {  	v0 =	vimm.f32 $0.0e+00;
	v1 =	vimm.f32 $1.000000000e+00;
	vm0 =	vcmask $0x3F20;
	s16 =	sshrl.u32 s10, $0x3;
	s17 =	simm.s32 $0x4;
	s18 =	simm.s32 $0x600  }
.LBB2_1:
0x22: {  	s10 =	rddreg [dreg:$0xe]  }
0x23: {  	s11 =	rddreg [dreg:$0x10]  }
0x24: {  	[spmem:s16], [sflag:s11] =	dma.local [hbm:s10], $0x2800  }
0x25: {  	_ =	swait.ge [sflag:s17], $0x2800  }
0x26: {  	[sflag:s17] =	ssyncset.done $0x0  }
0x27: {  	s15 =	simm.s32 $0x0;
	s10 =	simm.s32 $0x40;
	[sflag:s17] =	ssyncadd.s32 $0xFFFFD800  }
.LBB2_2:
0x28: {  	p0 =	sne.s32 s10, $0x9FC0;
	[tilespmem:s15+$0x1AA80] =	vst v0;
	s15 =	smov.u32 s10;
	s10 =	sadd.s32 $0x40, s10  }
.Ltmp0:
0x29: {  	(pc) =	sbr.rel @p0 .LBB2_2-.Ltmp0, $2  }
0x2a: {  	_ =	sdelay $0x2  }
0x2b: {  	s15 =	sshra.s32 s15, $0x2  }
0x2c: {  	[tilespmem:s15+$0x1AA80] =	vst v0  }
0x2d: {  	[bflag:$0x0] =	sbarrier.arrive $0xFFFF  }
0x2e: {  	s10 =	simm.s32 $0x0;
	s11 =	rddreg [dreg:$0x11]  }
0x2f: {  	[tilespmem:s10], [sflag:$0x1] =	stream.linear.gather [hbm4b:s11+s10], $0xC8, $0x38;
	[tilespmem:$0x1D280] =	vst v63  }
0x30: {  	s12 =	simm.s32 $0x100;
	s15 =	rddreg [dreg:$0x12]  }
0x31: {  	[tilespmem:s12], [sflag:$0x1] =	stream.linear.gather [hbm4b:s15+s10], $0xC8, $0x38;
	[tilespmem:$0x1D280] =	vst v63  }
0x32: {  	s15 =	smov.u32 s8  }
.LBB2_4:
0x33: {  	_ =	swait.ge [sflag:s19], $0xC8  }
0x34: {  	[sflag:s19] =	ssyncset.done $0x0  }
0x35: {  	[sflag:s19] =	ssyncadd.s32 $0xFFFFFF38  }
0x36: {  	_ =	swait.ge [sflag:s19], $0xC8  }
0x37: {  	p0 =	seq.s32 s10, $0x0;
	s11 =	rddreg [dreg:$0x5];
	[sflag:s19] =	ssyncset.done $0x0  }
0x38: {  	s12 =	rddreg [dreg:$0x4];
	[sflag:s19] =	ssyncadd.s32 $0xFFFFFF38;
	s11 =	sadd.s32 s10, s11  }
0x39: {  	[tilespmem:s20], [sflag:$0x1] =	stream.linear.gather [hbm4b:s11+s3], $0xC8, $0x38;
	[tilespmem:$0x1D280] =	vst v63  }
0x3a: {  	s13 =	rddreg [dreg:$0x6];
	s12 =	sadd.s32 s10, s12;
	s11 =	simm.s32 @!p0 $0x3  }
0x3b: {  	[tilespmem:s13], [sflag:$0x1] =	stream.linear.gather [hbm4b:s12+s3], $0xC8, $0x38;
	[tilespmem:$0x1D280] =	vst v63  }
0x3c: {  	_ =	swait.ge @!p0 [sflag:s11], $0x1400  }
0x3d: {  	[sflag:s11] =	ssyncset.done @!p0 $0x0  }
0x3e: {  	[sflag:s11] =	ssyncadd.s32 @!p0 $0xFFFFEC00  }
0x3f: {  	_ =	swait.ge @!p0 [sflag:s11], $0x1400  }
0x40: {  	[sflag:s11] =	ssyncset.done @!p0 $0x0  }
0x41: {  	[sflag:s11] =	ssyncadd.s32 @!p0 $0xFFFFEC00  }
0x42: {  	_ =	swait.ge @!p0 [sflag:s11], $0x1400  }
0x43: {  	[sflag:s11] =	ssyncset.done @!p0 $0x0  }
0x44: {  	[sflag:s11] =	ssyncadd.s32 @!p0 $0xFFFFEC00  }
0x45: {  	_ =	swait.ge @!p0 [sflag:s11], $0x1400  }
0x46: {  	[sflag:s11] =	ssyncset.done @!p0 $0x0  }
0x47: {  	[sflag:s11] =	ssyncadd.s32 @!p0 $0xFFFFEC00  }
0x48: {  	_ =	swait.ge @!p0 [sflag:s11], $0x1400  }
0x49: {  	[sflag:s11] =	ssyncset.done @!p0 $0x0  }
0x4a: {  	[sflag:s11] =	ssyncadd.s32 @!p0 $0xFFFFEC00  }
0x4b: {  	v2 =	vld [tilespmem:$0x100]  }
0x4c: {  	v3 =	vld [tilespmem:$0x110]  }
0x4d: {  	v5 =	vld [tilespmem:$0x128]  }
0x4e: {  	v6 =	vld [tilespmem:$0x138]  }
0x4f: {  	v49 =	vld [tilespmem:$0x160]  }
0x50: {  	v51 =	vld [tilespmem:$0x178];
	[tilespmem:$0x400] =	vst v2  }
0x51: {  	v52 =	vld [tilespmem:$0x1A0];
	[tilespmem:$0x410] =	vst v3  }
0x52: {  	v53 =	vld [tilespmem:$0x1B0];
	[tilespmem:$0x480] =	vst v5  }
0x53: {  	v2 =	vld [tilespmem:$0x140];
	[tilespmem:$0x490] =	vst v6  }
0x54: {  	v3 =	vld [tilespmem:$0x150];
	[tilespmem:$0x510] =	vst v49  }
0x55: {  	v4 =	vld [tilespmem:$0x118];
	[tilespmem:$0x580] =	vst v51  }
0x56: {  	v50 =	vld [tilespmem:$0x168];
	[tilespmem:$0x600] =	vst v52  }
0x57: {  	v54 =	vld [tilespmem:$0x1B8];
	[tilespmem:$0x610] =	vst v53  }
0x58: {  	[tilespmem:$0x498] =	vst v2;
	v2 =	vld [tilespmem:$0x188]  }
0x59: {  	[tilespmem:$0x500] =	vst v3;
	v3 =	vld [tilespmem:$0x190]  }
0x5a: {  	[tilespmem:$0x418] =	vst v4  }
0x5b: {  	[tilespmem:$0x518] =	vst v50  }
0x5c: {  	[tilespmem:$0x618] =	vst v54  }
0x5d: {  	[tilespmem:$0x590] =	vst v2  }
0x5e: {  	[tilespmem:$0x598] =	vst v3  }
0x5f: {  	[tilespmem:s22], [sflag:$0x2] =	stream.indirect.gather [hbm4b:s4+s21], $0x80, s3, s21, $0xb8;
	[tilespmem:$0x1D280] =	vst v63  }
0x60: {  	_ = 	snop  }
0x61: {  	[tilespmem:s23], [sflag:$0x2] =	stream.indirect.gather [hbm4b:s4+s21], $0x80, s21, s21, $0xb8;
	[tilespmem:$0x1D280] =	vst v63  }
0x62: {  	s13 =	rddreg [dreg:$0x7]  }
0x63: {  	[tilespmem:s24], [sflag:$0x2] =	stream.indirect.gather [hbm4b:s4+s21], $0x80, s13, s21, $0xb8;
	[tilespmem:$0x1D280] =	vst v63  }
0x64: {  	s12 =	rddreg [dreg:$0x8]  }
0x65: {  	[tilespmem:s25], [sflag:$0x2] =	stream.indirect.gather [hbm4b:s4+s21], $0x80, s12, s21, $0xb8;
	[tilespmem:$0x1D280] =	vst v63  }
0x66: {  	s13 =	rddreg [dreg:$0x9]  }
0x67: {  	[tilespmem:s26], [sflag:$0x2] =	stream.indirect.gather [hbm4b:s4+s21], $0x80, s13, s21, $0xb8;
	[tilespmem:$0x1D280] =	vst v63  }
0x68: {  	v2 =	vld [tilespmem:$0x100];
	_ =	sdelay $0x7  }
0x69: {  	[tilespmem:v2+s28+$0x0] =	vst.idx.add.f32.msk $0xffff, v1  }
0x6a: {  	v2 =	vld [tilespmem:$0x110];
	_ =	sdelay $0x7  }
0x6b: {  	[tilespmem:v2+s28+$0x0] =	vst.idx.add.f32.msk $0xffff, v1  }
0x6c: {  	v2 =	vld [tilespmem:$0x118];
	_ =	sdelay $0x7  }
0x6d: {  	[tilespmem:v2+s28+$0x0] =	vst.idx.add.f32.msk vm0, v1  }
0x6e: {  	v2 =	vld [tilespmem:$0x128];
	_ =	sdelay $0x7  }
0x6f: {  	[tilespmem:v2+s28+$0x0] =	vst.idx.add.f32.msk $0xffff, v1  }
0x70: {  	v2 =	vld [tilespmem:$0x138];
	_ =	sdelay $0x7  }
0x71: {  	[tilespmem:v2+s28+$0x0] =	vst.idx.add.f32.msk $0xffff, v1  }
0x72: {  	v2 =	vld [tilespmem:$0x140];
	_ =	sdelay $0x7  }
0x73: {  	[tilespmem:v2+s28+$0x0] =	vst.idx.add.f32.msk vm0, v1  }
0x74: {  	v2 =	vld [tilespmem:$0x150];
	_ =	sdelay $0x7  }
0x75: {  	[tilespmem:v2+s28+$0x0] =	vst.idx.add.f32.msk $0xffff, v1  }
0x76: {  	v2 =	vld [tilespmem:$0x160];
	_ =	sdelay $0x7  }
0x77: {  	[tilespmem:v2+s28+$0x0] =	vst.idx.add.f32.msk $0xffff, v1  }
0x78: {  	v2 =	vld [tilespmem:$0x168];
	_ =	sdelay $0x7  }
0x79: {  	[tilespmem:v2+s28+$0x0] =	vst.idx.add.f32.msk vm0, v1  }
0x7a: {  	v2 =	vld [tilespmem:$0x178];
	_ =	sdelay $0x7  }
0x7b: {  	[tilespmem:v2+s28+$0x0] =	vst.idx.add.f32.msk $0xffff, v1  }
0x7c: {  	v2 =	vld [tilespmem:$0x188];
	_ =	sdelay $0x7  }
0x7d: {  	[tilespmem:v2+s28+$0x0] =	vst.idx.add.f32.msk $0xffff, v1  }
0x7e: {  	v2 =	vld [tilespmem:$0x190];
	_ =	sdelay $0x7  }
0x7f: {  	[tilespmem:v2+s28+$0x0] =	vst.idx.add.f32.msk vm0, v1  }
0x80: {  	v2 =	vld [tilespmem:$0x1A0];
	_ =	sdelay $0x7  }
0x81: {  	[tilespmem:v2+s28+$0x0] =	vst.idx.add.f32.msk $0xffff, v1  }
0x82: {  	v2 =	vld [tilespmem:$0x1B0];
	_ =	sdelay $0x7  }
0x83: {  	[tilespmem:v2+s28+$0x0] =	vst.idx.add.f32.msk $0xffff, v1  }
0x84: {  	v2 =	vld [tilespmem:$0x1B8];
	_ =	sdelay $0x7  }
0x85: {  	[tilespmem:v2+s28+$0x0] =	vst.idx.add.f32.msk vm0, v1  }
0x86: {  	_ =	swait.ge [sflag:s29], $0x1400  }
0x87: {  	[sflag:s29] =	ssyncset.done $0x0  }
0x88: {  	[sflag:s29] =	ssyncadd.s32 $0xFFFFEC00  }
0x89: {  	[spmem:s1] =	stream.indirect.scatter.add.f32 [tilespmem:s22], [sflag:$0x3], $0x80, s30, s21, $0xb8;
	[tilespmem:$0x1D280] =	vst v63  }
0x8a: {  	_ =	swait.ge [sflag:s29], $0x1400  }
0x8b: {  	[sflag:s29] =	ssyncset.done $0x0  }
0x8c: {  	[sflag:s29] =	ssyncadd.s32 $0xFFFFEC00  }
0x8d: {  	[spmem:s1] =	stream.indirect.scatter.add.f32 [tilespmem:s23], [sflag:$0x3], $0x80, s31, s21, $0xb8;
	[tilespmem:$0x1D280] =	vst v63  }
0x8e: {  	_ =	swait.ge [sflag:s29], $0x1400  }
0x8f: {  	[sflag:s29] =	ssyncset.done $0x0  }
0x90: {  	[sflag:s29] =	ssyncadd.s32 $0xFFFFEC00  }
0x91: {  	[spmem:s1] =	stream.indirect.scatter.add.f32 [tilespmem:s24], [sflag:$0x3], $0x80, s0, s21, $0xb8;
	[tilespmem:$0x1D280] =	vst v63  }
0x92: {  	_ =	swait.ge [sflag:s29], $0x1400  }
0x93: {  	[sflag:s29] =	ssyncset.done $0x0  }
0x94: {  	[sflag:s29] =	ssyncadd.s32 $0xFFFFEC00  }
0x95: {  	[spmem:s1] =	stream.indirect.scatter.add.f32 [tilespmem:s25], [sflag:$0x3], $0x80, s2, s21, $0xb8;
	[tilespmem:$0x1D280] =	vst v63  }
0x96: {  	_ =	swait.ge [sflag:s29], $0x1400  }
0x97: {  	[sflag:s29] =	ssyncset.done $0x0  }
0x98: {  	[sflag:s29] =	ssyncadd.s32 $0xFFFFEC00  }
0x99: {  	[spmem:s1] =	stream.indirect.scatter.add.f32 [tilespmem:s26], [sflag:$0x3], $0x80, s18, s21, $0xb8;
	[tilespmem:$0x1D280] =	vst v63  }
0x9a: {  	_ =	swait.ge [sflag:s19], $0xC8  }
0x9b: {  	[sflag:s19] =	ssyncset.done $0x0  }
0x9c: {  	[sflag:s19] =	ssyncadd.s32 $0xFFFFFF38  }
0x9d: {  	p0 =	seq.s32 s10, $0x4B0;
	_ =	swait.ge [sflag:s19], $0xC8  }
0x9e: {  	s11 =	sshrl.u32 @!p0 s15, $0x3;
	[sflag:s19] =	ssyncset.done $0x0  }
0x9f: {  	s12 =	sadd.s32 @!p0 s5, s11;
	s13 =	simm.s32 @!p0 $0x0;
	[sflag:s19] =	ssyncadd.s32 $0xFFFFFF38  }
0xa0: {  	[tilespmem:s13], [sflag:$0x1] =	stream.linear.gather @!p0 [hbm4b:s12+s13], $0xC8, $0x38;
	[tilespmem:$0x1D280] =	vst v63  }
0xa1: {  	s11 =	sadd.s32 @!p0 s6, s11;
	s12 =	simm.s32 @!p0 $0x100  }
0xa2: {  	[tilespmem:s12], [sflag:$0x1] =	stream.linear.gather @!p0 [hbm4b:s11+s13], $0xC8, $0x38;
	[tilespmem:$0x1D280] =	vst v63  }
0xa3: {  	_ =	swait.ge [sflag:s7], $0x1400  }
0xa4: {  	[sflag:s7] =	ssyncset.done $0x0  }
0xa5: {  	[sflag:s7] =	ssyncadd.s32 $0xFFFFEC00  }
0xa6: {  	_ =	swait.ge [sflag:s7], $0x1400  }
0xa7: {  	[sflag:s7] =	ssyncset.done $0x0  }
0xa8: {  	[sflag:s7] =	ssyncadd.s32 $0xFFFFEC00  }
0xa9: {  	_ =	swait.ge [sflag:s7], $0x1400  }
0xaa: {  	[sflag:s7] =	ssyncset.done $0x0  }
0xab: {  	[sflag:s7] =	ssyncadd.s32 $0xFFFFEC00  }
0xac: {  	_ =	swait.ge [sflag:s7], $0x1400  }
0xad: {  	[sflag:s7] =	ssyncset.done $0x0  }
0xae: {  	[sflag:s7] =	ssyncadd.s32 $0xFFFFEC00  }
0xaf: {  	_ =	swait.ge [sflag:s7], $0x1400  }
0xb0: {  	[sflag:s7] =	ssyncset.done $0x0  }
0xb1: {  	[sflag:s7] =	ssyncadd.s32 $0xFFFFEC00  }
0xb2: {  	v2 =	vld [tilespmem:$0x300]  }
0xb3: {  	v3 =	vld [tilespmem:$0x310]  }
0xb4: {  	v56 =	vld [tilespmem:$0x328]  }
0xb5: {  	v57 =	vld [tilespmem:$0x338]  }
0xb6: {  	v58 =	vld [tilespmem:$0x360]  }
0xb7: {  	v60 =	vld [tilespmem:$0x378];
	[tilespmem:$0x400] =	vst v2  }
0xb8: {  	v61 =	vld [tilespmem:$0x3A0];
	[tilespmem:$0x410] =	vst v3  }
0xb9: {  	v62 =	vld [tilespmem:$0x3B0];
	[tilespmem:$0x480] =	vst v56  }
0xba: {  	v2 =	vld [tilespmem:$0x340];
	[tilespmem:$0x490] =	vst v57  }
0xbb: {  	v3 =	vld [tilespmem:$0x350];
	[tilespmem:$0x510] =	vst v58  }
0xbc: {  	v55 =	vld [tilespmem:$0x318];
	[tilespmem:$0x580] =	vst v60  }
0xbd: {  	v59 =	vld [tilespmem:$0x368];
	[tilespmem:$0x600] =	vst v61  }
0xbe: {  	v63 =	vld [tilespmem:$0x3B8];
	[tilespmem:$0x610] =	vst v62  }
0xbf: {  	[tilespmem:$0x498] =	vst v2;
	v2 =	vld [tilespmem:$0x388]  }
0xc0: {  	[tilespmem:$0x500] =	vst v3;
	v3 =	vld [tilespmem:$0x390]  }
0xc1: {  	[tilespmem:$0x418] =	vst v55  }
0xc2: {  	[tilespmem:$0x518] =	vst v59  }
0xc3: {  	[tilespmem:$0x618] =	vst v63  }
0xc4: {  	[tilespmem:$0x590] =	vst v2  }
0xc5: {  	[tilespmem:$0x598] =	vst v3  }
0xc6: {  	[tilespmem:s22], [sflag:$0x2] =	stream.indirect.gather [hbm4b:s4+s21], $0x80, s20, s21, $0xb8;
	[tilespmem:$0x1D280] =	vst v63  }
0xc7: {  	s12 =	rddreg [dreg:$0xa]  }
0xc8: {  	[tilespmem:s23], [sflag:$0x2] =	stream.indirect.gather [hbm4b:s4+s21], $0x80, s12, s21, $0xb8;
	[tilespmem:$0x1D280] =	vst v63  }
0xc9: {  	s13 =	rddreg [dreg:$0xb]  }
0xca: {  	[tilespmem:s24], [sflag:$0x2] =	stream.indirect.gather [hbm4b:s4+s21], $0x80, s13, s21, $0xb8;
	[tilespmem:$0x1D280] =	vst v63  }
0xcb: {  	s11 =	rddreg [dreg:$0xc]  }
0xcc: {  	[tilespmem:s25], [sflag:$0x2] =	stream.indirect.gather [hbm4b:s4+s21], $0x80, s11, s21, $0xb8;
	[tilespmem:$0x1D280] =	vst v63  }
0xcd: {  	s13 =	rddreg [dreg:$0xd]  }
0xce: {  	[tilespmem:s26], [sflag:$0x2] =	stream.indirect.gather [hbm4b:s4+s21], $0x80, s13, s21, $0xb8;
	[tilespmem:$0x1D280] =	vst v63  }
0xcf: {  	v2 =	vld [tilespmem:$0x300];
	_ =	sdelay $0x7  }
0xd0: {  	[tilespmem:v2+s28+$0x0] =	vst.idx.add.f32.msk $0xffff, v1  }
0xd1: {  	v2 =	vld [tilespmem:$0x310];
	_ =	sdelay $0x7  }
0xd2: {  	[tilespmem:v2+s28+$0x0] =	vst.idx.add.f32.msk $0xffff, v1  }
0xd3: {  	v2 =	vld [tilespmem:$0x318];
	_ =	sdelay $0x7  }
0xd4: {  	[tilespmem:v2+s28+$0x0] =	vst.idx.add.f32.msk vm0, v1  }
0xd5: {  	v2 =	vld [tilespmem:$0x328];
	_ =	sdelay $0x7  }
0xd6: {  	[tilespmem:v2+s28+$0x0] =	vst.idx.add.f32.msk $0xffff, v1  }
0xd7: {  	v2 =	vld [tilespmem:$0x338];
	_ =	sdelay $0x7  }
0xd8: {  	[tilespmem:v2+s28+$0x0] =	vst.idx.add.f32.msk $0xffff, v1  }
0xd9: {  	v2 =	vld [tilespmem:$0x340];
	_ =	sdelay $0x7  }
0xda: {  	[tilespmem:v2+s28+$0x0] =	vst.idx.add.f32.msk vm0, v1  }
0xdb: {  	v2 =	vld [tilespmem:$0x350];
	_ =	sdelay $0x7  }
0xdc: {  	[tilespmem:v2+s28+$0x0] =	vst.idx.add.f32.msk $0xffff, v1  }
0xdd: {  	v2 =	vld [tilespmem:$0x360];
	_ =	sdelay $0x7  }
0xde: {  	[tilespmem:v2+s28+$0x0] =	vst.idx.add.f32.msk $0xffff, v1  }
0xdf: {  	v2 =	vld [tilespmem:$0x368];
	_ =	sdelay $0x7  }
0xe0: {  	[tilespmem:v2+s28+$0x0] =	vst.idx.add.f32.msk vm0, v1  }
0xe1: {  	v2 =	vld [tilespmem:$0x378];
	_ =	sdelay $0x7  }
0xe2: {  	[tilespmem:v2+s28+$0x0] =	vst.idx.add.f32.msk $0xffff, v1  }
0xe3: {  	v2 =	vld [tilespmem:$0x388];
	_ =	sdelay $0x7  }
0xe4: {  	[tilespmem:v2+s28+$0x0] =	vst.idx.add.f32.msk $0xffff, v1  }
0xe5: {  	v2 =	vld [tilespmem:$0x390];
	_ =	sdelay $0x7  }
0xe6: {  	[tilespmem:v2+s28+$0x0] =	vst.idx.add.f32.msk vm0, v1  }
0xe7: {  	v2 =	vld [tilespmem:$0x3A0];
	_ =	sdelay $0x7  }
0xe8: {  	[tilespmem:v2+s28+$0x0] =	vst.idx.add.f32.msk $0xffff, v1  }
0xe9: {  	v2 =	vld [tilespmem:$0x3B0];
	_ =	sdelay $0x7  }
0xea: {  	[tilespmem:v2+s28+$0x0] =	vst.idx.add.f32.msk $0xffff, v1  }
0xeb: {  	v2 =	vld [tilespmem:$0x3B8];
	_ =	sdelay $0x7  }
0xec: {  	[tilespmem:v2+s28+$0x0] =	vst.idx.add.f32.msk vm0, v1  }
0xed: {  	_ =	swait.ge [sflag:s29], $0x1400  }
0xee: {  	[sflag:s29] =	ssyncset.done $0x0  }
0xef: {  	[sflag:s29] =	ssyncadd.s32 $0xFFFFEC00  }
0xf0: {  	[spmem:s1] =	stream.indirect.scatter.add.f32 [tilespmem:s22], [sflag:$0x3], $0x80, s30, s21, $0xb8;
	[tilespmem:$0x1D280] =	vst v63  }
0xf1: {  	_ =	swait.ge [sflag:s29], $0x1400  }
0xf2: {  	[sflag:s29] =	ssyncset.done $0x0  }
0xf3: {  	[sflag:s29] =	ssyncadd.s32 $0xFFFFEC00  }
0xf4: {  	[spmem:s1] =	stream.indirect.scatter.add.f32 [tilespmem:s23], [sflag:$0x3], $0x80, s31, s21, $0xb8;
	[tilespmem:$0x1D280] =	vst v63  }
0xf5: {  	_ =	swait.ge [sflag:s29], $0x1400  }
0xf6: {  	[sflag:s29] =	ssyncset.done $0x0  }
0xf7: {  	[sflag:s29] =	ssyncadd.s32 $0xFFFFEC00  }
0xf8: {  	[spmem:s1] =	stream.indirect.scatter.add.f32 [tilespmem:s24], [sflag:$0x3], $0x80, s0, s21, $0xb8;
	[tilespmem:$0x1D280] =	vst v63  }
0xf9: {  	_ =	swait.ge [sflag:s29], $0x1400  }
0xfa: {  	s10 =	sadd.s32 $0x32, s10;
	[sflag:s29] =	ssyncset.done $0x0  }
0xfb: {  	p0 =	sne.s32 s10, $0x4E2;
	[sflag:s29] =	ssyncadd.s32 $0xFFFFEC00  }
0xfc: {  	[spmem:s1] =	stream.indirect.scatter.add.f32 [tilespmem:s25], [sflag:$0x3], $0x80, s2, s21, $0xb8;
	[tilespmem:$0x1D280] =	vst v63  }
.Ltmp1:
0xfd: {  	_ = 	snop;
	(pc) =	sbr.rel @p0 .LBB2_4-.Ltmp1, $4  }
0xfe: {  	_ =	swait.ge [sflag:s29], $0x1400  }
0xff: {  	[sflag:s29] =	ssyncset.done $0x0  }
0x100: {  	s15 =	sadd.s32 $0x190, s15;
	[sflag:s29] =	ssyncadd.s32 $0xFFFFEC00  }
0x101: {  	[spmem:s1] =	stream.indirect.scatter.add.f32 [tilespmem:s26], [sflag:$0x3], $0x80, s18, s21, $0xb8;
	[tilespmem:$0x1D280] =	vst v63  }
0x102: {  	_ =	swait.ge [sflag:s7], $0x1400  }
0x103: {  	[sflag:s7] =	ssyncset.done $0x0  }
0x104: {  	[sflag:s7] =	ssyncadd.s32 $0xFFFFEC00  }
0x105: {  	_ =	swait.ge [sflag:s7], $0x1400  }
0x106: {  	[sflag:s7] =	ssyncset.done $0x0  }
0x107: {  	[sflag:s7] =	ssyncadd.s32 $0xFFFFEC00  }
0x108: {  	_ =	swait.ge [sflag:s7], $0x1400  }
0x109: {  	[sflag:s7] =	ssyncset.done $0x0  }
0x10a: {  	[sflag:s7] =	ssyncadd.s32 $0xFFFFEC00  }
0x10b: {  	_ =	swait.ge [sflag:s7], $0x1400  }
0x10c: {  	[sflag:s7] =	ssyncset.done $0x0  }
0x10d: {  	[sflag:s7] =	ssyncadd.s32 $0xFFFFEC00  }
0x10e: {  	_ =	swait.ge [sflag:s7], $0x1400  }
0x10f: {  	[sflag:s7] =	ssyncset.done $0x0  }
0x110: {  	[sflag:s7] =	ssyncadd.s32 $0xFFFFEC00  }
0x111: {  	[bflag:$0x0] =	sbarrier.arrive $0xFFFF  }
0x112: {  	s10 =	rddreg [dreg:$0xf]  }
0x113: {  	s11 =	rddreg [dreg:$0x13];
	s10 =	sor.u32 $0x1C03, s10  }
0x114: {  	[hbm:s11], [sflag:s10] =	dma.local [spmem:s16], $0x2800  }
0x115: {  	s9 =	sadd.s32 $0x1, s9;
	_ =	swait.ge [sflag:s7], $0x2800  }
0x116: {  	s15 =	simm.s32 $0x80;
	p0 =	sne.s32 s9, s14;
	[sflag:s7] =	ssyncset.done $0x0  }
.Ltmp2:
0x117: {  	s13 =	rddreg [dreg:$0x14];
	[sflag:s7] =	ssyncadd.s32 $0xFFFFD800;
	(pc) =	sbr.rel @p0 .LBB2_1-.Ltmp2, $4  }
0x118: {  	[hbm4b:s13+s15] =	stream.strided.scatter [tilespmem:s28], [sflag:$0x4], $0x2800, s30, s15, $0x38;
	[tilespmem:$0x1D280] =	vst v63  }
0x119: {  	_ =	swait.ge [sflag:s17], $0x2800  }
0x11a: {  	[sflag:s17] =	ssyncset.done $0x0  }
0x11b: {  	[sflag:s17] =	ssyncadd.s32 $0xFFFFD800  }
0x11c: {  	_ =	sfence.sel $0x180000  }
0x11d: {  	[bflag:$0x0] =	sbarrier.arrive $0xFFFF  }
0x11e: {  	_ =	strace $0x90000047  }
0x11f: {  	s0 =	stileid.u32;
	[bflag:$0x2] =	sbarrier.arrive $0xFFFF  }
0x120: {  	p0 =	sne.s32 s0, $0x0;
	s0 =	rddreg [dreg:$0x3]  }
0x121: {  	s0 =	sadd.s32 @!p0 $0x100000, s0  }
0x122: {  	[sflag:s0] =	ssyncadd.tile.s32 @!p0 $0x1;
	_ =	shalt  }
.Lfunc_end2:
_tile_overlayer_lowered:
.L_overlay_start_2:
0x123: {  	(tag) =	ssettag $0x2  }
0x124: {  	s0 =	rddreg [dreg:$0x0];
	s2 =	stileid.u32  }
0x125: {  	s1 =	rddreg [dreg:$0x1];
	p0 =	sne.s32 s2, $0x0  }
0x126: {  	s3 =	rddreg [dreg:$0x2];
	[bflag:$0x3] =	sbarrier.arrive $0xFFFF;
	s2 =	simm.s32 @!p0 $0x1C04  }
0x127: {  	[timem:s3], [sflag:s2] =	dma.local @!p0 [hbm:s0], s1  }
0x128: {  	s0 =	simm.s32 @!p0 $0x4  }
0x129: {  	_ =	swait.ge @!p0 [sflag:s0], s1  }
0x12a: {  	s1 =	ssub.s32 @!p0 $0x0, s1;
	[sflag:s0] =	ssyncset.done @!p0 $0x0  }
0x12b: {  	[sflag:s0] =	ssyncadd.s32 @!p0 s1  }
0x12c: {  	[bflag:$0x3] =	sbarrier.arrive $0xFFFF  }
0x12d: {  	_ =	shalt  }

</sc_bundles>
